<compile_context>
chip_gen: v7x
topology: tpu7x:2x2x1
jax: 0.10.2.dev20260603
libtpu: 0.0.44.dev20260713+nightly
codegen_flags: <defaults>
</compile_context>

<pallas_src>
import functools

import jax
import jax.numpy as jnp
from jax import lax
from jax.experimental import pallas as pl
from jax.experimental.pallas import tpu as pltpu
from jax.experimental.pallas import tpu_sc as plsc

N = 10000
D = 128
H = D // 2
E = 320000
NC = 2
NS = 16
K = 125
NCH = E // (NS * K)
NCHH = NCH // NC
NBUF = 5
HFD = 8
NP = 10240
RPS = NP // NS


def _sc_mesh():
    return plsc.VectorSubcoreMesh(core_axis_name="c", subcore_axis_name="s")


def _hist_body(dst_hbm, out_hbm, dst_v, ones_v, deg_sp, sem):
    c = lax.axis_index("c")
    s = lax.axis_index("s")
    rows = pl.ds(s * RPS, RPS)
    pltpu.sync_copy(dst_hbm.at[s, pl.ds(c * NCHH, NCHH)], dst_v)

    @pl.loop(0, K)
    def _(i):
        ones_v[i] = jnp.zeros((16,), jnp.float32)

    @pl.loop(0, RPS - K, step=K)
    def _(r):
        pltpu.sync_copy(ones_v, deg_sp.at[pl.ds(s * RPS + r, K)])
    pltpu.sync_copy(ones_v.at[pl.ds(0, RPS - (RPS // K) * K)],
                    deg_sp.at[pl.ds(s * RPS + (RPS // K) * K,
                                    RPS - (RPS // K) * K)])

    @pl.loop(0, K)
    def _(i):
        ones_v[i] = jnp.full((16,), 1.0, jnp.float32)

    plsc.subcore_barrier()

    @pl.loop(0, NCHH, step=HFD)
    def _(j):
        for i in range(HFD):
            pltpu.async_copy(ones_v, deg_sp.at[dst_v.at[j + i]], sem,
                             add=True)
        for i in range(HFD):
            pltpu.make_async_copy(ones_v, deg_sp.at[dst_v.at[j + i]],
                                  sem).wait()

    plsc.subcore_barrier()
    pltpu.sync_copy(deg_sp.at[rows], out_hbm.at[c].at[rows])


@functools.cache
def _hist():
    return pl.kernel(
        _hist_body,
        mesh=_sc_mesh(),
        compiler_params=pltpu.CompilerParams(use_tc_tiling_on_sc=False),
        out_type=jax.ShapeDtypeStruct((NC, NP, 16), jnp.float32),
        scratch_types=[
            pltpu.VMEM((NCHH, K), jnp.int32),
            pltpu.VMEM((K, 16), jnp.float32),
            pltpu.VMEM_SHARED((NP, 16), jnp.float32),
            pltpu.SemaphoreType.DMA,
        ],
    )


def _agg_body(y_hbm, src_hbm, dst_hbm, out_hbm, src_v, dst_v, *rest):
    bufs = rest[:NBUF]
    acc_sp = rest[NBUF]
    gsems = rest[NBUF + 1:2 * NBUF + 1]
    ssems = rest[2 * NBUF + 1:3 * NBUF + 1]
    c = lax.axis_index("c")
    s = lax.axis_index("s")
    rows = pl.ds(s * RPS, RPS)
    pltpu.sync_copy(src_hbm.at[s], src_v)
    pltpu.sync_copy(dst_hbm.at[s], dst_v)

    zb = rest[0]

    @pl.loop(0, K)
    def _(i):
        for q in range(H // 16):
            zb[i, pl.ds(16 * q, 16)] = jnp.zeros((16,), jnp.float32)

    @pl.loop(0, RPS - K, step=K)
    def _(r):
        pltpu.sync_copy(zb, acc_sp.at[pl.ds(s * RPS + r, K)])
    pltpu.sync_copy(zb.at[pl.ds(0, RPS - (RPS // K) * K)],
                    acc_sp.at[pl.ds(s * RPS + (RPS // K) * K,
                                    RPS - (RPS // K) * K)])
    plsc.subcore_barrier()

    my_y = y_hbm.at[c]

    def gat_start(j, i):
        pltpu.async_copy(my_y.at[src_v.at[j]], bufs[i], gsems[i])

    def gat_wait(j, i):
        pltpu.make_async_copy(my_y.at[src_v.at[j]], bufs[i], gsems[i]).wait()

    def scat_start(j, i):
        pltpu.async_copy(bufs[i], acc_sp.at[dst_v.at[j]], ssems[i],
                         add=True)

    def scat_wait(j, i):
        pltpu.make_async_copy(bufs[i], acc_sp.at[dst_v.at[j]],
                              ssems[i]).wait()

    for i in range(NBUF):
        gat_start(i, i)

    @pl.loop(0, NCH - NBUF, step=NBUF)
    def _(j):
        for i in range(NBUF):
            gat_wait(j + i, i)
            scat_start(j + i, i)
        for i in range(NBUF):
            scat_wait(j + i, i)
            gat_start(j + NBUF + i, i)

    for i in range(NBUF):
        gat_wait(NCH - NBUF + i, i)
        scat_start(NCH - NBUF + i, i)
    for i in range(NBUF):
        scat_wait(NCH - NBUF + i, i)

    plsc.subcore_barrier()
    pltpu.sync_copy(acc_sp.at[rows], out_hbm.at[c].at[rows])


@functools.cache
def _agg():
    return pl.kernel(
        _agg_body,
        mesh=_sc_mesh(),
        compiler_params=pltpu.CompilerParams(use_tc_tiling_on_sc=False),
        out_type=jax.ShapeDtypeStruct((NC, NP, H), jnp.float32),
        scratch_types=(
            [pltpu.VMEM((NCH, K), jnp.int32),
             pltpu.VMEM((NCH, K), jnp.int32)]
            + [pltpu.VMEM((K, H), jnp.float32) for _ in range(NBUF)]
            + [pltpu.VMEM_SHARED((NP, H), jnp.float32)]
            + [pltpu.SemaphoreType.DMA for _ in range(2 * NBUF)]
        ),
    )


R = 2000
G = N // R

_F32 = jnp.float32
_HI = lax.Precision.HIGHEST


def _mm1_body(x_ref, w_ref, xw_ref):
    xw_ref[...] = jnp.dot(x_ref[...], w_ref[...],
                          preferred_element_type=_F32, precision=_HI)


def _mm1(x, w):
    return pl.pallas_call(
        _mm1_body,
        grid=(G,),
        in_specs=[
            pl.BlockSpec((R, D), lambda i: (i, 0)),
            pl.BlockSpec((D, D), lambda i: (0, 0)),
        ],
        out_specs=pl.BlockSpec((R, D), lambda i: (i, 0)),
        out_shape=jax.ShapeDtypeStruct((N, D), _F32),
    )(x, w)


def _scale1_body(hist_ref, xw_ref, y_ref, dis_ref):
    deg = hist_ref[0, :, 0:1] + hist_ref[1, :, 0:1] + 1.0
    dis = lax.rsqrt(deg)
    dis_ref[...] = dis
    y = xw_ref[...] * dis
    y_ref[0] = y[:, 0:H]
    y_ref[1] = y[:, H:D]


def _scale1(hist, xw):
    return pl.pallas_call(
        _scale1_body,
        grid=(G,),
        in_specs=[
            pl.BlockSpec((NC, R, 16), lambda i: (0, i, 0)),
            pl.BlockSpec((R, D), lambda i: (i, 0)),
        ],
        out_specs=[
            pl.BlockSpec((NC, R, H), lambda i: (0, i, 0)),
            pl.BlockSpec((R, 1), lambda i: (i, 0)),
        ],
        out_shape=[
            jax.ShapeDtypeStruct((NC, N, H), _F32),
            jax.ShapeDtypeStruct((N, 1), _F32),
        ],
    )(hist, xw)


def _comb1_body(agg_ref, y_ref, dis_ref, b_ref, w_ref, o_ref):
    dis = dis_ref[...]
    h0 = jnp.maximum((agg_ref[0] + y_ref[0]) * dis + b_ref[:, 0:H], 0.0)
    h1 = jnp.maximum((agg_ref[1] + y_ref[1]) * dis + b_ref[:, H:D], 0.0)
    hw = (jnp.dot(h0, w_ref[0:H, :], preferred_element_type=_F32,
                  precision=_HI)
          + jnp.dot(h1, w_ref[H:D, :], preferred_element_type=_F32,
                    precision=_HI))
    y2 = hw * dis
    o_ref[0] = y2[:, 0:H]
    o_ref[1] = y2[:, H:D]


def _comb1(agg, y, dis, b, w):
    return pl.pallas_call(
        _comb1_body,
        grid=(G,),
        in_specs=[
            pl.BlockSpec((NC, R, H), lambda i: (0, i, 0)),
            pl.BlockSpec((NC, R, H), lambda i: (0, i, 0)),
            pl.BlockSpec((R, 1), lambda i: (i, 0)),
            pl.BlockSpec((1, D), lambda i: (0, 0)),
            pl.BlockSpec((D, D), lambda i: (0, 0)),
        ],
        out_specs=pl.BlockSpec((NC, R, H), lambda i: (0, i, 0)),
        out_shape=jax.ShapeDtypeStruct((NC, N, H), _F32),
    )(agg, y, dis, b, w)


def _comb2_body(agg_ref, y_ref, dis_ref, b_ref, o_ref):
    dis = dis_ref[...]
    o_ref[:, 0:H] = (agg_ref[0] + y_ref[0]) * dis + b_ref[:, 0:H]
    o_ref[:, H:D] = (agg_ref[1] + y_ref[1]) * dis + b_ref[:, H:D]


def _comb2(agg, y, dis, b):
    return pl.pallas_call(
        _comb2_body,
        grid=(G,),
        in_specs=[
            pl.BlockSpec((NC, R, H), lambda i: (0, i, 0)),
            pl.BlockSpec((NC, R, H), lambda i: (0, i, 0)),
            pl.BlockSpec((R, 1), lambda i: (i, 0)),
            pl.BlockSpec((1, D), lambda i: (0, 0)),
        ],
        out_specs=pl.BlockSpec((R, D), lambda i: (i, 0)),
        out_shape=jax.ShapeDtypeStruct((N, D), _F32),
    )(agg, y, dis, b)


def kernel(x, edge_index, W1, b1, W2, b2):
    src = edge_index[0].astype(jnp.int32).reshape(NS, NCH, K)
    dst = edge_index[1].astype(jnp.int32).reshape(NS, NCH, K)
    hist = _hist()(dst)
    xw1 = _mm1(x, W1)
    y1, dis = _scale1(hist, xw1)
    agg1 = _agg()(y1, src, dst)
    y2 = _comb1(agg1, y1, dis, b1.reshape(1, D), W2)
    agg2 = _agg()(y2, src, dst)
    return _comb2(agg2, y2, dis, b2.reshape(1, D))

# --- scband reference (transcript-rebuilt; emitter-appended) ---
"""Pipeline reference for scband-gcn-73272142070248 (READ-ONLY COPY).

The authoritative reference and input builder live on the scoring server;
editing this copy changes nothing except your own understanding.
"""

import jax, jax.numpy as jnp
import numpy as np

N = 10000
E = 320000
D_IN = 128
D_HID = 128
D_OUT = 128


def gcn_conv(x, edge_index, W, b):
    n = x.shape[0]
    src = edge_index[0]
    dst = edge_index[1]
    # add self loops (PyG GCNConv default)
    loop = jnp.arange(n, dtype=src.dtype)
    src = jnp.concatenate([src, loop])
    dst = jnp.concatenate([dst, loop])
    # symmetric normalization: deg from dst (col) with unit edge weights
    deg = jnp.zeros((n,), dtype=x.dtype).at[dst].add(1.0)
    deg_inv_sqrt = jnp.where(deg > 0, jax.lax.rsqrt(deg), 0.0)
    norm = deg_inv_sqrt[src] * deg_inv_sqrt[dst]
    # linear transform then gather-scale-scatter
    xw = x @ W
    msgs = xw[src] * norm[:, None]
    out = jnp.zeros((n, W.shape[1]), dtype=x.dtype).at[dst].add(msgs)
    return out + b


def setup_inputs(seed: int = 0):
    key = jax.random.key(seed)
    k1, k2, k3, k4, k5, k6 = jax.random.split(key, 6)
    x = jax.random.normal(k1, (N, D_IN), dtype=jnp.float32)
    edge_index = jax.random.randint(k2, (2, E), 0, N)
    W1 = jax.random.normal(k3, (D_IN, D_HID), dtype=jnp.float32) * (1.0 / np.sqrt(D_IN))
    b1 = jnp.zeros((D_HID,), dtype=jnp.float32)
    W2 = jax.random.normal(k4, (D_HID, D_OUT), dtype=jnp.float32) * (1.0 / np.sqrt(D_HID))
    b2 = jnp.zeros((D_OUT,), dtype=jnp.float32)
    return {"x": x, "edge_index": edge_index, "W1": W1, "b1": b1, "W2": W2, "b2": b2}


def reference(x, edge_index, W1, b1, W2, b2):
    h = gcn_conv(x, edge_index, W1, b1)
    h = jax.nn.relu(h)
    # dropout p=0.5 is identity in eval mode (training=False)
    out = gcn_conv(h, edge_index, W2, b2)
    return out

if __name__ == "__main__":
    import jax
    _d = setup_inputs()
    print(jax.jit(kernel)(*tuple(_d.values())))

</pallas_src>

<mosaic_0001>
#map = affine_map<(d0, d1) -> (0, 0, 0)>
module attributes {stable_mosaic.version = 14 : i64} {
  func.func @_agg_body(%arg0: i32, %arg1: i32, %arg2: memref<2x10000x64xf32, #tpu.memory_space<hbm>>, %arg3: memref<16x160x125xi32, #tpu.memory_space<hbm>>, %arg4: memref<16x160x125xi32, #tpu.memory_space<hbm>>, %arg5: memref<2x10240x64xf32, #tpu.memory_space<hbm>>, %arg6: memref<160x125xi32, #tpu.memory_space<vmem>>, %arg7: memref<160x125xi32, #tpu.memory_space<vmem>>, %arg8: memref<125x64xf32, #tpu.memory_space<vmem>>, %arg9: memref<125x64xf32, #tpu.memory_space<vmem>>, %arg10: memref<125x64xf32, #tpu.memory_space<vmem>>, %arg11: memref<125x64xf32, #tpu.memory_space<vmem>>, %arg12: memref<125x64xf32, #tpu.memory_space<vmem>>, %arg13: memref<10240x64xf32, #tpu.memory_space<vmem_shared>>, %arg14: memref<!tpu.dma_semaphore, #tpu.memory_space<semaphore_mem>>, %arg15: memref<!tpu.dma_semaphore, #tpu.memory_space<semaphore_mem>>, %arg16: memref<!tpu.dma_semaphore, #tpu.memory_space<semaphore_mem>>, %arg17: memref<!tpu.dma_semaphore, #tpu.memory_space<semaphore_mem>>, %arg18: memref<!tpu.dma_semaphore, #tpu.memory_space<semaphore_mem>>, %arg19: memref<!tpu.dma_semaphore, #tpu.memory_space<semaphore_mem>>, %arg20: memref<!tpu.dma_semaphore, #tpu.memory_space<semaphore_mem>>, %arg21: memref<!tpu.dma_semaphore, #tpu.memory_space<semaphore_mem>>, %arg22: memref<!tpu.dma_semaphore, #tpu.memory_space<semaphore_mem>>, %arg23: memref<!tpu.dma_semaphore, #tpu.memory_space<semaphore_mem>>) attributes {dimension_semantics = [#tpu.dimension_semantics<core_parallel>, #tpu.dimension_semantics<subcore_parallel>], iteration_bounds = array<i64: 2, 16>, scalar_prefetch = 0 : i64, scratch_operands = 18 : i64, tpu.core_type = #tpu.core_type<sc_vector_subcore>, window_params = [{transform_indices = #map}, {transform_indices = #map}, {transform_indices = #map}, {transform_indices = #map}]} {
    %mul3A = arith.constant 640 : i32
    %mul3A_0 = arith.muli %arg1, %mul3A : i32
    "tpu.region"() ({
      %run_scoped3A = tpu.sem_alloc : memref<!tpu.dma_semaphore, #tpu.memory_space<semaphore_mem>>
      %dma_start3A_197 = arith.constant 0 : i32
      %dma_start3A_198 = arith.constant 0 : i32
      %dma_start3A_199 = tpu.memref_slice %arg3[%arg1, %dma_start3A_197, %dma_start3A_198] : memref<16x160x125xi32, #tpu.memory_space<hbm>> -> memref<1x160x125xi32, #tpu.memory_space<hbm>>
      %dma_start3A_200 = tpu.memref_squeeze %dma_start3A_199 : memref<1x160x125xi32, #tpu.memory_space<hbm>> -> memref<160x125xi32, #tpu.memory_space<hbm>>
      %dma_start3A_201 = arith.constant 0 : i32
      %dma_start3A_202 = arith.constant 0 : i32
      %dma_start3A_203 = tpu.memref_slice %arg3[%arg1, %dma_start3A_201, %dma_start3A_202] : memref<16x160x125xi32, #tpu.memory_space<hbm>> -> memref<1x160x125xi32, #tpu.memory_space<hbm>>
      %dma_start3A_204 = tpu.memref_squeeze %dma_start3A_203 : memref<1x160x125xi32, #tpu.memory_space<hbm>> -> memref<160x125xi32, #tpu.memory_space<hbm>>
      tpu.enqueue_dma source(%dma_start3A_204 : memref<160x125xi32, #tpu.memory_space<hbm>>) target(%arg6 : memref<160x125xi32, #tpu.memory_space<vmem>>) target_semaphore(%run_scoped3A : memref<!tpu.dma_semaphore, #tpu.memory_space<semaphore_mem>>)
      %dma_wait3A_205 = arith.constant 0 : i32
      %dma_wait3A_206 = arith.constant 0 : i32
      %dma_wait3A_207 = tpu.memref_slice %arg3[%arg1, %dma_wait3A_205, %dma_wait3A_206] : memref<16x160x125xi32, #tpu.memory_space<hbm>> -> memref<1x160x125xi32, #tpu.memory_space<hbm>>
      %dma_wait3A_208 = tpu.memref_squeeze %dma_wait3A_207 : memref<1x160x125xi32, #tpu.memory_space<hbm>> -> memref<160x125xi32, #tpu.memory_space<hbm>>
      %dma_wait3A_209 = arith.constant 0 : i32
      %dma_wait3A_210 = arith.constant 0 : i32
      %dma_wait3A_211 = tpu.memref_slice %arg3[%arg1, %dma_wait3A_209, %dma_wait3A_210] : memref<16x160x125xi32, #tpu.memory_space<hbm>> -> memref<1x160x125xi32, #tpu.memory_space<hbm>>
      %dma_wait3A_212 = tpu.memref_squeeze %dma_wait3A_211 : memref<1x160x125xi32, #tpu.memory_space<hbm>> -> memref<160x125xi32, #tpu.memory_space<hbm>>
      tpu.wait_dma2 semaphore(%run_scoped3A : memref<!tpu.dma_semaphore, #tpu.memory_space<semaphore_mem>>) src(%dma_wait3A_212 : memref<160x125xi32, #tpu.memory_space<hbm>>) dst(%arg6 : memref<160x125xi32, #tpu.memory_space<vmem>>)
      tpu.yield
    }) : () -> ()
    "tpu.region"() ({
      %run_scoped3A = tpu.sem_alloc : memref<!tpu.dma_semaphore, #tpu.memory_space<semaphore_mem>>
      %dma_start3A_197 = arith.constant 0 : i32
      %dma_start3A_198 = arith.constant 0 : i32
      %dma_start3A_199 = tpu.memref_slice %arg4[%arg1, %dma_start3A_197, %dma_start3A_198] : memref<16x160x125xi32, #tpu.memory_space<hbm>> -> memref<1x160x125xi32, #tpu.memory_space<hbm>>
      %dma_start3A_200 = tpu.memref_squeeze %dma_start3A_199 : memref<1x160x125xi32, #tpu.memory_space<hbm>> -> memref<160x125xi32, #tpu.memory_space<hbm>>
      %dma_start3A_201 = arith.constant 0 : i32
      %dma_start3A_202 = arith.constant 0 : i32
      %dma_start3A_203 = tpu.memref_slice %arg4[%arg1, %dma_start3A_201, %dma_start3A_202] : memref<16x160x125xi32, #tpu.memory_space<hbm>> -> memref<1x160x125xi32, #tpu.memory_space<hbm>>
      %dma_start3A_204 = tpu.memref_squeeze %dma_start3A_203 : memref<1x160x125xi32, #tpu.memory_space<hbm>> -> memref<160x125xi32, #tpu.memory_space<hbm>>
      tpu.enqueue_dma source(%dma_start3A_204 : memref<160x125xi32, #tpu.memory_space<hbm>>) target(%arg7 : memref<160x125xi32, #tpu.memory_space<vmem>>) target_semaphore(%run_scoped3A : memref<!tpu.dma_semaphore, #tpu.memory_space<semaphore_mem>>)
      %dma_wait3A_205 = arith.constant 0 : i32
      %dma_wait3A_206 = arith.constant 0 : i32
      %dma_wait3A_207 = tpu.memref_slice %arg4[%arg1, %dma_wait3A_205, %dma_wait3A_206] : memref<16x160x125xi32, #tpu.memory_space<hbm>> -> memref<1x160x125xi32, #tpu.memory_space<hbm>>
      %dma_wait3A_208 = tpu.memref_squeeze %dma_wait3A_207 : memref<1x160x125xi32, #tpu.memory_space<hbm>> -> memref<160x125xi32, #tpu.memory_space<hbm>>
      %dma_wait3A_209 = arith.constant 0 : i32
      %dma_wait3A_210 = arith.constant 0 : i32
      %dma_wait3A_211 = tpu.memref_slice %arg4[%arg1, %dma_wait3A_209, %dma_wait3A_210] : memref<16x160x125xi32, #tpu.memory_space<hbm>> -> memref<1x160x125xi32, #tpu.memory_space<hbm>>
      %dma_wait3A_212 = tpu.memref_squeeze %dma_wait3A_211 : memref<1x160x125xi32, #tpu.memory_space<hbm>> -> memref<160x125xi32, #tpu.memory_space<hbm>>
      tpu.wait_dma2 semaphore(%run_scoped3A : memref<!tpu.dma_semaphore, #tpu.memory_space<semaphore_mem>>) src(%dma_wait3A_212 : memref<160x125xi32, #tpu.memory_space<hbm>>) dst(%arg7 : memref<160x125xi32, #tpu.memory_space<vmem>>)
      tpu.yield
    }) : () -> ()
    %scan3A = arith.constant 0 : i32
    %scan3A_1 = arith.constant 125 : i32
    %scan3A_2 = arith.addi %scan3A, %scan3A_1 : i32
    %scan3A_3 = arith.constant 1 : i32
    scf.for %scan3A_197 = %scan3A to %scan3A_2 step %scan3A_3  : i32 {
      %mul3A_198 = arith.constant 1 : i32
      %mul3A_199 = arith.muli %scan3A_197, %mul3A_198 : i32
      %add3A_200 = arith.constant 0 : i32
      %add3A_201 = arith.addi %add3A_200, %mul3A_199 : i32
      %broadcast_in_dim3A = arith.constant 0.000000e+00 : f32
      %broadcast_in_dim3A_202 = vector.broadcast %broadcast_in_dim3A : f32 to vector<16xf32>
      %swap3A = arith.index_cast %add3A_201 : i32 to index
      %swap3A_203 = arith.constant 0 : index
      %swap3A_204 = tpu.vector_load %arg8[%swap3A, %swap3A_203] {strides = array<i32>} : memref<125x64xf32, #tpu.memory_space<vmem>>, vector<1x16xf32>,
      %swap3A_205 = vector.shape_cast %swap3A_204 : vector<1x16xf32> to vector<16xf32>
      %swap3A_206 = vector.shape_cast %broadcast_in_dim3A_202 : vector<16xf32> to vector<1x16xf32>
      tpu.vector_store %arg8[%swap3A, %swap3A_203], %swap3A_206 {strides = array<i32>} : memref<125x64xf32, #tpu.memory_space<vmem>>, vector<1x16xf32>,
      %broadcast_in_dim3A_207 = arith.constant 0.000000e+00 : f32
      %broadcast_in_dim3A_208 = vector.broadcast %broadcast_in_dim3A_207 : f32 to vector<16xf32>
      %swap3A_209 = arith.index_cast %add3A_201 : i32 to index
      %swap3A_210 = arith.constant 16 : index
      %swap3A_211 = tpu.vector_load %arg8[%swap3A_209, %swap3A_210] {strides = array<i32>} : memref<125x64xf32, #tpu.memory_space<vmem>>, vector<1x16xf32>,
      %swap3A_212 = vector.shape_cast %swap3A_211 : vector<1x16xf32> to vector<16xf32>
      %swap3A_213 = vector.shape_cast %broadcast_in_dim3A_208 : vector<16xf32> to vector<1x16xf32>
      tpu.vector_store %arg8[%swap3A_209, %swap3A_210], %swap3A_213 {strides = array<i32>} : memref<125x64xf32, #tpu.memory_space<vmem>>, vector<1x16xf32>,
      %broadcast_in_dim3A_214 = arith.constant 0.000000e+00 : f32
      %broadcast_in_dim3A_215 = vector.broadcast %broadcast_in_dim3A_214 : f32 to vector<16xf32>
      %swap3A_216 = arith.index_cast %add3A_201 : i32 to index
      %swap3A_217 = arith.constant 32 : index
      %swap3A_218 = tpu.vector_load %arg8[%swap3A_216, %swap3A_217] {strides = array<i32>} : memref<125x64xf32, #tpu.memory_space<vmem>>, vector<1x16xf32>,
      %swap3A_219 = vector.shape_cast %swap3A_218 : vector<1x16xf32> to vector<16xf32>
      %swap3A_220 = vector.shape_cast %broadcast_in_dim3A_215 : vector<16xf32> to vector<1x16xf32>
      tpu.vector_store %arg8[%swap3A_216, %swap3A_217], %swap3A_220 {strides = array<i32>} : memref<125x64xf32, #tpu.memory_space<vmem>>, vector<1x16xf32>,
      %broadcast_in_dim3A_221 = arith.constant 0.000000e+00 : f32
      %broadcast_in_dim3A_222 = vector.broadcast %broadcast_in_dim3A_221 : f32 to vector<16xf32>
      %swap3A_223 = arith.index_cast %add3A_201 : i32 to index
      %swap3A_224 = arith.constant 48 : index
      %swap3A_225 = tpu.vector_load %arg8[%swap3A_223, %swap3A_224] {strides = array<i32>} : memref<125x64xf32, #tpu.memory_space<vmem>>, vector<1x16xf32>,
      %swap3A_226 = vector.shape_cast %swap3A_225 : vector<1x16xf32> to vector<16xf32>
      %swap3A_227 = vector.shape_cast %broadcast_in_dim3A_222 : vector<16xf32> to vector<1x16xf32>
      tpu.vector_store %arg8[%swap3A_223, %swap3A_224], %swap3A_227 {strides = array<i32>} : memref<125x64xf32, #tpu.memory_space<vmem>>, vector<1x16xf32>,
    }
    %scan3A_4 = arith.constant 125 : i32
    %scan3A_5 = arith.constant 0 : i32
    %scan3A_6 = arith.constant 5 : i32
    %scan3A_7 = arith.addi %scan3A_5, %scan3A_6 : i32
    %scan3A_8 = arith.constant 1 : i32
    scf.for %scan3A_197 = %scan3A_5 to %scan3A_7 step %scan3A_8  : i32 {
      %mul3A_198 = arith.constant 125 : i32
      %mul3A_199 = arith.muli %scan3A_197, %mul3A_198 : i32
      %add3A_200 = arith.constant 0 : i32
      %add3A_201 = arith.addi %add3A_200, %mul3A_199 : i32
      %mul3A_202 = arith.constant 640 : i32
      %mul3A_203 = arith.muli %arg1, %mul3A_202 : i32
      %add3A_204 = arith.addi %mul3A_203, %add3A_201 : i32
      "tpu.region"() ({
        %run_scoped3A = tpu.sem_alloc : memref<!tpu.dma_semaphore, #tpu.memory_space<semaphore_mem>>
        %dma_start3A_205 = arith.constant 0 : i32
        %dma_start3A_206 = tpu.memref_slice %arg13[%add3A_204, %dma_start3A_205] : memref<10240x64xf32, #tpu.memory_space<vmem_shared>> -> memref<125x64xf32, #tpu.memory_space<vmem_shared>>
        %dma_start3A_207 = arith.constant 0 : i32
        %dma_start3A_208 = tpu.memref_slice %arg13[%add3A_204, %dma_start3A_207] : memref<10240x64xf32, #tpu.memory_space<vmem_shared>> -> memref<125x64xf32, #tpu.memory_space<vmem_shared>>
        tpu.enqueue_dma source(%arg8 : memref<125x64xf32, #tpu.memory_space<vmem>>) target(%dma_start3A_208 : memref<125x64xf32, #tpu.memory_space<vmem_shared>>) target_semaphore(%run_scoped3A : memref<!tpu.dma_semaphore, #tpu.memory_space<semaphore_mem>>)
        %dma_wait3A_209 = arith.constant 0 : i32
        %dma_wait3A_210 = tpu.memref_slice %arg13[%add3A_204, %dma_wait3A_209] : memref<10240x64xf32, #tpu.memory_space<vmem_shared>> -> memref<125x64xf32, #tpu.memory_space<vmem_shared>>
        %dma_wait3A_211 = arith.constant 0 : i32
        %dma_wait3A_212 = tpu.memref_slice %arg13[%add3A_204, %dma_wait3A_211] : memref<10240x64xf32, #tpu.memory_space<vmem_shared>> -> memref<125x64xf32, #tpu.memory_space<vmem_shared>>
        tpu.wait_dma2 semaphore(%run_scoped3A : memref<!tpu.dma_semaphore, #tpu.memory_space<semaphore_mem>>) src(%arg8 : memref<125x64xf32, #tpu.memory_space<vmem>>) dst(%dma_wait3A_212 : memref<125x64xf32, #tpu.memory_space<vmem_shared>>)
        tpu.yield
      }) : () -> ()
    }
    %scan3A_9 = arith.constant 5 : i32
    %mul3A_10 = arith.constant 640 : i32
    %mul3A_11 = arith.muli %arg1, %mul3A_10 : i32
    %add3A = arith.constant 625 : i32
    %add3A_12 = arith.addi %mul3A_11, %add3A : i32
    "tpu.region"() ({
      %run_scoped3A = tpu.sem_alloc : memref<!tpu.dma_semaphore, #tpu.memory_space<semaphore_mem>>
      %dma_start3A_197 = arith.constant 0 : i32
      %dma_start3A_198 = arith.constant 0 : i32
      %dma_start3A_199 = tpu.memref_slice %arg8[%dma_start3A_197, %dma_start3A_198] : memref<125x64xf32, #tpu.memory_space<vmem>> -> memref<15x64xf32, #tpu.memory_space<vmem>>
      %dma_start3A_200 = arith.constant 0 : i32
      %dma_start3A_201 = tpu.memref_slice %arg13[%add3A_12, %dma_start3A_200] : memref<10240x64xf32, #tpu.memory_space<vmem_shared>> -> memref<15x64xf32, #tpu.memory_space<vmem_shared>>
      %dma_start3A_202 = arith.constant 0 : i32
      %dma_start3A_203 = tpu.memref_slice %arg13[%add3A_12, %dma_start3A_202] : memref<10240x64xf32, #tpu.memory_space<vmem_shared>> -> memref<15x64xf32, #tpu.memory_space<vmem_shared>>
      %dma_start3A_204 = arith.constant 0 : i32
      %dma_start3A_205 = arith.constant 0 : i32
      %dma_start3A_206 = tpu.memref_slice %arg8[%dma_start3A_204, %dma_start3A_205] : memref<125x64xf32, #tpu.memory_space<vmem>> -> memref<15x64xf32, #tpu.memory_space<vmem>>
      tpu.enqueue_dma source(%dma_start3A_206 : memref<15x64xf32, #tpu.memory_space<vmem>>) target(%dma_start3A_203 : memref<15x64xf32, #tpu.memory_space<vmem_shared>>) target_semaphore(%run_scoped3A : memref<!tpu.dma_semaphore, #tpu.memory_space<semaphore_mem>>)
      %dma_wait3A_207 = arith.constant 0 : i32
      %dma_wait3A_208 = arith.constant 0 : i32
      %dma_wait3A_209 = tpu.memref_slice %arg8[%dma_wait3A_207, %dma_wait3A_208] : memref<125x64xf32, #tpu.memory_space<vmem>> -> memref<15x64xf32, #tpu.memory_space<vmem>>
      %dma_wait3A_210 = arith.constant 0 : i32
      %dma_wait3A_211 = tpu.memref_slice %arg13[%add3A_12, %dma_wait3A_210] : memref<10240x64xf32, #tpu.memory_space<vmem_shared>> -> memref<15x64xf32, #tpu.memory_space<vmem_shared>>
      %dma_wait3A_212 = arith.constant 0 : i32
      %dma_wait3A_213 = tpu.memref_slice %arg13[%add3A_12, %dma_wait3A_212] : memref<10240x64xf32, #tpu.memory_space<vmem_shared>> -> memref<15x64xf32, #tpu.memory_space<vmem_shared>>
      %dma_wait3A_214 = arith.constant 0 : i32
      %dma_wait3A_215 = arith.constant 0 : i32
      %dma_wait3A_216 = tpu.memref_slice %arg8[%dma_wait3A_214, %dma_wait3A_215] : memref<125x64xf32, #tpu.memory_space<vmem>> -> memref<15x64xf32, #tpu.memory_space<vmem>>
      tpu.wait_dma2 semaphore(%run_scoped3A : memref<!tpu.dma_semaphore, #tpu.memory_space<semaphore_mem>>) src(%dma_wait3A_216 : memref<15x64xf32, #tpu.memory_space<vmem>>) dst(%dma_wait3A_213 : memref<15x64xf32, #tpu.memory_space<vmem_shared>>)
      tpu.yield
    }) : () -> ()
    %barrier3A = arith.constant 0 : index
    tpu.barrier barrier_id(%barrier3A)
    %dma_start3A = arith.constant 0 : i32
    %dma_start3A_13 = arith.constant 0 : i32
    %dma_start3A_14 = tpu.memref_slice %arg6[%dma_start3A, %dma_start3A_13] : memref<160x125xi32, #tpu.memory_space<vmem>> -> memref<1x125xi32, #tpu.memory_space<vmem>>
    %dma_start3A_15 = tpu.memref_squeeze %dma_start3A_14 : memref<1x125xi32, #tpu.memory_space<vmem>> -> memref<125xi32, #tpu.memory_space<vmem>>
    %dma_start3A_16 = arith.constant 0 : i32
    %dma_start3A_17 = arith.constant 0 : i32
    %dma_start3A_18 = tpu.memref_slice %arg2[%arg0, %dma_start3A_16, %dma_start3A_17] : memref<2x10000x64xf32, #tpu.memory_space<hbm>> -> memref<1x10000x64xf32, #tpu.memory_space<hbm>>
    %dma_start3A_19 = tpu.memref_squeeze %dma_start3A_18 : memref<1x10000x64xf32, #tpu.memory_space<hbm>> -> memref<10000x64xf32, #tpu.memory_space<hbm>>
    %dma_start3A_20 = arith.constant 0 : i32
    %dma_start3A_21 = arith.constant 0 : i32
    %dma_start3A_22 = tpu.memref_slice %dma_start3A_19[%dma_start3A_20, %dma_start3A_21] : memref<10000x64xf32, #tpu.memory_space<hbm>> -> memref<10000x64xf32, #tpu.memory_space<hbm>>
    tpu.enqueue_indirect_dma source(%dma_start3A_22 : memref<10000x64xf32, #tpu.memory_space<hbm>>) target(%arg8 : memref<125x64xf32, #tpu.memory_space<vmem>>) offsets(%dma_start3A_15 : memref<125xi32, #tpu.memory_space<vmem>>) semaphore(%arg14 : memref<!tpu.dma_semaphore, #tpu.memory_space<semaphore_mem>>)
    %dma_start3A_23 = arith.constant 1 : i32
    %dma_start3A_24 = arith.constant 0 : i32
    %dma_start3A_25 = tpu.memref_slice %arg6[%dma_start3A_23, %dma_start3A_24] : memref<160x125xi32, #tpu.memory_space<vmem>> -> memref<1x125xi32, #tpu.memory_space<vmem>>
    %dma_start3A_26 = tpu.memref_squeeze %dma_start3A_25 : memref<1x125xi32, #tpu.memory_space<vmem>> -> memref<125xi32, #tpu.memory_space<vmem>>
    %dma_start3A_27 = arith.constant 0 : i32
    %dma_start3A_28 = arith.constant 0 : i32
    %dma_start3A_29 = tpu.memref_slice %arg2[%arg0, %dma_start3A_27, %dma_start3A_28] : memref<2x10000x64xf32, #tpu.memory_space<hbm>> -> memref<1x10000x64xf32, #tpu.memory_space<hbm>>
    %dma_start3A_30 = tpu.memref_squeeze %dma_start3A_29 : memref<1x10000x64xf32, #tpu.memory_space<hbm>> -> memref<10000x64xf32, #tpu.memory_space<hbm>>
    %dma_start3A_31 = arith.constant 0 : i32
    %dma_start3A_32 = arith.constant 0 : i32
    %dma_start3A_33 = tpu.memref_slice %dma_start3A_30[%dma_start3A_31, %dma_start3A_32] : memref<10000x64xf32, #tpu.memory_space<hbm>> -> memref<10000x64xf32, #tpu.memory_space<hbm>>
    tpu.enqueue_indirect_dma source(%dma_start3A_33 : memref<10000x64xf32, #tpu.memory_space<hbm>>) target(%arg9 : memref<125x64xf32, #tpu.memory_space<vmem>>) offsets(%dma_start3A_26 : memref<125xi32, #tpu.memory_space<vmem>>) semaphore(%arg15 : memref<!tpu.dma_semaphore, #tpu.memory_space<semaphore_mem>>)
    %dma_start3A_34 = arith.constant 2 : i32
    %dma_start3A_35 = arith.constant 0 : i32
    %dma_start3A_36 = tpu.memref_slice %arg6[%dma_start3A_34, %dma_start3A_35] : memref<160x125xi32, #tpu.memory_space<vmem>> -> memref<1x125xi32, #tpu.memory_space<vmem>>
    %dma_start3A_37 = tpu.memref_squeeze %dma_start3A_36 : memref<1x125xi32, #tpu.memory_space<vmem>> -> memref<125xi32, #tpu.memory_space<vmem>>
    %dma_start3A_38 = arith.constant 0 : i32
    %dma_start3A_39 = arith.constant 0 : i32
    %dma_start3A_40 = tpu.memref_slice %arg2[%arg0, %dma_start3A_38, %dma_start3A_39] : memref<2x10000x64xf32, #tpu.memory_space<hbm>> -> memref<1x10000x64xf32, #tpu.memory_space<hbm>>
    %dma_start3A_41 = tpu.memref_squeeze %dma_start3A_40 : memref<1x10000x64xf32, #tpu.memory_space<hbm>> -> memref<10000x64xf32, #tpu.memory_space<hbm>>
    %dma_start3A_42 = arith.constant 0 : i32
    %dma_start3A_43 = arith.constant 0 : i32
    %dma_start3A_44 = tpu.memref_slice %dma_start3A_41[%dma_start3A_42, %dma_start3A_43] : memref<10000x64xf32, #tpu.memory_space<hbm>> -> memref<10000x64xf32, #tpu.memory_space<hbm>>
    tpu.enqueue_indirect_dma source(%dma_start3A_44 : memref<10000x64xf32, #tpu.memory_space<hbm>>) target(%arg10 : memref<125x64xf32, #tpu.memory_space<vmem>>) offsets(%dma_start3A_37 : memref<125xi32, #tpu.memory_space<vmem>>) semaphore(%arg16 : memref<!tpu.dma_semaphore, #tpu.memory_space<semaphore_mem>>)
    %dma_start3A_45 = arith.constant 3 : i32
    %dma_start3A_46 = arith.constant 0 : i32
    %dma_start3A_47 = tpu.memref_slice %arg6[%dma_start3A_45, %dma_start3A_46] : memref<160x125xi32, #tpu.memory_space<vmem>> -> memref<1x125xi32, #tpu.memory_space<vmem>>
    %dma_start3A_48 = tpu.memref_squeeze %dma_start3A_47 : memref<1x125xi32, #tpu.memory_space<vmem>> -> memref<125xi32, #tpu.memory_space<vmem>>
    %dma_start3A_49 = arith.constant 0 : i32
    %dma_start3A_50 = arith.constant 0 : i32
    %dma_start3A_51 = tpu.memref_slice %arg2[%arg0, %dma_start3A_49, %dma_start3A_50] : memref<2x10000x64xf32, #tpu.memory_space<hbm>> -> memref<1x10000x64xf32, #tpu.memory_space<hbm>>
    %dma_start3A_52 = tpu.memref_squeeze %dma_start3A_51 : memref<1x10000x64xf32, #tpu.memory_space<hbm>> -> memref<10000x64xf32, #tpu.memory_space<hbm>>
    %dma_start3A_53 = arith.constant 0 : i32
    %dma_start3A_54 = arith.constant 0 : i32
    %dma_start3A_55 = tpu.memref_slice %dma_start3A_52[%dma_start3A_53, %dma_start3A_54] : memref<10000x64xf32, #tpu.memory_space<hbm>> -> memref<10000x64xf32, #tpu.memory_space<hbm>>
    tpu.enqueue_indirect_dma source(%dma_start3A_55 : memref<10000x64xf32, #tpu.memory_space<hbm>>) target(%arg11 : memref<125x64xf32, #tpu.memory_space<vmem>>) offsets(%dma_start3A_48 : memref<125xi32, #tpu.memory_space<vmem>>) semaphore(%arg17 : memref<!tpu.dma_semaphore, #tpu.memory_space<semaphore_mem>>)
    %dma_start3A_56 = arith.constant 4 : i32
    %dma_start3A_57 = arith.constant 0 : i32
    %dma_start3A_58 = tpu.memref_slice %arg6[%dma_start3A_56, %dma_start3A_57] : memref<160x125xi32, #tpu.memory_space<vmem>> -> memref<1x125xi32, #tpu.memory_space<vmem>>
    %dma_start3A_59 = tpu.memref_squeeze %dma_start3A_58 : memref<1x125xi32, #tpu.memory_space<vmem>> -> memref<125xi32, #tpu.memory_space<vmem>>
    %dma_start3A_60 = arith.constant 0 : i32
    %dma_start3A_61 = arith.constant 0 : i32
    %dma_start3A_62 = tpu.memref_slice %arg2[%arg0, %dma_start3A_60, %dma_start3A_61] : memref<2x10000x64xf32, #tpu.memory_space<hbm>> -> memref<1x10000x64xf32, #tpu.memory_space<hbm>>
    %dma_start3A_63 = tpu.memref_squeeze %dma_start3A_62 : memref<1x10000x64xf32, #tpu.memory_space<hbm>> -> memref<10000x64xf32, #tpu.memory_space<hbm>>
    %dma_start3A_64 = arith.constant 0 : i32
    %dma_start3A_65 = arith.constant 0 : i32
    %dma_start3A_66 = tpu.memref_slice %dma_start3A_63[%dma_start3A_64, %dma_start3A_65] : memref<10000x64xf32, #tpu.memory_space<hbm>> -> memref<10000x64xf32, #tpu.memory_space<hbm>>
    tpu.enqueue_indirect_dma source(%dma_start3A_66 : memref<10000x64xf32, #tpu.memory_space<hbm>>) target(%arg12 : memref<125x64xf32, #tpu.memory_space<vmem>>) offsets(%dma_start3A_59 : memref<125xi32, #tpu.memory_space<vmem>>) semaphore(%arg18 : memref<!tpu.dma_semaphore, #tpu.memory_space<semaphore_mem>>)
    %scan3A_67 = arith.constant 0 : i32
    %scan3A_68 = arith.constant 31 : i32
    %scan3A_69 = arith.addi %scan3A_67, %scan3A_68 : i32
    %scan3A_70 = arith.constant 1 : i32
    scf.for %scan3A_197 = %scan3A_67 to %scan3A_69 step %scan3A_70  : i32 {
      %mul3A_198 = arith.constant 5 : i32
      %mul3A_199 = arith.muli %scan3A_197, %mul3A_198 : i32
      %add3A_200 = arith.constant 0 : i32
      %add3A_201 = arith.addi %add3A_200, %mul3A_199 : i32
      %add3A_202 = arith.constant 0 : i32
      %add3A_203 = arith.addi %add3A_201, %add3A_202 : i32
      %dma_wait3A_204 = arith.constant 0 : i32
      %dma_wait3A_205 = tpu.memref_slice %arg6[%add3A_203, %dma_wait3A_204] : memref<160x125xi32, #tpu.memory_space<vmem>> -> memref<1x125xi32, #tpu.memory_space<vmem>>
      %dma_wait3A_206 = tpu.memref_squeeze %dma_wait3A_205 : memref<1x125xi32, #tpu.memory_space<vmem>> -> memref<125xi32, #tpu.memory_space<vmem>>
      %dma_wait3A_207 = arith.constant 0 : i32
      %dma_wait3A_208 = arith.constant 0 : i32
      %dma_wait3A_209 = tpu.memref_slice %arg2[%arg0, %dma_wait3A_207, %dma_wait3A_208] : memref<2x10000x64xf32, #tpu.memory_space<hbm>> -> memref<1x10000x64xf32, #tpu.memory_space<hbm>>
      %dma_wait3A_210 = tpu.memref_squeeze %dma_wait3A_209 : memref<1x10000x64xf32, #tpu.memory_space<hbm>> -> memref<10000x64xf32, #tpu.memory_space<hbm>>
      %dma_wait3A_211 = arith.constant 0 : i32
      %dma_wait3A_212 = arith.constant 0 : i32
      %dma_wait3A_213 = tpu.memref_slice %dma_wait3A_210[%dma_wait3A_211, %dma_wait3A_212] : memref<10000x64xf32, #tpu.memory_space<hbm>> -> memref<10000x64xf32, #tpu.memory_space<hbm>>
      tpu.wait_indirect_dma semaphore(%arg14 : memref<!tpu.dma_semaphore, #tpu.memory_space<semaphore_mem>>) src(%dma_wait3A_213 : memref<10000x64xf32, #tpu.memory_space<hbm>>) dst(%arg8 : memref<125x64xf32, #tpu.memory_space<vmem>>)
      %add3A_214 = arith.constant 0 : i32
      %add3A_215 = arith.addi %add3A_201, %add3A_214 : i32
      %dma_start3A_216 = arith.constant 0 : i32
      %dma_start3A_217 = tpu.memref_slice %arg7[%add3A_215, %dma_start3A_216] : memref<160x125xi32, #tpu.memory_space<vmem>> -> memref<1x125xi32, #tpu.memory_space<vmem>>
      %dma_start3A_218 = tpu.memref_squeeze %dma_start3A_217 : memref<1x125xi32, #tpu.memory_space<vmem>> -> memref<125xi32, #tpu.memory_space<vmem>>
      %dma_start3A_219 = arith.constant 0 : i32
      %dma_start3A_220 = arith.constant 0 : i32
      %dma_start3A_221 = tpu.memref_slice %arg13[%dma_start3A_219, %dma_start3A_220] : memref<10240x64xf32, #tpu.memory_space<vmem_shared>> -> memref<10240x64xf32, #tpu.memory_space<vmem_shared>>
      tpu.enqueue_indirect_dma source(%arg8 : memref<125x64xf32, #tpu.memory_space<vmem>>) target(%dma_start3A_221 : memref<10240x64xf32, #tpu.memory_space<vmem_shared>>) offsets(%dma_start3A_218 : memref<125xi32, #tpu.memory_space<vmem>>) semaphore(%arg19 : memref<!tpu.dma_semaphore, #tpu.memory_space<semaphore_mem>>) {add = true}
      %add3A_222 = arith.constant 1 : i32
      %add3A_223 = arith.addi %add3A_201, %add3A_222 : i32
      %dma_wait3A_224 = arith.constant 0 : i32
      %dma_wait3A_225 = tpu.memref_slice %arg6[%add3A_223, %dma_wait3A_224] : memref<160x125xi32, #tpu.memory_space<vmem>> -> memref<1x125xi32, #tpu.memory_space<vmem>>
      %dma_wait3A_226 = tpu.memref_squeeze %dma_wait3A_225 : memref<1x125xi32, #tpu.memory_space<vmem>> -> memref<125xi32, #tpu.memory_space<vmem>>
      %dma_wait3A_227 = arith.constant 0 : i32
      %dma_wait3A_228 = arith.constant 0 : i32
      %dma_wait3A_229 = tpu.memref_slice %arg2[%arg0, %dma_wait3A_227, %dma_wait3A_228] : memref<2x10000x64xf32, #tpu.memory_space<hbm>> -> memref<1x10000x64xf32, #tpu.memory_space<hbm>>
      %dma_wait3A_230 = tpu.memref_squeeze %dma_wait3A_229 : memref<1x10000x64xf32, #tpu.memory_space<hbm>> -> memref<10000x64xf32, #tpu.memory_space<hbm>>
      %dma_wait3A_231 = arith.constant 0 : i32
      %dma_wait3A_232 = arith.constant 0 : i32
      %dma_wait3A_233 = tpu.memref_slice %dma_wait3A_230[%dma_wait3A_231, %dma_wait3A_232] : memref<10000x64xf32, #tpu.memory_space<hbm>> -> memref<10000x64xf32, #tpu.memory_space<hbm>>
      tpu.wait_indirect_dma semaphore(%arg15 : memref<!tpu.dma_semaphore, #tpu.memory_space<semaphore_mem>>) src(%dma_wait3A_233 : memref<10000x64xf32, #tpu.memory_space<hbm>>) dst(%arg9 : memref<125x64xf32, #tpu.memory_space<vmem>>)
      %add3A_234 = arith.constant 1 : i32
      %add3A_235 = arith.addi %add3A_201, %add3A_234 : i32
      %dma_start3A_236 = arith.constant 0 : i32
      %dma_start3A_237 = tpu.memref_slice %arg7[%add3A_235, %dma_start3A_236] : memref<160x125xi32, #tpu.memory_space<vmem>> -> memref<1x125xi32, #tpu.memory_space<vmem>>
      %dma_start3A_238 = tpu.memref_squeeze %dma_start3A_237 : memref<1x125xi32, #tpu.memory_space<vmem>> -> memref<125xi32, #tpu.memory_space<vmem>>
      %dma_start3A_239 = arith.constant 0 : i32
      %dma_start3A_240 = arith.constant 0 : i32
      %dma_start3A_241 = tpu.memref_slice %arg13[%dma_start3A_239, %dma_start3A_240] : memref<10240x64xf32, #tpu.memory_space<vmem_shared>> -> memref<10240x64xf32, #tpu.memory_space<vmem_shared>>
      tpu.enqueue_indirect_dma source(%arg9 : memref<125x64xf32, #tpu.memory_space<vmem>>) target(%dma_start3A_241 : memref<10240x64xf32, #tpu.memory_space<vmem_shared>>) offsets(%dma_start3A_238 : memref<125xi32, #tpu.memory_space<vmem>>) semaphore(%arg20 : memref<!tpu.dma_semaphore, #tpu.memory_space<semaphore_mem>>) {add = true}
      %add3A_242 = arith.constant 2 : i32
      %add3A_243 = arith.addi %add3A_201, %add3A_242 : i32
      %dma_wait3A_244 = arith.constant 0 : i32
      %dma_wait3A_245 = tpu.memref_slice %arg6[%add3A_243, %dma_wait3A_244] : memref<160x125xi32, #tpu.memory_space<vmem>> -> memref<1x125xi32, #tpu.memory_space<vmem>>
      %dma_wait3A_246 = tpu.memref_squeeze %dma_wait3A_245 : memref<1x125xi32, #tpu.memory_space<vmem>> -> memref<125xi32, #tpu.memory_space<vmem>>
      %dma_wait3A_247 = arith.constant 0 : i32
      %dma_wait3A_248 = arith.constant 0 : i32
      %dma_wait3A_249 = tpu.memref_slice %arg2[%arg0, %dma_wait3A_247, %dma_wait3A_248] : memref<2x10000x64xf32, #tpu.memory_space<hbm>> -> memref<1x10000x64xf32, #tpu.memory_space<hbm>>
      %dma_wait3A_250 = tpu.memref_squeeze %dma_wait3A_249 : memref<1x10000x64xf32, #tpu.memory_space<hbm>> -> memref<10000x64xf32, #tpu.memory_space<hbm>>
      %dma_wait3A_251 = arith.constant 0 : i32
      %dma_wait3A_252 = arith.constant 0 : i32
      %dma_wait3A_253 = tpu.memref_slice %dma_wait3A_250[%dma_wait3A_251, %dma_wait3A_252] : memref<10000x64xf32, #tpu.memory_space<hbm>> -> memref<10000x64xf32, #tpu.memory_space<hbm>>
      tpu.wait_indirect_dma semaphore(%arg16 : memref<!tpu.dma_semaphore, #tpu.memory_space<semaphore_mem>>) src(%dma_wait3A_253 : memref<10000x64xf32, #tpu.memory_space<hbm>>) dst(%arg10 : memref<125x64xf32, #tpu.memory_space<vmem>>)
      %add3A_254 = arith.constant 2 : i32
      %add3A_255 = arith.addi %add3A_201, %add3A_254 : i32
      %dma_start3A_256 = arith.constant 0 : i32
      %dma_start3A_257 = tpu.memref_slice %arg7[%add3A_255, %dma_start3A_256] : memref<160x125xi32, #tpu.memory_space<vmem>> -> memref<1x125xi32, #tpu.memory_space<vmem>>
      %dma_start3A_258 = tpu.memref_squeeze %dma_start3A_257 : memref<1x125xi32, #tpu.memory_space<vmem>> -> memref<125xi32, #tpu.memory_space<vmem>>
      %dma_start3A_259 = arith.constant 0 : i32
      %dma_start3A_260 = arith.constant 0 : i32
      %dma_start3A_261 = tpu.memref_slice %arg13[%dma_start3A_259, %dma_start3A_260] : memref<10240x64xf32, #tpu.memory_space<vmem_shared>> -> memref<10240x64xf32, #tpu.memory_space<vmem_shared>>
      tpu.enqueue_indirect_dma source(%arg10 : memref<125x64xf32, #tpu.memory_space<vmem>>) target(%dma_start3A_261 : memref<10240x64xf32, #tpu.memory_space<vmem_shared>>) offsets(%dma_start3A_258 : memref<125xi32, #tpu.memory_space<vmem>>) semaphore(%arg21 : memref<!tpu.dma_semaphore, #tpu.memory_space<semaphore_mem>>) {add = true}
      %add3A_262 = arith.constant 3 : i32
      %add3A_263 = arith.addi %add3A_201, %add3A_262 : i32
      %dma_wait3A_264 = arith.constant 0 : i32
      %dma_wait3A_265 = tpu.memref_slice %arg6[%add3A_263, %dma_wait3A_264] : memref<160x125xi32, #tpu.memory_space<vmem>> -> memref<1x125xi32, #tpu.memory_space<vmem>>
      %dma_wait3A_266 = tpu.memref_squeeze %dma_wait3A_265 : memref<1x125xi32, #tpu.memory_space<vmem>> -> memref<125xi32, #tpu.memory_space<vmem>>
      %dma_wait3A_267 = arith.constant 0 : i32
      %dma_wait3A_268 = arith.constant 0 : i32
      %dma_wait3A_269 = tpu.memref_slice %arg2[%arg0, %dma_wait3A_267, %dma_wait3A_268] : memref<2x10000x64xf32, #tpu.memory_space<hbm>> -> memref<1x10000x64xf32, #tpu.memory_space<hbm>>
      %dma_wait3A_270 = tpu.memref_squeeze %dma_wait3A_269 : memref<1x10000x64xf32, #tpu.memory_space<hbm>> -> memref<10000x64xf32, #tpu.memory_space<hbm>>
      %dma_wait3A_271 = arith.constant 0 : i32
      %dma_wait3A_272 = arith.constant 0 : i32
      %dma_wait3A_273 = tpu.memref_slice %dma_wait3A_270[%dma_wait3A_271, %dma_wait3A_272] : memref<10000x64xf32, #tpu.memory_space<hbm>> -> memref<10000x64xf32, #tpu.memory_space<hbm>>
      tpu.wait_indirect_dma semaphore(%arg17 : memref<!tpu.dma_semaphore, #tpu.memory_space<semaphore_mem>>) src(%dma_wait3A_273 : memref<10000x64xf32, #tpu.memory_space<hbm>>) dst(%arg11 : memref<125x64xf32, #tpu.memory_space<vmem>>)
      %add3A_274 = arith.constant 3 : i32
      %add3A_275 = arith.addi %add3A_201, %add3A_274 : i32
      %dma_start3A_276 = arith.constant 0 : i32
      %dma_start3A_277 = tpu.memref_slice %arg7[%add3A_275, %dma_start3A_276] : memref<160x125xi32, #tpu.memory_space<vmem>> -> memref<1x125xi32, #tpu.memory_space<vmem>>
      %dma_start3A_278 = tpu.memref_squeeze %dma_start3A_277 : memref<1x125xi32, #tpu.memory_space<vmem>> -> memref<125xi32, #tpu.memory_space<vmem>>
      %dma_start3A_279 = arith.constant 0 : i32
      %dma_start3A_280 = arith.constant 0 : i32
      %dma_start3A_281 = tpu.memref_slice %arg13[%dma_start3A_279, %dma_start3A_280] : memref<10240x64xf32, #tpu.memory_space<vmem_shared>> -> memref<10240x64xf32, #tpu.memory_space<vmem_shared>>
      tpu.enqueue_indirect_dma source(%arg11 : memref<125x64xf32, #tpu.memory_space<vmem>>) target(%dma_start3A_281 : memref<10240x64xf32, #tpu.memory_space<vmem_shared>>) offsets(%dma_start3A_278 : memref<125xi32, #tpu.memory_space<vmem>>) semaphore(%arg22 : memref<!tpu.dma_semaphore, #tpu.memory_space<semaphore_mem>>) {add = true}
      %add3A_282 = arith.constant 4 : i32
      %add3A_283 = arith.addi %add3A_201, %add3A_282 : i32
      %dma_wait3A_284 = arith.constant 0 : i32
      %dma_wait3A_285 = tpu.memref_slice %arg6[%add3A_283, %dma_wait3A_284] : memref<160x125xi32, #tpu.memory_space<vmem>> -> memref<1x125xi32, #tpu.memory_space<vmem>>
      %dma_wait3A_286 = tpu.memref_squeeze %dma_wait3A_285 : memref<1x125xi32, #tpu.memory_space<vmem>> -> memref<125xi32, #tpu.memory_space<vmem>>
      %dma_wait3A_287 = arith.constant 0 : i32
      %dma_wait3A_288 = arith.constant 0 : i32
      %dma_wait3A_289 = tpu.memref_slice %arg2[%arg0, %dma_wait3A_287, %dma_wait3A_288] : memref<2x10000x64xf32, #tpu.memory_space<hbm>> -> memref<1x10000x64xf32, #tpu.memory_space<hbm>>
      %dma_wait3A_290 = tpu.memref_squeeze %dma_wait3A_289 : memref<1x10000x64xf32, #tpu.memory_space<hbm>> -> memref<10000x64xf32, #tpu.memory_space<hbm>>
      %dma_wait3A_291 = arith.constant 0 : i32
      %dma_wait3A_292 = arith.constant 0 : i32
      %dma_wait3A_293 = tpu.memref_slice %dma_wait3A_290[%dma_wait3A_291, %dma_wait3A_292] : memref<10000x64xf32, #tpu.memory_space<hbm>> -> memref<10000x64xf32, #tpu.memory_space<hbm>>
      tpu.wait_indirect_dma semaphore(%arg18 : memref<!tpu.dma_semaphore, #tpu.memory_space<semaphore_mem>>) src(%dma_wait3A_293 : memref<10000x64xf32, #tpu.memory_space<hbm>>) dst(%arg12 : memref<125x64xf32, #tpu.memory_space<vmem>>)
      %add3A_294 = arith.constant 4 : i32
      %add3A_295 = arith.addi %add3A_201, %add3A_294 : i32
      %dma_start3A_296 = arith.constant 0 : i32
      %dma_start3A_297 = tpu.memref_slice %arg7[%add3A_295, %dma_start3A_296] : memref<160x125xi32, #tpu.memory_space<vmem>> -> memref<1x125xi32, #tpu.memory_space<vmem>>
      %dma_start3A_298 = tpu.memref_squeeze %dma_start3A_297 : memref<1x125xi32, #tpu.memory_space<vmem>> -> memref<125xi32, #tpu.memory_space<vmem>>
      %dma_start3A_299 = arith.constant 0 : i32
      %dma_start3A_300 = arith.constant 0 : i32
      %dma_start3A_301 = tpu.memref_slice %arg13[%dma_start3A_299, %dma_start3A_300] : memref<10240x64xf32, #tpu.memory_space<vmem_shared>> -> memref<10240x64xf32, #tpu.memory_space<vmem_shared>>
      tpu.enqueue_indirect_dma source(%arg12 : memref<125x64xf32, #tpu.memory_space<vmem>>) target(%dma_start3A_301 : memref<10240x64xf32, #tpu.memory_space<vmem_shared>>) offsets(%dma_start3A_298 : memref<125xi32, #tpu.memory_space<vmem>>) semaphore(%arg23 : memref<!tpu.dma_semaphore, #tpu.memory_space<semaphore_mem>>) {add = true}
      %add3A_302 = arith.constant 0 : i32
      %add3A_303 = arith.addi %add3A_201, %add3A_302 : i32
      %dma_wait3A_304 = arith.constant 0 : i32
      %dma_wait3A_305 = tpu.memref_slice %arg7[%add3A_303, %dma_wait3A_304] : memref<160x125xi32, #tpu.memory_space<vmem>> -> memref<1x125xi32, #tpu.memory_space<vmem>>
      %dma_wait3A_306 = tpu.memref_squeeze %dma_wait3A_305 : memref<1x125xi32, #tpu.memory_space<vmem>> -> memref<125xi32, #tpu.memory_space<vmem>>
      %dma_wait3A_307 = arith.constant 0 : i32
      %dma_wait3A_308 = arith.constant 0 : i32
      %dma_wait3A_309 = tpu.memref_slice %arg13[%dma_wait3A_307, %dma_wait3A_308] : memref<10240x64xf32, #tpu.memory_space<vmem_shared>> -> memref<10240x64xf32, #tpu.memory_space<vmem_shared>>
      tpu.wait_indirect_dma semaphore(%arg19 : memref<!tpu.dma_semaphore, #tpu.memory_space<semaphore_mem>>) src(%arg8 : memref<125x64xf32, #tpu.memory_space<vmem>>) dst(%dma_wait3A_309 : memref<10240x64xf32, #tpu.memory_space<vmem_shared>>)
      %add3A_310 = arith.constant 5 : i32
      %add3A_311 = arith.addi %add3A_201, %add3A_310 : i32
      %add3A_312 = arith.constant 0 : i32
      %add3A_313 = arith.addi %add3A_311, %add3A_312 : i32
      %dma_start3A_314 = arith.constant 0 : i32
      %dma_start3A_315 = tpu.memref_slice %arg6[%add3A_313, %dma_start3A_314] : memref<160x125xi32, #tpu.memory_space<vmem>> -> memref<1x125xi32, #tpu.memory_space<vmem>>
      %dma_start3A_316 = tpu.memref_squeeze %dma_start3A_315 : memref<1x125xi32, #tpu.memory_space<vmem>> -> memref<125xi32, #tpu.memory_space<vmem>>
      %dma_start3A_317 = arith.constant 0 : i32
      %dma_start3A_318 = arith.constant 0 : i32
      %dma_start3A_319 = tpu.memref_slice %arg2[%arg0, %dma_start3A_317, %dma_start3A_318] : memref<2x10000x64xf32, #tpu.memory_space<hbm>> -> memref<1x10000x64xf32, #tpu.memory_space<hbm>>
      %dma_start3A_320 = tpu.memref_squeeze %dma_start3A_319 : memref<1x10000x64xf32, #tpu.memory_space<hbm>> -> memref<10000x64xf32, #tpu.memory_space<hbm>>
      %dma_start3A_321 = arith.constant 0 : i32
      %dma_start3A_322 = arith.constant 0 : i32
      %dma_start3A_323 = tpu.memref_slice %dma_start3A_320[%dma_start3A_321, %dma_start3A_322] : memref<10000x64xf32, #tpu.memory_space<hbm>> -> memref<10000x64xf32, #tpu.memory_space<hbm>>
      tpu.enqueue_indirect_dma source(%dma_start3A_323 : memref<10000x64xf32, #tpu.memory_space<hbm>>) target(%arg8 : memref<125x64xf32, #tpu.memory_space<vmem>>) offsets(%dma_start3A_316 : memref<125xi32, #tpu.memory_space<vmem>>) semaphore(%arg14 : memref<!tpu.dma_semaphore, #tpu.memory_space<semaphore_mem>>)
      %add3A_324 = arith.constant 1 : i32
      %add3A_325 = arith.addi %add3A_201, %add3A_324 : i32
      %dma_wait3A_326 = arith.constant 0 : i32
      %dma_wait3A_327 = tpu.memref_slice %arg7[%add3A_325, %dma_wait3A_326] : memref<160x125xi32, #tpu.memory_space<vmem>> -> memref<1x125xi32, #tpu.memory_space<vmem>>
      %dma_wait3A_328 = tpu.memref_squeeze %dma_wait3A_327 : memref<1x125xi32, #tpu.memory_space<vmem>> -> memref<125xi32, #tpu.memory_space<vmem>>
      %dma_wait3A_329 = arith.constant 0 : i32
      %dma_wait3A_330 = arith.constant 0 : i32
      %dma_wait3A_331 = tpu.memref_slice %arg13[%dma_wait3A_329, %dma_wait3A_330] : memref<10240x64xf32, #tpu.memory_space<vmem_shared>> -> memref<10240x64xf32, #tpu.memory_space<vmem_shared>>
      tpu.wait_indirect_dma semaphore(%arg20 : memref<!tpu.dma_semaphore, #tpu.memory_space<semaphore_mem>>) src(%arg9 : memref<125x64xf32, #tpu.memory_space<vmem>>) dst(%dma_wait3A_331 : memref<10240x64xf32, #tpu.memory_space<vmem_shared>>)
      %add3A_332 = arith.constant 5 : i32
      %add3A_333 = arith.addi %add3A_201, %add3A_332 : i32
      %add3A_334 = arith.constant 1 : i32
      %add3A_335 = arith.addi %add3A_333, %add3A_334 : i32
      %dma_start3A_336 = arith.constant 0 : i32
      %dma_start3A_337 = tpu.memref_slice %arg6[%add3A_335, %dma_start3A_336] : memref<160x125xi32, #tpu.memory_space<vmem>> -> memref<1x125xi32, #tpu.memory_space<vmem>>
      %dma_start3A_338 = tpu.memref_squeeze %dma_start3A_337 : memref<1x125xi32, #tpu.memory_space<vmem>> -> memref<125xi32, #tpu.memory_space<vmem>>
      %dma_start3A_339 = arith.constant 0 : i32
      %dma_start3A_340 = arith.constant 0 : i32
      %dma_start3A_341 = tpu.memref_slice %arg2[%arg0, %dma_start3A_339, %dma_start3A_340] : memref<2x10000x64xf32, #tpu.memory_space<hbm>> -> memref<1x10000x64xf32, #tpu.memory_space<hbm>>
      %dma_start3A_342 = tpu.memref_squeeze %dma_start3A_341 : memref<1x10000x64xf32, #tpu.memory_space<hbm>> -> memref<10000x64xf32, #tpu.memory_space<hbm>>
      %dma_start3A_343 = arith.constant 0 : i32
      %dma_start3A_344 = arith.constant 0 : i32
      %dma_start3A_345 = tpu.memref_slice %dma_start3A_342[%dma_start3A_343, %dma_start3A_344] : memref<10000x64xf32, #tpu.memory_space<hbm>> -> memref<10000x64xf32, #tpu.memory_space<hbm>>
      tpu.enqueue_indirect_dma source(%dma_start3A_345 : memref<10000x64xf32, #tpu.memory_space<hbm>>) target(%arg9 : memref<125x64xf32, #tpu.memory_space<vmem>>) offsets(%dma_start3A_338 : memref<125xi32, #tpu.memory_space<vmem>>) semaphore(%arg15 : memref<!tpu.dma_semaphore, #tpu.memory_space<semaphore_mem>>)
      %add3A_346 = arith.constant 2 : i32
      %add3A_347 = arith.addi %add3A_201, %add3A_346 : i32
      %dma_wait3A_348 = arith.constant 0 : i32
      %dma_wait3A_349 = tpu.memref_slice %arg7[%add3A_347, %dma_wait3A_348] : memref<160x125xi32, #tpu.memory_space<vmem>> -> memref<1x125xi32, #tpu.memory_space<vmem>>
      %dma_wait3A_350 = tpu.memref_squeeze %dma_wait3A_349 : memref<1x125xi32, #tpu.memory_space<vmem>> -> memref<125xi32, #tpu.memory_space<vmem>>
      %dma_wait3A_351 = arith.constant 0 : i32
      %dma_wait3A_352 = arith.constant 0 : i32
      %dma_wait3A_353 = tpu.memref_slice %arg13[%dma_wait3A_351, %dma_wait3A_352] : memref<10240x64xf32, #tpu.memory_space<vmem_shared>> -> memref<10240x64xf32, #tpu.memory_space<vmem_shared>>
      tpu.wait_indirect_dma semaphore(%arg21 : memref<!tpu.dma_semaphore, #tpu.memory_space<semaphore_mem>>) src(%arg10 : memref<125x64xf32, #tpu.memory_space<vmem>>) dst(%dma_wait3A_353 : memref<10240x64xf32, #tpu.memory_space<vmem_shared>>)
      %add3A_354 = arith.constant 5 : i32
      %add3A_355 = arith.addi %add3A_201, %add3A_354 : i32
      %add3A_356 = arith.constant 2 : i32
      %add3A_357 = arith.addi %add3A_355, %add3A_356 : i32
      %dma_start3A_358 = arith.constant 0 : i32
      %dma_start3A_359 = tpu.memref_slice %arg6[%add3A_357, %dma_start3A_358] : memref<160x125xi32, #tpu.memory_space<vmem>> -> memref<1x125xi32, #tpu.memory_space<vmem>>
      %dma_start3A_360 = tpu.memref_squeeze %dma_start3A_359 : memref<1x125xi32, #tpu.memory_space<vmem>> -> memref<125xi32, #tpu.memory_space<vmem>>
      %dma_start3A_361 = arith.constant 0 : i32
      %dma_start3A_362 = arith.constant 0 : i32
      %dma_start3A_363 = tpu.memref_slice %arg2[%arg0, %dma_start3A_361, %dma_start3A_362] : memref<2x10000x64xf32, #tpu.memory_space<hbm>> -> memref<1x10000x64xf32, #tpu.memory_space<hbm>>
      %dma_start3A_364 = tpu.memref_squeeze %dma_start3A_363 : memref<1x10000x64xf32, #tpu.memory_space<hbm>> -> memref<10000x64xf32, #tpu.memory_space<hbm>>
      %dma_start3A_365 = arith.constant 0 : i32
      %dma_start3A_366 = arith.constant 0 : i32
      %dma_start3A_367 = tpu.memref_slice %dma_start3A_364[%dma_start3A_365, %dma_start3A_366] : memref<10000x64xf32, #tpu.memory_space<hbm>> -> memref<10000x64xf32, #tpu.memory_space<hbm>>
      tpu.enqueue_indirect_dma source(%dma_start3A_367 : memref<10000x64xf32, #tpu.memory_space<hbm>>) target(%arg10 : memref<125x64xf32, #tpu.memory_space<vmem>>) offsets(%dma_start3A_360 : memref<125xi32, #tpu.memory_space<vmem>>) semaphore(%arg16 : memref<!tpu.dma_semaphore, #tpu.memory_space<semaphore_mem>>)
      %add3A_368 = arith.constant 3 : i32
      %add3A_369 = arith.addi %add3A_201, %add3A_368 : i32
      %dma_wait3A_370 = arith.constant 0 : i32
      %dma_wait3A_371 = tpu.memref_slice %arg7[%add3A_369, %dma_wait3A_370] : memref<160x125xi32, #tpu.memory_space<vmem>> -> memref<1x125xi32, #tpu.memory_space<vmem>>
      %dma_wait3A_372 = tpu.memref_squeeze %dma_wait3A_371 : memref<1x125xi32, #tpu.memory_space<vmem>> -> memref<125xi32, #tpu.memory_space<vmem>>
      %dma_wait3A_373 = arith.constant 0 : i32
      %dma_wait3A_374 = arith.constant 0 : i32
      %dma_wait3A_375 = tpu.memref_slice %arg13[%dma_wait3A_373, %dma_wait3A_374] : memref<10240x64xf32, #tpu.memory_space<vmem_shared>> -> memref<10240x64xf32, #tpu.memory_space<vmem_shared>>
      tpu.wait_indirect_dma semaphore(%arg22 : memref<!tpu.dma_semaphore, #tpu.memory_space<semaphore_mem>>) src(%arg11 : memref<125x64xf32, #tpu.memory_space<vmem>>) dst(%dma_wait3A_375 : memref<10240x64xf32, #tpu.memory_space<vmem_shared>>)
      %add3A_376 = arith.constant 5 : i32
      %add3A_377 = arith.addi %add3A_201, %add3A_376 : i32
      %add3A_378 = arith.constant 3 : i32
      %add3A_379 = arith.addi %add3A_377, %add3A_378 : i32
      %dma_start3A_380 = arith.constant 0 : i32
      %dma_start3A_381 = tpu.memref_slice %arg6[%add3A_379, %dma_start3A_380] : memref<160x125xi32, #tpu.memory_space<vmem>> -> memref<1x125xi32, #tpu.memory_space<vmem>>
      %dma_start3A_382 = tpu.memref_squeeze %dma_start3A_381 : memref<1x125xi32, #tpu.memory_space<vmem>> -> memref<125xi32, #tpu.memory_space<vmem>>
      %dma_start3A_383 = arith.constant 0 : i32
      %dma_start3A_384 = arith.constant 0 : i32
      %dma_start3A_385 = tpu.memref_slice %arg2[%arg0, %dma_start3A_383, %dma_start3A_384] : memref<2x10000x64xf32, #tpu.memory_space<hbm>> -> memref<1x10000x64xf32, #tpu.memory_space<hbm>>
      %dma_start3A_386 = tpu.memref_squeeze %dma_start3A_385 : memref<1x10000x64xf32, #tpu.memory_space<hbm>> -> memref<10000x64xf32, #tpu.memory_space<hbm>>
      %dma_start3A_387 = arith.constant 0 : i32
      %dma_start3A_388 = arith.constant 0 : i32
      %dma_start3A_389 = tpu.memref_slice %dma_start3A_386[%dma_start3A_387, %dma_start3A_388] : memref<10000x64xf32, #tpu.memory_space<hbm>> -> memref<10000x64xf32, #tpu.memory_space<hbm>>
      tpu.enqueue_indirect_dma source(%dma_start3A_389 : memref<10000x64xf32, #tpu.memory_space<hbm>>) target(%arg11 : memref<125x64xf32, #tpu.memory_space<vmem>>) offsets(%dma_start3A_382 : memref<125xi32, #tpu.memory_space<vmem>>) semaphore(%arg17 : memref<!tpu.dma_semaphore, #tpu.memory_space<semaphore_mem>>)
      %add3A_390 = arith.constant 4 : i32
      %add3A_391 = arith.addi %add3A_201, %add3A_390 : i32
      %dma_wait3A_392 = arith.constant 0 : i32
      %dma_wait3A_393 = tpu.memref_slice %arg7[%add3A_391, %dma_wait3A_392] : memref<160x125xi32, #tpu.memory_space<vmem>> -> memref<1x125xi32, #tpu.memory_space<vmem>>
      %dma_wait3A_394 = tpu.memref_squeeze %dma_wait3A_393 : memref<1x125xi32, #tpu.memory_space<vmem>> -> memref<125xi32, #tpu.memory_space<vmem>>
      %dma_wait3A_395 = arith.constant 0 : i32
      %dma_wait3A_396 = arith.constant 0 : i32
      %dma_wait3A_397 = tpu.memref_slice %arg13[%dma_wait3A_395, %dma_wait3A_396] : memref<10240x64xf32, #tpu.memory_space<vmem_shared>> -> memref<10240x64xf32, #tpu.memory_space<vmem_shared>>
      tpu.wait_indirect_dma semaphore(%arg23 : memref<!tpu.dma_semaphore, #tpu.memory_space<semaphore_mem>>) src(%arg12 : memref<125x64xf32, #tpu.memory_space<vmem>>) dst(%dma_wait3A_397 : memref<10240x64xf32, #tpu.memory_space<vmem_shared>>)
      %add3A_398 = arith.constant 5 : i32
      %add3A_399 = arith.addi %add3A_201, %add3A_398 : i32
      %add3A_400 = arith.constant 4 : i32
      %add3A_401 = arith.addi %add3A_399, %add3A_400 : i32
      %dma_start3A_402 = arith.constant 0 : i32
      %dma_start3A_403 = tpu.memref_slice %arg6[%add3A_401, %dma_start3A_402] : memref<160x125xi32, #tpu.memory_space<vmem>> -> memref<1x125xi32, #tpu.memory_space<vmem>>
      %dma_start3A_404 = tpu.memref_squeeze %dma_start3A_403 : memref<1x125xi32, #tpu.memory_space<vmem>> -> memref<125xi32, #tpu.memory_space<vmem>>
      %dma_start3A_405 = arith.constant 0 : i32
      %dma_start3A_406 = arith.constant 0 : i32
      %dma_start3A_407 = tpu.memref_slice %arg2[%arg0, %dma_start3A_405, %dma_start3A_406] : memref<2x10000x64xf32, #tpu.memory_space<hbm>> -> memref<1x10000x64xf32, #tpu.memory_space<hbm>>
      %dma_start3A_408 = tpu.memref_squeeze %dma_start3A_407 : memref<1x10000x64xf32, #tpu.memory_space<hbm>> -> memref<10000x64xf32, #tpu.memory_space<hbm>>
      %dma_start3A_409 = arith.constant 0 : i32
      %dma_start3A_410 = arith.constant 0 : i32
      %dma_start3A_411 = tpu.memref_slice %dma_start3A_408[%dma_start3A_409, %dma_start3A_410] : memref<10000x64xf32, #tpu.memory_space<hbm>> -> memref<10000x64xf32, #tpu.memory_space<hbm>>
      tpu.enqueue_indirect_dma source(%dma_start3A_411 : memref<10000x64xf32, #tpu.memory_space<hbm>>) target(%arg12 : memref<125x64xf32, #tpu.memory_space<vmem>>) offsets(%dma_start3A_404 : memref<125xi32, #tpu.memory_space<vmem>>) semaphore(%arg18 : memref<!tpu.dma_semaphore, #tpu.memory_space<semaphore_mem>>)
    }
    %scan3A_71 = arith.constant 31 : i32
    %dma_wait3A = arith.constant 155 : i32
    %dma_wait3A_72 = arith.constant 0 : i32
    %dma_wait3A_73 = tpu.memref_slice %arg6[%dma_wait3A, %dma_wait3A_72] : memref<160x125xi32, #tpu.memory_space<vmem>> -> memref<1x125xi32, #tpu.memory_space<vmem>>
    %dma_wait3A_74 = tpu.memref_squeeze %dma_wait3A_73 : memref<1x125xi32, #tpu.memory_space<vmem>> -> memref<125xi32, #tpu.memory_space<vmem>>
    %dma_wait3A_75 = arith.constant 0 : i32
    %dma_wait3A_76 = arith.constant 0 : i32
    %dma_wait3A_77 = tpu.memref_slice %arg2[%arg0, %dma_wait3A_75, %dma_wait3A_76] : memref<2x10000x64xf32, #tpu.memory_space<hbm>> -> memref<1x10000x64xf32, #tpu.memory_space<hbm>>
    %dma_wait3A_78 = tpu.memref_squeeze %dma_wait3A_77 : memref<1x10000x64xf32, #tpu.memory_space<hbm>> -> memref<10000x64xf32, #tpu.memory_space<hbm>>
    %dma_wait3A_79 = arith.constant 0 : i32
    %dma_wait3A_80 = arith.constant 0 : i32
    %dma_wait3A_81 = tpu.memref_slice %dma_wait3A_78[%dma_wait3A_79, %dma_wait3A_80] : memref<10000x64xf32, #tpu.memory_space<hbm>> -> memref<10000x64xf32, #tpu.memory_space<hbm>>
    tpu.wait_indirect_dma semaphore(%arg14 : memref<!tpu.dma_semaphore, #tpu.memory_space<semaphore_mem>>) src(%dma_wait3A_81 : memref<10000x64xf32, #tpu.memory_space<hbm>>) dst(%arg8 : memref<125x64xf32, #tpu.memory_space<vmem>>)
    %dma_start3A_82 = arith.constant 155 : i32
    %dma_start3A_83 = arith.constant 0 : i32
    %dma_start3A_84 = tpu.memref_slice %arg7[%dma_start3A_82, %dma_start3A_83] : memref<160x125xi32, #tpu.memory_space<vmem>> -> memref<1x125xi32, #tpu.memory_space<vmem>>
    %dma_start3A_85 = tpu.memref_squeeze %dma_start3A_84 : memref<1x125xi32, #tpu.memory_space<vmem>> -> memref<125xi32, #tpu.memory_space<vmem>>
    %dma_start3A_86 = arith.constant 0 : i32
    %dma_start3A_87 = arith.constant 0 : i32
    %dma_start3A_88 = tpu.memref_slice %arg13[%dma_start3A_86, %dma_start3A_87] : memref<10240x64xf32, #tpu.memory_space<vmem_shared>> -> memref<10240x64xf32, #tpu.memory_space<vmem_shared>>
    tpu.enqueue_indirect_dma source(%arg8 : memref<125x64xf32, #tpu.memory_space<vmem>>) target(%dma_start3A_88 : memref<10240x64xf32, #tpu.memory_space<vmem_shared>>) offsets(%dma_start3A_85 : memref<125xi32, #tpu.memory_space<vmem>>) semaphore(%arg19 : memref<!tpu.dma_semaphore, #tpu.memory_space<semaphore_mem>>) {add = true}
    %dma_wait3A_89 = arith.constant 156 : i32
    %dma_wait3A_90 = arith.constant 0 : i32
    %dma_wait3A_91 = tpu.memref_slice %arg6[%dma_wait3A_89, %dma_wait3A_90] : memref<160x125xi32, #tpu.memory_space<vmem>> -> memref<1x125xi32, #tpu.memory_space<vmem>>
    %dma_wait3A_92 = tpu.memref_squeeze %dma_wait3A_91 : memref<1x125xi32, #tpu.memory_space<vmem>> -> memref<125xi32, #tpu.memory_space<vmem>>
    %dma_wait3A_93 = arith.constant 0 : i32
    %dma_wait3A_94 = arith.constant 0 : i32
    %dma_wait3A_95 = tpu.memref_slice %arg2[%arg0, %dma_wait3A_93, %dma_wait3A_94] : memref<2x10000x64xf32, #tpu.memory_space<hbm>> -> memref<1x10000x64xf32, #tpu.memory_space<hbm>>
    %dma_wait3A_96 = tpu.memref_squeeze %dma_wait3A_95 : memref<1x10000x64xf32, #tpu.memory_space<hbm>> -> memref<10000x64xf32, #tpu.memory_space<hbm>>
    %dma_wait3A_97 = arith.constant 0 : i32
    %dma_wait3A_98 = arith.constant 0 : i32
    %dma_wait3A_99 = tpu.memref_slice %dma_wait3A_96[%dma_wait3A_97, %dma_wait3A_98] : memref<10000x64xf32, #tpu.memory_space<hbm>> -> memref<10000x64xf32, #tpu.memory_space<hbm>>
    tpu.wait_indirect_dma semaphore(%arg15 : memref<!tpu.dma_semaphore, #tpu.memory_space<semaphore_mem>>) src(%dma_wait3A_99 : memref<10000x64xf32, #tpu.memory_space<hbm>>) dst(%arg9 : memref<125x64xf32, #tpu.memory_space<vmem>>)
    %dma_start3A_100 = arith.constant 156 : i32
    %dma_start3A_101 = arith.constant 0 : i32
    %dma_start3A_102 = tpu.memref_slice %arg7[%dma_start3A_100, %dma_start3A_101] : memref<160x125xi32, #tpu.memory_space<vmem>> -> memref<1x125xi32, #tpu.memory_space<vmem>>
    %dma_start3A_103 = tpu.memref_squeeze %dma_start3A_102 : memref<1x125xi32, #tpu.memory_space<vmem>> -> memref<125xi32, #tpu.memory_space<vmem>>
    %dma_start3A_104 = arith.constant 0 : i32
    %dma_start3A_105 = arith.constant 0 : i32
    %dma_start3A_106 = tpu.memref_slice %arg13[%dma_start3A_104, %dma_start3A_105] : memref<10240x64xf32, #tpu.memory_space<vmem_shared>> -> memref<10240x64xf32, #tpu.memory_space<vmem_shared>>
    tpu.enqueue_indirect_dma source(%arg9 : memref<125x64xf32, #tpu.memory_space<vmem>>) target(%dma_start3A_106 : memref<10240x64xf32, #tpu.memory_space<vmem_shared>>) offsets(%dma_start3A_103 : memref<125xi32, #tpu.memory_space<vmem>>) semaphore(%arg20 : memref<!tpu.dma_semaphore, #tpu.memory_space<semaphore_mem>>) {add = true}
    %dma_wait3A_107 = arith.constant 157 : i32
    %dma_wait3A_108 = arith.constant 0 : i32
    %dma_wait3A_109 = tpu.memref_slice %arg6[%dma_wait3A_107, %dma_wait3A_108] : memref<160x125xi32, #tpu.memory_space<vmem>> -> memref<1x125xi32, #tpu.memory_space<vmem>>
    %dma_wait3A_110 = tpu.memref_squeeze %dma_wait3A_109 : memref<1x125xi32, #tpu.memory_space<vmem>> -> memref<125xi32, #tpu.memory_space<vmem>>
    %dma_wait3A_111 = arith.constant 0 : i32
    %dma_wait3A_112 = arith.constant 0 : i32
    %dma_wait3A_113 = tpu.memref_slice %arg2[%arg0, %dma_wait3A_111, %dma_wait3A_112] : memref<2x10000x64xf32, #tpu.memory_space<hbm>> -> memref<1x10000x64xf32, #tpu.memory_space<hbm>>
    %dma_wait3A_114 = tpu.memref_squeeze %dma_wait3A_113 : memref<1x10000x64xf32, #tpu.memory_space<hbm>> -> memref<10000x64xf32, #tpu.memory_space<hbm>>
    %dma_wait3A_115 = arith.constant 0 : i32
    %dma_wait3A_116 = arith.constant 0 : i32
    %dma_wait3A_117 = tpu.memref_slice %dma_wait3A_114[%dma_wait3A_115, %dma_wait3A_116] : memref<10000x64xf32, #tpu.memory_space<hbm>> -> memref<10000x64xf32, #tpu.memory_space<hbm>>
    tpu.wait_indirect_dma semaphore(%arg16 : memref<!tpu.dma_semaphore, #tpu.memory_space<semaphore_mem>>) src(%dma_wait3A_117 : memref<10000x64xf32, #tpu.memory_space<hbm>>) dst(%arg10 : memref<125x64xf32, #tpu.memory_space<vmem>>)
    %dma_start3A_118 = arith.constant 157 : i32
    %dma_start3A_119 = arith.constant 0 : i32
    %dma_start3A_120 = tpu.memref_slice %arg7[%dma_start3A_118, %dma_start3A_119] : memref<160x125xi32, #tpu.memory_space<vmem>> -> memref<1x125xi32, #tpu.memory_space<vmem>>
    %dma_start3A_121 = tpu.memref_squeeze %dma_start3A_120 : memref<1x125xi32, #tpu.memory_space<vmem>> -> memref<125xi32, #tpu.memory_space<vmem>>
    %dma_start3A_122 = arith.constant 0 : i32
    %dma_start3A_123 = arith.constant 0 : i32
    %dma_start3A_124 = tpu.memref_slice %arg13[%dma_start3A_122, %dma_start3A_123] : memref<10240x64xf32, #tpu.memory_space<vmem_shared>> -> memref<10240x64xf32, #tpu.memory_space<vmem_shared>>
    tpu.enqueue_indirect_dma source(%arg10 : memref<125x64xf32, #tpu.memory_space<vmem>>) target(%dma_start3A_124 : memref<10240x64xf32, #tpu.memory_space<vmem_shared>>) offsets(%dma_start3A_121 : memref<125xi32, #tpu.memory_space<vmem>>) semaphore(%arg21 : memref<!tpu.dma_semaphore, #tpu.memory_space<semaphore_mem>>) {add = true}
    %dma_wait3A_125 = arith.constant 158 : i32
    %dma_wait3A_126 = arith.constant 0 : i32
    %dma_wait3A_127 = tpu.memref_slice %arg6[%dma_wait3A_125, %dma_wait3A_126] : memref<160x125xi32, #tpu.memory_space<vmem>> -> memref<1x125xi32, #tpu.memory_space<vmem>>
    %dma_wait3A_128 = tpu.memref_squeeze %dma_wait3A_127 : memref<1x125xi32, #tpu.memory_space<vmem>> -> memref<125xi32, #tpu.memory_space<vmem>>
    %dma_wait3A_129 = arith.constant 0 : i32
    %dma_wait3A_130 = arith.constant 0 : i32
    %dma_wait3A_131 = tpu.memref_slice %arg2[%arg0, %dma_wait3A_129, %dma_wait3A_130] : memref<2x10000x64xf32, #tpu.memory_space<hbm>> -> memref<1x10000x64xf32, #tpu.memory_space<hbm>>
    %dma_wait3A_132 = tpu.memref_squeeze %dma_wait3A_131 : memref<1x10000x64xf32, #tpu.memory_space<hbm>> -> memref<10000x64xf32, #tpu.memory_space<hbm>>
    %dma_wait3A_133 = arith.constant 0 : i32
    %dma_wait3A_134 = arith.constant 0 : i32
    %dma_wait3A_135 = tpu.memref_slice %dma_wait3A_132[%dma_wait3A_133, %dma_wait3A_134] : memref<10000x64xf32, #tpu.memory_space<hbm>> -> memref<10000x64xf32, #tpu.memory_space<hbm>>
    tpu.wait_indirect_dma semaphore(%arg17 : memref<!tpu.dma_semaphore, #tpu.memory_space<semaphore_mem>>) src(%dma_wait3A_135 : memref<10000x64xf32, #tpu.memory_space<hbm>>) dst(%arg11 : memref<125x64xf32, #tpu.memory_space<vmem>>)
    %dma_start3A_136 = arith.constant 158 : i32
    %dma_start3A_137 = arith.constant 0 : i32
    %dma_start3A_138 = tpu.memref_slice %arg7[%dma_start3A_136, %dma_start3A_137] : memref<160x125xi32, #tpu.memory_space<vmem>> -> memref<1x125xi32, #tpu.memory_space<vmem>>
    %dma_start3A_139 = tpu.memref_squeeze %dma_start3A_138 : memref<1x125xi32, #tpu.memory_space<vmem>> -> memref<125xi32, #tpu.memory_space<vmem>>
    %dma_start3A_140 = arith.constant 0 : i32
    %dma_start3A_141 = arith.constant 0 : i32
    %dma_start3A_142 = tpu.memref_slice %arg13[%dma_start3A_140, %dma_start3A_141] : memref<10240x64xf32, #tpu.memory_space<vmem_shared>> -> memref<10240x64xf32, #tpu.memory_space<vmem_shared>>
    tpu.enqueue_indirect_dma source(%arg11 : memref<125x64xf32, #tpu.memory_space<vmem>>) target(%dma_start3A_142 : memref<10240x64xf32, #tpu.memory_space<vmem_shared>>) offsets(%dma_start3A_139 : memref<125xi32, #tpu.memory_space<vmem>>) semaphore(%arg22 : memref<!tpu.dma_semaphore, #tpu.memory_space<semaphore_mem>>) {add = true}
    %dma_wait3A_143 = arith.constant 159 : i32
    %dma_wait3A_144 = arith.constant 0 : i32
    %dma_wait3A_145 = tpu.memref_slice %arg6[%dma_wait3A_143, %dma_wait3A_144] : memref<160x125xi32, #tpu.memory_space<vmem>> -> memref<1x125xi32, #tpu.memory_space<vmem>>
    %dma_wait3A_146 = tpu.memref_squeeze %dma_wait3A_145 : memref<1x125xi32, #tpu.memory_space<vmem>> -> memref<125xi32, #tpu.memory_space<vmem>>
    %dma_wait3A_147 = arith.constant 0 : i32
    %dma_wait3A_148 = arith.constant 0 : i32
    %dma_wait3A_149 = tpu.memref_slice %arg2[%arg0, %dma_wait3A_147, %dma_wait3A_148] : memref<2x10000x64xf32, #tpu.memory_space<hbm>> -> memref<1x10000x64xf32, #tpu.memory_space<hbm>>
    %dma_wait3A_150 = tpu.memref_squeeze %dma_wait3A_149 : memref<1x10000x64xf32, #tpu.memory_space<hbm>> -> memref<10000x64xf32, #tpu.memory_space<hbm>>
    %dma_wait3A_151 = arith.constant 0 : i32
    %dma_wait3A_152 = arith.constant 0 : i32
    %dma_wait3A_153 = tpu.memref_slice %dma_wait3A_150[%dma_wait3A_151, %dma_wait3A_152] : memref<10000x64xf32, #tpu.memory_space<hbm>> -> memref<10000x64xf32, #tpu.memory_space<hbm>>
    tpu.wait_indirect_dma semaphore(%arg18 : memref<!tpu.dma_semaphore, #tpu.memory_space<semaphore_mem>>) src(%dma_wait3A_153 : memref<10000x64xf32, #tpu.memory_space<hbm>>) dst(%arg12 : memref<125x64xf32, #tpu.memory_space<vmem>>)
    %dma_start3A_154 = arith.constant 159 : i32
    %dma_start3A_155 = arith.constant 0 : i32
    %dma_start3A_156 = tpu.memref_slice %arg7[%dma_start3A_154, %dma_start3A_155] : memref<160x125xi32, #tpu.memory_space<vmem>> -> memref<1x125xi32, #tpu.memory_space<vmem>>
    %dma_start3A_157 = tpu.memref_squeeze %dma_start3A_156 : memref<1x125xi32, #tpu.memory_space<vmem>> -> memref<125xi32, #tpu.memory_space<vmem>>
    %dma_start3A_158 = arith.constant 0 : i32
    %dma_start3A_159 = arith.constant 0 : i32
    %dma_start3A_160 = tpu.memref_slice %arg13[%dma_start3A_158, %dma_start3A_159] : memref<10240x64xf32, #tpu.memory_space<vmem_shared>> -> memref<10240x64xf32, #tpu.memory_space<vmem_shared>>
    tpu.enqueue_indirect_dma source(%arg12 : memref<125x64xf32, #tpu.memory_space<vmem>>) target(%dma_start3A_160 : memref<10240x64xf32, #tpu.memory_space<vmem_shared>>) offsets(%dma_start3A_157 : memref<125xi32, #tpu.memory_space<vmem>>) semaphore(%arg23 : memref<!tpu.dma_semaphore, #tpu.memory_space<semaphore_mem>>) {add = true}
    %dma_wait3A_161 = arith.constant 155 : i32
    %dma_wait3A_162 = arith.constant 0 : i32
    %dma_wait3A_163 = tpu.memref_slice %arg7[%dma_wait3A_161, %dma_wait3A_162] : memref<160x125xi32, #tpu.memory_space<vmem>> -> memref<1x125xi32, #tpu.memory_space<vmem>>
    %dma_wait3A_164 = tpu.memref_squeeze %dma_wait3A_163 : memref<1x125xi32, #tpu.memory_space<vmem>> -> memref<125xi32, #tpu.memory_space<vmem>>
    %dma_wait3A_165 = arith.constant 0 : i32
    %dma_wait3A_166 = arith.constant 0 : i32
    %dma_wait3A_167 = tpu.memref_slice %arg13[%dma_wait3A_165, %dma_wait3A_166] : memref<10240x64xf32, #tpu.memory_space<vmem_shared>> -> memref<10240x64xf32, #tpu.memory_space<vmem_shared>>
    tpu.wait_indirect_dma semaphore(%arg19 : memref<!tpu.dma_semaphore, #tpu.memory_space<semaphore_mem>>) src(%arg8 : memref<125x64xf32, #tpu.memory_space<vmem>>) dst(%dma_wait3A_167 : memref<10240x64xf32, #tpu.memory_space<vmem_shared>>)
    %dma_wait3A_168 = arith.constant 156 : i32
    %dma_wait3A_169 = arith.constant 0 : i32
    %dma_wait3A_170 = tpu.memref_slice %arg7[%dma_wait3A_168, %dma_wait3A_169] : memref<160x125xi32, #tpu.memory_space<vmem>> -> memref<1x125xi32, #tpu.memory_space<vmem>>
    %dma_wait3A_171 = tpu.memref_squeeze %dma_wait3A_170 : memref<1x125xi32, #tpu.memory_space<vmem>> -> memref<125xi32, #tpu.memory_space<vmem>>
    %dma_wait3A_172 = arith.constant 0 : i32
    %dma_wait3A_173 = arith.constant 0 : i32
    %dma_wait3A_174 = tpu.memref_slice %arg13[%dma_wait3A_172, %dma_wait3A_173] : memref<10240x64xf32, #tpu.memory_space<vmem_shared>> -> memref<10240x64xf32, #tpu.memory_space<vmem_shared>>
    tpu.wait_indirect_dma semaphore(%arg20 : memref<!tpu.dma_semaphore, #tpu.memory_space<semaphore_mem>>) src(%arg9 : memref<125x64xf32, #tpu.memory_space<vmem>>) dst(%dma_wait3A_174 : memref<10240x64xf32, #tpu.memory_space<vmem_shared>>)
    %dma_wait3A_175 = arith.constant 157 : i32
    %dma_wait3A_176 = arith.constant 0 : i32
    %dma_wait3A_177 = tpu.memref_slice %arg7[%dma_wait3A_175, %dma_wait3A_176] : memref<160x125xi32, #tpu.memory_space<vmem>> -> memref<1x125xi32, #tpu.memory_space<vmem>>
    %dma_wait3A_178 = tpu.memref_squeeze %dma_wait3A_177 : memref<1x125xi32, #tpu.memory_space<vmem>> -> memref<125xi32, #tpu.memory_space<vmem>>
    %dma_wait3A_179 = arith.constant 0 : i32
    %dma_wait3A_180 = arith.constant 0 : i32
    %dma_wait3A_181 = tpu.memref_slice %arg13[%dma_wait3A_179, %dma_wait3A_180] : memref<10240x64xf32, #tpu.memory_space<vmem_shared>> -> memref<10240x64xf32, #tpu.memory_space<vmem_shared>>
    tpu.wait_indirect_dma semaphore(%arg21 : memref<!tpu.dma_semaphore, #tpu.memory_space<semaphore_mem>>) src(%arg10 : memref<125x64xf32, #tpu.memory_space<vmem>>) dst(%dma_wait3A_181 : memref<10240x64xf32, #tpu.memory_space<vmem_shared>>)
    %dma_wait3A_182 = arith.constant 158 : i32
    %dma_wait3A_183 = arith.constant 0 : i32
    %dma_wait3A_184 = tpu.memref_slice %arg7[%dma_wait3A_182, %dma_wait3A_183] : memref<160x125xi32, #tpu.memory_space<vmem>> -> memref<1x125xi32, #tpu.memory_space<vmem>>
    %dma_wait3A_185 = tpu.memref_squeeze %dma_wait3A_184 : memref<1x125xi32, #tpu.memory_space<vmem>> -> memref<125xi32, #tpu.memory_space<vmem>>
    %dma_wait3A_186 = arith.constant 0 : i32
    %dma_wait3A_187 = arith.constant 0 : i32
    %dma_wait3A_188 = tpu.memref_slice %arg13[%dma_wait3A_186, %dma_wait3A_187] : memref<10240x64xf32, #tpu.memory_space<vmem_shared>> -> memref<10240x64xf32, #tpu.memory_space<vmem_shared>>
    tpu.wait_indirect_dma semaphore(%arg22 : memref<!tpu.dma_semaphore, #tpu.memory_space<semaphore_mem>>) src(%arg11 : memref<125x64xf32, #tpu.memory_space<vmem>>) dst(%dma_wait3A_188 : memref<10240x64xf32, #tpu.memory_space<vmem_shared>>)
    %dma_wait3A_189 = arith.constant 159 : i32
    %dma_wait3A_190 = arith.constant 0 : i32
    %dma_wait3A_191 = tpu.memref_slice %arg7[%dma_wait3A_189, %dma_wait3A_190] : memref<160x125xi32, #tpu.memory_space<vmem>> -> memref<1x125xi32, #tpu.memory_space<vmem>>
    %dma_wait3A_192 = tpu.memref_squeeze %dma_wait3A_191 : memref<1x125xi32, #tpu.memory_space<vmem>> -> memref<125xi32, #tpu.memory_space<vmem>>
    %dma_wait3A_193 = arith.constant 0 : i32
    %dma_wait3A_194 = arith.constant 0 : i32
    %dma_wait3A_195 = tpu.memref_slice %arg13[%dma_wait3A_193, %dma_wait3A_194] : memref<10240x64xf32, #tpu.memory_space<vmem_shared>> -> memref<10240x64xf32, #tpu.memory_space<vmem_shared>>
    tpu.wait_indirect_dma semaphore(%arg23 : memref<!tpu.dma_semaphore, #tpu.memory_space<semaphore_mem>>) src(%arg12 : memref<125x64xf32, #tpu.memory_space<vmem>>) dst(%dma_wait3A_195 : memref<10240x64xf32, #tpu.memory_space<vmem_shared>>)
    %barrier3A_196 = arith.constant 0 : index
    tpu.barrier barrier_id(%barrier3A_196)
    "tpu.region"() ({
      %run_scoped3A = tpu.sem_alloc : memref<!tpu.dma_semaphore, #tpu.memory_space<semaphore_mem>>
      %dma_start3A_197 = arith.constant 0 : i32
      %dma_start3A_198 = arith.constant 0 : i32
      %dma_start3A_199 = tpu.memref_slice %arg5[%arg0, %dma_start3A_197, %dma_start3A_198] : memref<2x10240x64xf32, #tpu.memory_space<hbm>> -> memref<1x10240x64xf32, #tpu.memory_space<hbm>>
      %dma_start3A_200 = tpu.memref_squeeze %dma_start3A_199 : memref<1x10240x64xf32, #tpu.memory_space<hbm>> -> memref<10240x64xf32, #tpu.memory_space<hbm>>
      %dma_start3A_201 = arith.constant 0 : i32
      %dma_start3A_202 = tpu.memref_slice %dma_start3A_200[%mul3A_0, %dma_start3A_201] : memref<10240x64xf32, #tpu.memory_space<hbm>> -> memref<640x64xf32, #tpu.memory_space<hbm>>
      %dma_start3A_203 = arith.constant 0 : i32
      %dma_start3A_204 = tpu.memref_slice %arg13[%mul3A_0, %dma_start3A_203] : memref<10240x64xf32, #tpu.memory_space<vmem_shared>> -> memref<640x64xf32, #tpu.memory_space<vmem_shared>>
      tpu.enqueue_dma source(%dma_start3A_204 : memref<640x64xf32, #tpu.memory_space<vmem_shared>>) target(%dma_start3A_202 : memref<640x64xf32, #tpu.memory_space<hbm>>) target_semaphore(%run_scoped3A : memref<!tpu.dma_semaphore, #tpu.memory_space<semaphore_mem>>)
      %dma_wait3A_205 = arith.constant 0 : i32
      %dma_wait3A_206 = arith.constant 0 : i32
      %dma_wait3A_207 = tpu.memref_slice %arg5[%arg0, %dma_wait3A_205, %dma_wait3A_206] : memref<2x10240x64xf32, #tpu.memory_space<hbm>> -> memref<1x10240x64xf32, #tpu.memory_space<hbm>>
      %dma_wait3A_208 = tpu.memref_squeeze %dma_wait3A_207 : memref<1x10240x64xf32, #tpu.memory_space<hbm>> -> memref<10240x64xf32, #tpu.memory_space<hbm>>
      %dma_wait3A_209 = arith.constant 0 : i32
      %dma_wait3A_210 = tpu.memref_slice %dma_wait3A_208[%mul3A_0, %dma_wait3A_209] : memref<10240x64xf32, #tpu.memory_space<hbm>> -> memref<640x64xf32, #tpu.memory_space<hbm>>
      %dma_wait3A_211 = arith.constant 0 : i32
      %dma_wait3A_212 = tpu.memref_slice %arg13[%mul3A_0, %dma_wait3A_211] : memref<10240x64xf32, #tpu.memory_space<vmem_shared>> -> memref<640x64xf32, #tpu.memory_space<vmem_shared>>
      tpu.wait_dma2 semaphore(%run_scoped3A : memref<!tpu.dma_semaphore, #tpu.memory_space<semaphore_mem>>) src(%dma_wait3A_212 : memref<640x64xf32, #tpu.memory_space<vmem_shared>>) dst(%dma_wait3A_210 : memref<640x64xf32, #tpu.memory_space<hbm>>)
      tpu.yield
    }) : () -> ()
    return
  }
}

#map = affine_map<(d0, d1) -> (0, 0, 0)>
module attributes {stable_mosaic.version = 14 : i64} {
  func.func @_hist_body(%arg0: i32, %arg1: i32, %arg2: memref<16x160x125xi32, #tpu.memory_space<hbm>>, %arg3: memref<2x10240x16xf32, #tpu.memory_space<hbm>>, %arg4: memref<80x125xi32, #tpu.memory_space<vmem>>, %arg5: memref<125x16xf32, #tpu.memory_space<vmem>>, %arg6: memref<10240x16xf32, #tpu.memory_space<vmem_shared>>, %arg7: memref<!tpu.dma_semaphore, #tpu.memory_space<semaphore_mem>>) attributes {dimension_semantics = [#tpu.dimension_semantics<core_parallel>, #tpu.dimension_semantics<subcore_parallel>], iteration_bounds = array<i64: 2, 16>, scalar_prefetch = 0 : i64, scratch_operands = 4 : i64, tpu.core_type = #tpu.core_type<sc_vector_subcore>, window_params = [{transform_indices = #map}, {transform_indices = #map}]} {
    %mul3A = arith.constant 640 : i32
    %mul3A_0 = arith.muli %arg1, %mul3A : i32
    %mul3A_1 = arith.constant 80 : i32
    %mul3A_2 = arith.muli %arg0, %mul3A_1 : i32
    "tpu.region"() ({
      %run_scoped3A = tpu.sem_alloc : memref<!tpu.dma_semaphore, #tpu.memory_space<semaphore_mem>>
      %dma_start3A = arith.constant 0 : i32
      %dma_start3A_26 = tpu.memref_slice %arg2[%arg1, %mul3A_2, %dma_start3A] : memref<16x160x125xi32, #tpu.memory_space<hbm>> -> memref<1x80x125xi32, #tpu.memory_space<hbm>>
      %dma_start3A_27 = tpu.memref_squeeze %dma_start3A_26 : memref<1x80x125xi32, #tpu.memory_space<hbm>> -> memref<80x125xi32, #tpu.memory_space<hbm>>
      %dma_start3A_28 = arith.constant 0 : i32
      %dma_start3A_29 = tpu.memref_slice %arg2[%arg1, %mul3A_2, %dma_start3A_28] : memref<16x160x125xi32, #tpu.memory_space<hbm>> -> memref<1x80x125xi32, #tpu.memory_space<hbm>>
      %dma_start3A_30 = tpu.memref_squeeze %dma_start3A_29 : memref<1x80x125xi32, #tpu.memory_space<hbm>> -> memref<80x125xi32, #tpu.memory_space<hbm>>
      tpu.enqueue_dma source(%dma_start3A_30 : memref<80x125xi32, #tpu.memory_space<hbm>>) target(%arg4 : memref<80x125xi32, #tpu.memory_space<vmem>>) target_semaphore(%run_scoped3A : memref<!tpu.dma_semaphore, #tpu.memory_space<semaphore_mem>>)
      %dma_wait3A = arith.constant 0 : i32
      %dma_wait3A_31 = tpu.memref_slice %arg2[%arg1, %mul3A_2, %dma_wait3A] : memref<16x160x125xi32, #tpu.memory_space<hbm>> -> memref<1x80x125xi32, #tpu.memory_space<hbm>>
      %dma_wait3A_32 = tpu.memref_squeeze %dma_wait3A_31 : memref<1x80x125xi32, #tpu.memory_space<hbm>> -> memref<80x125xi32, #tpu.memory_space<hbm>>
      %dma_wait3A_33 = arith.constant 0 : i32
      %dma_wait3A_34 = tpu.memref_slice %arg2[%arg1, %mul3A_2, %dma_wait3A_33] : memref<16x160x125xi32, #tpu.memory_space<hbm>> -> memref<1x80x125xi32, #tpu.memory_space<hbm>>
      %dma_wait3A_35 = tpu.memref_squeeze %dma_wait3A_34 : memref<1x80x125xi32, #tpu.memory_space<hbm>> -> memref<80x125xi32, #tpu.memory_space<hbm>>
      tpu.wait_dma2 semaphore(%run_scoped3A : memref<!tpu.dma_semaphore, #tpu.memory_space<semaphore_mem>>) src(%dma_wait3A_35 : memref<80x125xi32, #tpu.memory_space<hbm>>) dst(%arg4 : memref<80x125xi32, #tpu.memory_space<vmem>>)
      tpu.yield
    }) : () -> ()
    %scan3A = arith.constant 0 : i32
    %scan3A_3 = arith.constant 125 : i32
    %scan3A_4 = arith.addi %scan3A, %scan3A_3 : i32
    %scan3A_5 = arith.constant 1 : i32
    scf.for %scan3A_26 = %scan3A to %scan3A_4 step %scan3A_5  : i32 {
      %mul3A_27 = arith.constant 1 : i32
      %mul3A_28 = arith.muli %scan3A_26, %mul3A_27 : i32
      %add3A_29 = arith.constant 0 : i32
      %add3A_30 = arith.addi %add3A_29, %mul3A_28 : i32
      %broadcast_in_dim3A = arith.constant 0.000000e+00 : f32
      %broadcast_in_dim3A_31 = vector.broadcast %broadcast_in_dim3A : f32 to vector<16xf32>
      %swap3A = arith.index_cast %add3A_30 : i32 to index
      %swap3A_32 = arith.constant 0 : index
      %swap3A_33 = tpu.vector_load %arg5[%swap3A, %swap3A_32] {strides = array<i32>} : memref<125x16xf32, #tpu.memory_space<vmem>>, vector<1x16xf32>,
      %swap3A_34 = vector.shape_cast %swap3A_33 : vector<1x16xf32> to vector<16xf32>
      %swap3A_35 = vector.shape_cast %broadcast_in_dim3A_31 : vector<16xf32> to vector<1x16xf32>
      tpu.vector_store %arg5[%swap3A, %swap3A_32], %swap3A_35 {strides = array<i32>} : memref<125x16xf32, #tpu.memory_space<vmem>>, vector<1x16xf32>,
    }
    %scan3A_6 = arith.constant 125 : i32
    %scan3A_7 = arith.constant 0 : i32
    %scan3A_8 = arith.constant 5 : i32
    %scan3A_9 = arith.addi %scan3A_7, %scan3A_8 : i32
    %scan3A_10 = arith.constant 1 : i32
    scf.for %scan3A_26 = %scan3A_7 to %scan3A_9 step %scan3A_10  : i32 {
      %mul3A_27 = arith.constant 125 : i32
      %mul3A_28 = arith.muli %scan3A_26, %mul3A_27 : i32
      %add3A_29 = arith.constant 0 : i32
      %add3A_30 = arith.addi %add3A_29, %mul3A_28 : i32
      %mul3A_31 = arith.constant 640 : i32
      %mul3A_32 = arith.muli %arg1, %mul3A_31 : i32
      %add3A_33 = arith.addi %mul3A_32, %add3A_30 : i32
      "tpu.region"() ({
        %run_scoped3A = tpu.sem_alloc : memref<!tpu.dma_semaphore, #tpu.memory_space<semaphore_mem>>
        %dma_start3A = arith.constant 0 : i32
        %dma_start3A_34 = tpu.memref_slice %arg6[%add3A_33, %dma_start3A] : memref<10240x16xf32, #tpu.memory_space<vmem_shared>> -> memref<125x16xf32, #tpu.memory_space<vmem_shared>>
        %dma_start3A_35 = arith.constant 0 : i32
        %dma_start3A_36 = tpu.memref_slice %arg6[%add3A_33, %dma_start3A_35] : memref<10240x16xf32, #tpu.memory_space<vmem_shared>> -> memref<125x16xf32, #tpu.memory_space<vmem_shared>>
        tpu.enqueue_dma source(%arg5 : memref<125x16xf32, #tpu.memory_space<vmem>>) target(%dma_start3A_36 : memref<125x16xf32, #tpu.memory_space<vmem_shared>>) target_semaphore(%run_scoped3A : memref<!tpu.dma_semaphore, #tpu.memory_space<semaphore_mem>>)
        %dma_wait3A = arith.constant 0 : i32
        %dma_wait3A_37 = tpu.memref_slice %arg6[%add3A_33, %dma_wait3A] : memref<10240x16xf32, #tpu.memory_space<vmem_shared>> -> memref<125x16xf32, #tpu.memory_space<vmem_shared>>
        %dma_wait3A_38 = arith.constant 0 : i32
        %dma_wait3A_39 = tpu.memref_slice %arg6[%add3A_33, %dma_wait3A_38] : memref<10240x16xf32, #tpu.memory_space<vmem_shared>> -> memref<125x16xf32, #tpu.memory_space<vmem_shared>>
        tpu.wait_dma2 semaphore(%run_scoped3A : memref<!tpu.dma_semaphore, #tpu.memory_space<semaphore_mem>>) src(%arg5 : memref<125x16xf32, #tpu.memory_space<vmem>>) dst(%dma_wait3A_39 : memref<125x16xf32, #tpu.memory_space<vmem_shared>>)
        tpu.yield
      }) : () -> ()
    }
    %scan3A_11 = arith.constant 5 : i32
    %mul3A_12 = arith.constant 640 : i32
    %mul3A_13 = arith.muli %arg1, %mul3A_12 : i32
    %add3A = arith.constant 625 : i32
    %add3A_14 = arith.addi %mul3A_13, %add3A : i32
    "tpu.region"() ({
      %run_scoped3A = tpu.sem_alloc : memref<!tpu.dma_semaphore, #tpu.memory_space<semaphore_mem>>
      %dma_start3A = arith.constant 0 : i32
      %dma_start3A_26 = arith.constant 0 : i32
      %dma_start3A_27 = tpu.memref_slice %arg5[%dma_start3A, %dma_start3A_26] : memref<125x16xf32, #tpu.memory_space<vmem>> -> memref<15x16xf32, #tpu.memory_space<vmem>>
      %dma_start3A_28 = arith.constant 0 : i32
      %dma_start3A_29 = tpu.memref_slice %arg6[%add3A_14, %dma_start3A_28] : memref<10240x16xf32, #tpu.memory_space<vmem_shared>> -> memref<15x16xf32, #tpu.memory_space<vmem_shared>>
      %dma_start3A_30 = arith.constant 0 : i32
      %dma_start3A_31 = tpu.memref_slice %arg6[%add3A_14, %dma_start3A_30] : memref<10240x16xf32, #tpu.memory_space<vmem_shared>> -> memref<15x16xf32, #tpu.memory_space<vmem_shared>>
      %dma_start3A_32 = arith.constant 0 : i32
      %dma_start3A_33 = arith.constant 0 : i32
      %dma_start3A_34 = tpu.memref_slice %arg5[%dma_start3A_32, %dma_start3A_33] : memref<125x16xf32, #tpu.memory_space<vmem>> -> memref<15x16xf32, #tpu.memory_space<vmem>>
      tpu.enqueue_dma source(%dma_start3A_34 : memref<15x16xf32, #tpu.memory_space<vmem>>) target(%dma_start3A_31 : memref<15x16xf32, #tpu.memory_space<vmem_shared>>) target_semaphore(%run_scoped3A : memref<!tpu.dma_semaphore, #tpu.memory_space<semaphore_mem>>)
      %dma_wait3A = arith.constant 0 : i32
      %dma_wait3A_35 = arith.constant 0 : i32
      %dma_wait3A_36 = tpu.memref_slice %arg5[%dma_wait3A, %dma_wait3A_35] : memref<125x16xf32, #tpu.memory_space<vmem>> -> memref<15x16xf32, #tpu.memory_space<vmem>>
      %dma_wait3A_37 = arith.constant 0 : i32
      %dma_wait3A_38 = tpu.memref_slice %arg6[%add3A_14, %dma_wait3A_37] : memref<10240x16xf32, #tpu.memory_space<vmem_shared>> -> memref<15x16xf32, #tpu.memory_space<vmem_shared>>
      %dma_wait3A_39 = arith.constant 0 : i32
      %dma_wait3A_40 = tpu.memref_slice %arg6[%add3A_14, %dma_wait3A_39] : memref<10240x16xf32, #tpu.memory_space<vmem_shared>> -> memref<15x16xf32, #tpu.memory_space<vmem_shared>>
      %dma_wait3A_41 = arith.constant 0 : i32
      %dma_wait3A_42 = arith.constant 0 : i32
      %dma_wait3A_43 = tpu.memref_slice %arg5[%dma_wait3A_41, %dma_wait3A_42] : memref<125x16xf32, #tpu.memory_space<vmem>> -> memref<15x16xf32, #tpu.memory_space<vmem>>
      tpu.wait_dma2 semaphore(%run_scoped3A : memref<!tpu.dma_semaphore, #tpu.memory_space<semaphore_mem>>) src(%dma_wait3A_43 : memref<15x16xf32, #tpu.memory_space<vmem>>) dst(%dma_wait3A_40 : memref<15x16xf32, #tpu.memory_space<vmem_shared>>)
      tpu.yield
    }) : () -> ()
    %scan3A_15 = arith.constant 0 : i32
    %scan3A_16 = arith.constant 125 : i32
    %scan3A_17 = arith.addi %scan3A_15, %scan3A_16 : i32
    %scan3A_18 = arith.constant 1 : i32
    scf.for %scan3A_26 = %scan3A_15 to %scan3A_17 step %scan3A_18  : i32 {
      %mul3A_27 = arith.constant 1 : i32
      %mul3A_28 = arith.muli %scan3A_26, %mul3A_27 : i32
      %add3A_29 = arith.constant 0 : i32
      %add3A_30 = arith.addi %add3A_29, %mul3A_28 : i32
      %broadcast_in_dim3A = arith.constant 1.000000e+00 : f32
      %broadcast_in_dim3A_31 = vector.broadcast %broadcast_in_dim3A : f32 to vector<16xf32>
      %swap3A = arith.index_cast %add3A_30 : i32 to index
      %swap3A_32 = arith.constant 0 : index
      %swap3A_33 = tpu.vector_load %arg5[%swap3A, %swap3A_32] {strides = array<i32>} : memref<125x16xf32, #tpu.memory_space<vmem>>, vector<1x16xf32>,
      %swap3A_34 = vector.shape_cast %swap3A_33 : vector<1x16xf32> to vector<16xf32>
      %swap3A_35 = vector.shape_cast %broadcast_in_dim3A_31 : vector<16xf32> to vector<1x16xf32>
      tpu.vector_store %arg5[%swap3A, %swap3A_32], %swap3A_35 {strides = array<i32>} : memref<125x16xf32, #tpu.memory_space<vmem>>, vector<1x16xf32>,
    }
    %scan3A_19 = arith.constant 125 : i32
    %barrier3A = arith.constant 0 : index
    tpu.barrier barrier_id(%barrier3A)
    %scan3A_20 = arith.constant 0 : i32
    %scan3A_21 = arith.constant 10 : i32
    %scan3A_22 = arith.addi %scan3A_20, %scan3A_21 : i32
    %scan3A_23 = arith.constant 1 : i32
    scf.for %scan3A_26 = %scan3A_20 to %scan3A_22 step %scan3A_23  : i32 {
      %mul3A_27 = arith.constant 8 : i32
      %mul3A_28 = arith.muli %scan3A_26, %mul3A_27 : i32
      %add3A_29 = arith.constant 0 : i32
      %add3A_30 = arith.addi %add3A_29, %mul3A_28 : i32
      %add3A_31 = arith.constant 0 : i32
      %add3A_32 = arith.addi %add3A_30, %add3A_31 : i32
      %dma_start3A = arith.constant 0 : i32
      %dma_start3A_33 = tpu.memref_slice %arg4[%add3A_32, %dma_start3A] : memref<80x125xi32, #tpu.memory_space<vmem>> -> memref<1x125xi32, #tpu.memory_space<vmem>>
      %dma_start3A_34 = tpu.memref_squeeze %dma_start3A_33 : memref<1x125xi32, #tpu.memory_space<vmem>> -> memref<125xi32, #tpu.memory_space<vmem>>
      %dma_start3A_35 = arith.constant 0 : i32
      %dma_start3A_36 = arith.constant 0 : i32
      %dma_start3A_37 = tpu.memref_slice %arg6[%dma_start3A_35, %dma_start3A_36] : memref<10240x16xf32, #tpu.memory_space<vmem_shared>> -> memref<10240x16xf32, #tpu.memory_space<vmem_shared>>
      tpu.enqueue_indirect_dma source(%arg5 : memref<125x16xf32, #tpu.memory_space<vmem>>) target(%dma_start3A_37 : memref<10240x16xf32, #tpu.memory_space<vmem_shared>>) offsets(%dma_start3A_34 : memref<125xi32, #tpu.memory_space<vmem>>) semaphore(%arg7 : memref<!tpu.dma_semaphore, #tpu.memory_space<semaphore_mem>>) {add = true}
      %add3A_38 = arith.constant 1 : i32
      %add3A_39 = arith.addi %add3A_30, %add3A_38 : i32
      %dma_start3A_40 = arith.constant 0 : i32
      %dma_start3A_41 = tpu.memref_slice %arg4[%add3A_39, %dma_start3A_40] : memref<80x125xi32, #tpu.memory_space<vmem>> -> memref<1x125xi32, #tpu.memory_space<vmem>>
      %dma_start3A_42 = tpu.memref_squeeze %dma_start3A_41 : memref<1x125xi32, #tpu.memory_space<vmem>> -> memref<125xi32, #tpu.memory_space<vmem>>
      %dma_start3A_43 = arith.constant 0 : i32
      %dma_start3A_44 = arith.constant 0 : i32
      %dma_start3A_45 = tpu.memref_slice %arg6[%dma_start3A_43, %dma_start3A_44] : memref<10240x16xf32, #tpu.memory_space<vmem_shared>> -> memref<10240x16xf32, #tpu.memory_space<vmem_shared>>
      tpu.enqueue_indirect_dma source(%arg5 : memref<125x16xf32, #tpu.memory_space<vmem>>) target(%dma_start3A_45 : memref<10240x16xf32, #tpu.memory_space<vmem_shared>>) offsets(%dma_start3A_42 : memref<125xi32, #tpu.memory_space<vmem>>) semaphore(%arg7 : memref<!tpu.dma_semaphore, #tpu.memory_space<semaphore_mem>>) {add = true}
      %add3A_46 = arith.constant 2 : i32
      %add3A_47 = arith.addi %add3A_30, %add3A_46 : i32
      %dma_start3A_48 = arith.constant 0 : i32
      %dma_start3A_49 = tpu.memref_slice %arg4[%add3A_47, %dma_start3A_48] : memref<80x125xi32, #tpu.memory_space<vmem>> -> memref<1x125xi32, #tpu.memory_space<vmem>>
      %dma_start3A_50 = tpu.memref_squeeze %dma_start3A_49 : memref<1x125xi32, #tpu.memory_space<vmem>> -> memref<125xi32, #tpu.memory_space<vmem>>
      %dma_start3A_51 = arith.constant 0 : i32
      %dma_start3A_52 = arith.constant 0 : i32
      %dma_start3A_53 = tpu.memref_slice %arg6[%dma_start3A_51, %dma_start3A_52] : memref<10240x16xf32, #tpu.memory_space<vmem_shared>> -> memref<10240x16xf32, #tpu.memory_space<vmem_shared>>
      tpu.enqueue_indirect_dma source(%arg5 : memref<125x16xf32, #tpu.memory_space<vmem>>) target(%dma_start3A_53 : memref<10240x16xf32, #tpu.memory_space<vmem_shared>>) offsets(%dma_start3A_50 : memref<125xi32, #tpu.memory_space<vmem>>) semaphore(%arg7 : memref<!tpu.dma_semaphore, #tpu.memory_space<semaphore_mem>>) {add = true}
      %add3A_54 = arith.constant 3 : i32
      %add3A_55 = arith.addi %add3A_30, %add3A_54 : i32
      %dma_start3A_56 = arith.constant 0 : i32
      %dma_start3A_57 = tpu.memref_slice %arg4[%add3A_55, %dma_start3A_56] : memref<80x125xi32, #tpu.memory_space<vmem>> -> memref<1x125xi32, #tpu.memory_space<vmem>>
      %dma_start3A_58 = tpu.memref_squeeze %dma_start3A_57 : memref<1x125xi32, #tpu.memory_space<vmem>> -> memref<125xi32, #tpu.memory_space<vmem>>
      %dma_start3A_59 = arith.constant 0 : i32
      %dma_start3A_60 = arith.constant 0 : i32
      %dma_start3A_61 = tpu.memref_slice %arg6[%dma_start3A_59, %dma_start3A_60] : memref<10240x16xf32, #tpu.memory_space<vmem_shared>> -> memref<10240x16xf32, #tpu.memory_space<vmem_shared>>
      tpu.enqueue_indirect_dma source(%arg5 : memref<125x16xf32, #tpu.memory_space<vmem>>) target(%dma_start3A_61 : memref<10240x16xf32, #tpu.memory_space<vmem_shared>>) offsets(%dma_start3A_58 : memref<125xi32, #tpu.memory_space<vmem>>) semaphore(%arg7 : memref<!tpu.dma_semaphore, #tpu.memory_space<semaphore_mem>>) {add = true}
      %add3A_62 = arith.constant 4 : i32
      %add3A_63 = arith.addi %add3A_30, %add3A_62 : i32
      %dma_start3A_64 = arith.constant 0 : i32
      %dma_start3A_65 = tpu.memref_slice %arg4[%add3A_63, %dma_start3A_64] : memref<80x125xi32, #tpu.memory_space<vmem>> -> memref<1x125xi32, #tpu.memory_space<vmem>>
      %dma_start3A_66 = tpu.memref_squeeze %dma_start3A_65 : memref<1x125xi32, #tpu.memory_space<vmem>> -> memref<125xi32, #tpu.memory_space<vmem>>
      %dma_start3A_67 = arith.constant 0 : i32
      %dma_start3A_68 = arith.constant 0 : i32
      %dma_start3A_69 = tpu.memref_slice %arg6[%dma_start3A_67, %dma_start3A_68] : memref<10240x16xf32, #tpu.memory_space<vmem_shared>> -> memref<10240x16xf32, #tpu.memory_space<vmem_shared>>
      tpu.enqueue_indirect_dma source(%arg5 : memref<125x16xf32, #tpu.memory_space<vmem>>) target(%dma_start3A_69 : memref<10240x16xf32, #tpu.memory_space<vmem_shared>>) offsets(%dma_start3A_66 : memref<125xi32, #tpu.memory_space<vmem>>) semaphore(%arg7 : memref<!tpu.dma_semaphore, #tpu.memory_space<semaphore_mem>>) {add = true}
      %add3A_70 = arith.constant 5 : i32
      %add3A_71 = arith.addi %add3A_30, %add3A_70 : i32
      %dma_start3A_72 = arith.constant 0 : i32
      %dma_start3A_73 = tpu.memref_slice %arg4[%add3A_71, %dma_start3A_72] : memref<80x125xi32, #tpu.memory_space<vmem>> -> memref<1x125xi32, #tpu.memory_space<vmem>>
      %dma_start3A_74 = tpu.memref_squeeze %dma_start3A_73 : memref<1x125xi32, #tpu.memory_space<vmem>> -> memref<125xi32, #tpu.memory_space<vmem>>
      %dma_start3A_75 = arith.constant 0 : i32
      %dma_start3A_76 = arith.constant 0 : i32
      %dma_start3A_77 = tpu.memref_slice %arg6[%dma_start3A_75, %dma_start3A_76] : memref<10240x16xf32, #tpu.memory_space<vmem_shared>> -> memref<10240x16xf32, #tpu.memory_space<vmem_shared>>
      tpu.enqueue_indirect_dma source(%arg5 : memref<125x16xf32, #tpu.memory_space<vmem>>) target(%dma_start3A_77 : memref<10240x16xf32, #tpu.memory_space<vmem_shared>>) offsets(%dma_start3A_74 : memref<125xi32, #tpu.memory_space<vmem>>) semaphore(%arg7 : memref<!tpu.dma_semaphore, #tpu.memory_space<semaphore_mem>>) {add = true}
      %add3A_78 = arith.constant 6 : i32
      %add3A_79 = arith.addi %add3A_30, %add3A_78 : i32
      %dma_start3A_80 = arith.constant 0 : i32
      %dma_start3A_81 = tpu.memref_slice %arg4[%add3A_79, %dma_start3A_80] : memref<80x125xi32, #tpu.memory_space<vmem>> -> memref<1x125xi32, #tpu.memory_space<vmem>>
      %dma_start3A_82 = tpu.memref_squeeze %dma_start3A_81 : memref<1x125xi32, #tpu.memory_space<vmem>> -> memref<125xi32, #tpu.memory_space<vmem>>
      %dma_start3A_83 = arith.constant 0 : i32
      %dma_start3A_84 = arith.constant 0 : i32
      %dma_start3A_85 = tpu.memref_slice %arg6[%dma_start3A_83, %dma_start3A_84] : memref<10240x16xf32, #tpu.memory_space<vmem_shared>> -> memref<10240x16xf32, #tpu.memory_space<vmem_shared>>
      tpu.enqueue_indirect_dma source(%arg5 : memref<125x16xf32, #tpu.memory_space<vmem>>) target(%dma_start3A_85 : memref<10240x16xf32, #tpu.memory_space<vmem_shared>>) offsets(%dma_start3A_82 : memref<125xi32, #tpu.memory_space<vmem>>) semaphore(%arg7 : memref<!tpu.dma_semaphore, #tpu.memory_space<semaphore_mem>>) {add = true}
      %add3A_86 = arith.constant 7 : i32
      %add3A_87 = arith.addi %add3A_30, %add3A_86 : i32
      %dma_start3A_88 = arith.constant 0 : i32
      %dma_start3A_89 = tpu.memref_slice %arg4[%add3A_87, %dma_start3A_88] : memref<80x125xi32, #tpu.memory_space<vmem>> -> memref<1x125xi32, #tpu.memory_space<vmem>>
      %dma_start3A_90 = tpu.memref_squeeze %dma_start3A_89 : memref<1x125xi32, #tpu.memory_space<vmem>> -> memref<125xi32, #tpu.memory_space<vmem>>
      %dma_start3A_91 = arith.constant 0 : i32
      %dma_start3A_92 = arith.constant 0 : i32
      %dma_start3A_93 = tpu.memref_slice %arg6[%dma_start3A_91, %dma_start3A_92] : memref<10240x16xf32, #tpu.memory_space<vmem_shared>> -> memref<10240x16xf32, #tpu.memory_space<vmem_shared>>
      tpu.enqueue_indirect_dma source(%arg5 : memref<125x16xf32, #tpu.memory_space<vmem>>) target(%dma_start3A_93 : memref<10240x16xf32, #tpu.memory_space<vmem_shared>>) offsets(%dma_start3A_90 : memref<125xi32, #tpu.memory_space<vmem>>) semaphore(%arg7 : memref<!tpu.dma_semaphore, #tpu.memory_space<semaphore_mem>>) {add = true}
      %add3A_94 = arith.constant 0 : i32
      %add3A_95 = arith.addi %add3A_30, %add3A_94 : i32
      %dma_wait3A = arith.constant 0 : i32
      %dma_wait3A_96 = tpu.memref_slice %arg4[%add3A_95, %dma_wait3A] : memref<80x125xi32, #tpu.memory_space<vmem>> -> memref<1x125xi32, #tpu.memory_space<vmem>>
      %dma_wait3A_97 = tpu.memref_squeeze %dma_wait3A_96 : memref<1x125xi32, #tpu.memory_space<vmem>> -> memref<125xi32, #tpu.memory_space<vmem>>
      %dma_wait3A_98 = arith.constant 0 : i32
      %dma_wait3A_99 = arith.constant 0 : i32
      %dma_wait3A_100 = tpu.memref_slice %arg6[%dma_wait3A_98, %dma_wait3A_99] : memref<10240x16xf32, #tpu.memory_space<vmem_shared>> -> memref<10240x16xf32, #tpu.memory_space<vmem_shared>>
      tpu.wait_indirect_dma semaphore(%arg7 : memref<!tpu.dma_semaphore, #tpu.memory_space<semaphore_mem>>) src(%arg5 : memref<125x16xf32, #tpu.memory_space<vmem>>) dst(%dma_wait3A_100 : memref<10240x16xf32, #tpu.memory_space<vmem_shared>>)
      %add3A_101 = arith.constant 1 : i32
      %add3A_102 = arith.addi %add3A_30, %add3A_101 : i32
      %dma_wait3A_103 = arith.constant 0 : i32
      %dma_wait3A_104 = tpu.memref_slice %arg4[%add3A_102, %dma_wait3A_103] : memref<80x125xi32, #tpu.memory_space<vmem>> -> memref<1x125xi32, #tpu.memory_space<vmem>>
      %dma_wait3A_105 = tpu.memref_squeeze %dma_wait3A_104 : memref<1x125xi32, #tpu.memory_space<vmem>> -> memref<125xi32, #tpu.memory_space<vmem>>
      %dma_wait3A_106 = arith.constant 0 : i32
      %dma_wait3A_107 = arith.constant 0 : i32
      %dma_wait3A_108 = tpu.memref_slice %arg6[%dma_wait3A_106, %dma_wait3A_107] : memref<10240x16xf32, #tpu.memory_space<vmem_shared>> -> memref<10240x16xf32, #tpu.memory_space<vmem_shared>>
      tpu.wait_indirect_dma semaphore(%arg7 : memref<!tpu.dma_semaphore, #tpu.memory_space<semaphore_mem>>) src(%arg5 : memref<125x16xf32, #tpu.memory_space<vmem>>) dst(%dma_wait3A_108 : memref<10240x16xf32, #tpu.memory_space<vmem_shared>>)
      %add3A_109 = arith.constant 2 : i32
      %add3A_110 = arith.addi %add3A_30, %add3A_109 : i32
      %dma_wait3A_111 = arith.constant 0 : i32
      %dma_wait3A_112 = tpu.memref_slice %arg4[%add3A_110, %dma_wait3A_111] : memref<80x125xi32, #tpu.memory_space<vmem>> -> memref<1x125xi32, #tpu.memory_space<vmem>>
      %dma_wait3A_113 = tpu.memref_squeeze %dma_wait3A_112 : memref<1x125xi32, #tpu.memory_space<vmem>> -> memref<125xi32, #tpu.memory_space<vmem>>
      %dma_wait3A_114 = arith.constant 0 : i32
      %dma_wait3A_115 = arith.constant 0 : i32
      %dma_wait3A_116 = tpu.memref_slice %arg6[%dma_wait3A_114, %dma_wait3A_115] : memref<10240x16xf32, #tpu.memory_space<vmem_shared>> -> memref<10240x16xf32, #tpu.memory_space<vmem_shared>>
      tpu.wait_indirect_dma semaphore(%arg7 : memref<!tpu.dma_semaphore, #tpu.memory_space<semaphore_mem>>) src(%arg5 : memref<125x16xf32, #tpu.memory_space<vmem>>) dst(%dma_wait3A_116 : memref<10240x16xf32, #tpu.memory_space<vmem_shared>>)
      %add3A_117 = arith.constant 3 : i32
      %add3A_118 = arith.addi %add3A_30, %add3A_117 : i32
      %dma_wait3A_119 = arith.constant 0 : i32
      %dma_wait3A_120 = tpu.memref_slice %arg4[%add3A_118, %dma_wait3A_119] : memref<80x125xi32, #tpu.memory_space<vmem>> -> memref<1x125xi32, #tpu.memory_space<vmem>>
      %dma_wait3A_121 = tpu.memref_squeeze %dma_wait3A_120 : memref<1x125xi32, #tpu.memory_space<vmem>> -> memref<125xi32, #tpu.memory_space<vmem>>
      %dma_wait3A_122 = arith.constant 0 : i32
      %dma_wait3A_123 = arith.constant 0 : i32
      %dma_wait3A_124 = tpu.memref_slice %arg6[%dma_wait3A_122, %dma_wait3A_123] : memref<10240x16xf32, #tpu.memory_space<vmem_shared>> -> memref<10240x16xf32, #tpu.memory_space<vmem_shared>>
      tpu.wait_indirect_dma semaphore(%arg7 : memref<!tpu.dma_semaphore, #tpu.memory_space<semaphore_mem>>) src(%arg5 : memref<125x16xf32, #tpu.memory_space<vmem>>) dst(%dma_wait3A_124 : memref<10240x16xf32, #tpu.memory_space<vmem_shared>>)
      %add3A_125 = arith.constant 4 : i32
      %add3A_126 = arith.addi %add3A_30, %add3A_125 : i32
      %dma_wait3A_127 = arith.constant 0 : i32
      %dma_wait3A_128 = tpu.memref_slice %arg4[%add3A_126, %dma_wait3A_127] : memref<80x125xi32, #tpu.memory_space<vmem>> -> memref<1x125xi32, #tpu.memory_space<vmem>>
      %dma_wait3A_129 = tpu.memref_squeeze %dma_wait3A_128 : memref<1x125xi32, #tpu.memory_space<vmem>> -> memref<125xi32, #tpu.memory_space<vmem>>
      %dma_wait3A_130 = arith.constant 0 : i32
      %dma_wait3A_131 = arith.constant 0 : i32
      %dma_wait3A_132 = tpu.memref_slice %arg6[%dma_wait3A_130, %dma_wait3A_131] : memref<10240x16xf32, #tpu.memory_space<vmem_shared>> -> memref<10240x16xf32, #tpu.memory_space<vmem_shared>>
      tpu.wait_indirect_dma semaphore(%arg7 : memref<!tpu.dma_semaphore, #tpu.memory_space<semaphore_mem>>) src(%arg5 : memref<125x16xf32, #tpu.memory_space<vmem>>) dst(%dma_wait3A_132 : memref<10240x16xf32, #tpu.memory_space<vmem_shared>>)
      %add3A_133 = arith.constant 5 : i32
      %add3A_134 = arith.addi %add3A_30, %add3A_133 : i32
      %dma_wait3A_135 = arith.constant 0 : i32
      %dma_wait3A_136 = tpu.memref_slice %arg4[%add3A_134, %dma_wait3A_135] : memref<80x125xi32, #tpu.memory_space<vmem>> -> memref<1x125xi32, #tpu.memory_space<vmem>>
      %dma_wait3A_137 = tpu.memref_squeeze %dma_wait3A_136 : memref<1x125xi32, #tpu.memory_space<vmem>> -> memref<125xi32, #tpu.memory_space<vmem>>
      %dma_wait3A_138 = arith.constant 0 : i32
      %dma_wait3A_139 = arith.constant 0 : i32
      %dma_wait3A_140 = tpu.memref_slice %arg6[%dma_wait3A_138, %dma_wait3A_139] : memref<10240x16xf32, #tpu.memory_space<vmem_shared>> -> memref<10240x16xf32, #tpu.memory_space<vmem_shared>>
      tpu.wait_indirect_dma semaphore(%arg7 : memref<!tpu.dma_semaphore, #tpu.memory_space<semaphore_mem>>) src(%arg5 : memref<125x16xf32, #tpu.memory_space<vmem>>) dst(%dma_wait3A_140 : memref<10240x16xf32, #tpu.memory_space<vmem_shared>>)
      %add3A_141 = arith.constant 6 : i32
      %add3A_142 = arith.addi %add3A_30, %add3A_141 : i32
      %dma_wait3A_143 = arith.constant 0 : i32
      %dma_wait3A_144 = tpu.memref_slice %arg4[%add3A_142, %dma_wait3A_143] : memref<80x125xi32, #tpu.memory_space<vmem>> -> memref<1x125xi32, #tpu.memory_space<vmem>>
      %dma_wait3A_145 = tpu.memref_squeeze %dma_wait3A_144 : memref<1x125xi32, #tpu.memory_space<vmem>> -> memref<125xi32, #tpu.memory_space<vmem>>
      %dma_wait3A_146 = arith.constant 0 : i32
      %dma_wait3A_147 = arith.constant 0 : i32
      %dma_wait3A_148 = tpu.memref_slice %arg6[%dma_wait3A_146, %dma_wait3A_147] : memref<10240x16xf32, #tpu.memory_space<vmem_shared>> -> memref<10240x16xf32, #tpu.memory_space<vmem_shared>>
      tpu.wait_indirect_dma semaphore(%arg7 : memref<!tpu.dma_semaphore, #tpu.memory_space<semaphore_mem>>) src(%arg5 : memref<125x16xf32, #tpu.memory_space<vmem>>) dst(%dma_wait3A_148 : memref<10240x16xf32, #tpu.memory_space<vmem_shared>>)
      %add3A_149 = arith.constant 7 : i32
      %add3A_150 = arith.addi %add3A_30, %add3A_149 : i32
      %dma_wait3A_151 = arith.constant 0 : i32
      %dma_wait3A_152 = tpu.memref_slice %arg4[%add3A_150, %dma_wait3A_151] : memref<80x125xi32, #tpu.memory_space<vmem>> -> memref<1x125xi32, #tpu.memory_space<vmem>>
      %dma_wait3A_153 = tpu.memref_squeeze %dma_wait3A_152 : memref<1x125xi32, #tpu.memory_space<vmem>> -> memref<125xi32, #tpu.memory_space<vmem>>
      %dma_wait3A_154 = arith.constant 0 : i32
      %dma_wait3A_155 = arith.constant 0 : i32
      %dma_wait3A_156 = tpu.memref_slice %arg6[%dma_wait3A_154, %dma_wait3A_155] : memref<10240x16xf32, #tpu.memory_space<vmem_shared>> -> memref<10240x16xf32, #tpu.memory_space<vmem_shared>>
      tpu.wait_indirect_dma semaphore(%arg7 : memref<!tpu.dma_semaphore, #tpu.memory_space<semaphore_mem>>) src(%arg5 : memref<125x16xf32, #tpu.memory_space<vmem>>) dst(%dma_wait3A_156 : memref<10240x16xf32, #tpu.memory_space<vmem_shared>>)
    }
    %scan3A_24 = arith.constant 10 : i32
    %barrier3A_25 = arith.constant 0 : index
    tpu.barrier barrier_id(%barrier3A_25)
    "tpu.region"() ({
      %run_scoped3A = tpu.sem_alloc : memref<!tpu.dma_semaphore, #tpu.memory_space<semaphore_mem>>
      %dma_start3A = arith.constant 0 : i32
      %dma_start3A_26 = arith.constant 0 : i32
      %dma_start3A_27 = tpu.memref_slice %arg3[%arg0, %dma_start3A, %dma_start3A_26] : memref<2x10240x16xf32, #tpu.memory_space<hbm>> -> memref<1x10240x16xf32, #tpu.memory_space<hbm>>
      %dma_start3A_28 = tpu.memref_squeeze %dma_start3A_27 : memref<1x10240x16xf32, #tpu.memory_space<hbm>> -> memref<10240x16xf32, #tpu.memory_space<hbm>>
      %dma_start3A_29 = arith.constant 0 : i32
      %dma_start3A_30 = tpu.memref_slice %dma_start3A_28[%mul3A_0, %dma_start3A_29] : memref<10240x16xf32, #tpu.memory_space<hbm>> -> memref<640x16xf32, #tpu.memory_space<hbm>>
      %dma_start3A_31 = arith.constant 0 : i32
      %dma_start3A_32 = tpu.memref_slice %arg6[%mul3A_0, %dma_start3A_31] : memref<10240x16xf32, #tpu.memory_space<vmem_shared>> -> memref<640x16xf32, #tpu.memory_space<vmem_shared>>
      tpu.enqueue_dma source(%dma_start3A_32 : memref<640x16xf32, #tpu.memory_space<vmem_shared>>) target(%dma_start3A_30 : memref<640x16xf32, #tpu.memory_space<hbm>>) target_semaphore(%run_scoped3A : memref<!tpu.dma_semaphore, #tpu.memory_space<semaphore_mem>>)
      %dma_wait3A = arith.constant 0 : i32
      %dma_wait3A_33 = arith.constant 0 : i32
      %dma_wait3A_34 = tpu.memref_slice %arg3[%arg0, %dma_wait3A, %dma_wait3A_33] : memref<2x10240x16xf32, #tpu.memory_space<hbm>> -> memref<1x10240x16xf32, #tpu.memory_space<hbm>>
      %dma_wait3A_35 = tpu.memref_squeeze %dma_wait3A_34 : memref<1x10240x16xf32, #tpu.memory_space<hbm>> -> memref<10240x16xf32, #tpu.memory_space<hbm>>
      %dma_wait3A_36 = arith.constant 0 : i32
      %dma_wait3A_37 = tpu.memref_slice %dma_wait3A_35[%mul3A_0, %dma_wait3A_36] : memref<10240x16xf32, #tpu.memory_space<hbm>> -> memref<640x16xf32, #tpu.memory_space<hbm>>
      %dma_wait3A_38 = arith.constant 0 : i32
      %dma_wait3A_39 = tpu.memref_slice %arg6[%mul3A_0, %dma_wait3A_38] : memref<10240x16xf32, #tpu.memory_space<vmem_shared>> -> memref<640x16xf32, #tpu.memory_space<vmem_shared>>
      tpu.wait_dma2 semaphore(%run_scoped3A : memref<!tpu.dma_semaphore, #tpu.memory_space<semaphore_mem>>) src(%dma_wait3A_39 : memref<640x16xf32, #tpu.memory_space<vmem_shared>>) dst(%dma_wait3A_37 : memref<640x16xf32, #tpu.memory_space<hbm>>)
      tpu.yield
    }) : () -> ()
    return
  }
}

#map = affine_map<(d0, d1) -> (0, 0, 0)>
module attributes {stable_mosaic.version = 14 : i64} {
  func.func @_agg_body(%arg0: i32, %arg1: i32, %arg2: memref<2x10000x64xf32, #tpu.memory_space<hbm>>, %arg3: memref<16x160x125xi32, #tpu.memory_space<hbm>>, %arg4: memref<16x160x125xi32, #tpu.memory_space<hbm>>, %arg5: memref<2x10240x64xf32, #tpu.memory_space<hbm>>, %arg6: memref<160x125xi32, #tpu.memory_space<vmem>>, %arg7: memref<160x125xi32, #tpu.memory_space<vmem>>, %arg8: memref<125x64xf32, #tpu.memory_space<vmem>>, %arg9: memref<125x64xf32, #tpu.memory_space<vmem>>, %arg10: memref<125x64xf32, #tpu.memory_space<vmem>>, %arg11: memref<125x64xf32, #tpu.memory_space<vmem>>, %arg12: memref<125x64xf32, #tpu.memory_space<vmem>>, %arg13: memref<10240x64xf32, #tpu.memory_space<vmem_shared>>, %arg14: memref<!tpu.dma_semaphore, #tpu.memory_space<semaphore_mem>>, %arg15: memref<!tpu.dma_semaphore, #tpu.memory_space<semaphore_mem>>, %arg16: memref<!tpu.dma_semaphore, #tpu.memory_space<semaphore_mem>>, %arg17: memref<!tpu.dma_semaphore, #tpu.memory_space<semaphore_mem>>, %arg18: memref<!tpu.dma_semaphore, #tpu.memory_space<semaphore_mem>>, %arg19: memref<!tpu.dma_semaphore, #tpu.memory_space<semaphore_mem>>, %arg20: memref<!tpu.dma_semaphore, #tpu.memory_space<semaphore_mem>>, %arg21: memref<!tpu.dma_semaphore, #tpu.memory_space<semaphore_mem>>, %arg22: memref<!tpu.dma_semaphore, #tpu.memory_space<semaphore_mem>>, %arg23: memref<!tpu.dma_semaphore, #tpu.memory_space<semaphore_mem>>) attributes {dimension_semantics = [#tpu.dimension_semantics<core_parallel>, #tpu.dimension_semantics<subcore_parallel>], iteration_bounds = array<i64: 2, 16>, scalar_prefetch = 0 : i64, scratch_operands = 18 : i64, tpu.core_type = #tpu.core_type<sc_vector_subcore>, window_params = [{transform_indices = #map}, {transform_indices = #map}, {transform_indices = #map}, {transform_indices = #map}]} {
    %mul3A = arith.constant 640 : i32
    %mul3A_0 = arith.muli %arg1, %mul3A : i32
    "tpu.region"() ({
      %run_scoped3A = tpu.sem_alloc : memref<!tpu.dma_semaphore, #tpu.memory_space<semaphore_mem>>
      %dma_start3A_197 = arith.constant 0 : i32
      %dma_start3A_198 = arith.constant 0 : i32
      %dma_start3A_199 = tpu.memref_slice %arg3[%arg1, %dma_start3A_197, %dma_start3A_198] : memref<16x160x125xi32, #tpu.memory_space<hbm>> -> memref<1x160x125xi32, #tpu.memory_space<hbm>>
      %dma_start3A_200 = tpu.memref_squeeze %dma_start3A_199 : memref<1x160x125xi32, #tpu.memory_space<hbm>> -> memref<160x125xi32, #tpu.memory_space<hbm>>
      %dma_start3A_201 = arith.constant 0 : i32
      %dma_start3A_202 = arith.constant 0 : i32
      %dma_start3A_203 = tpu.memref_slice %arg3[%arg1, %dma_start3A_201, %dma_start3A_202] : memref<16x160x125xi32, #tpu.memory_space<hbm>> -> memref<1x160x125xi32, #tpu.memory_space<hbm>>
      %dma_start3A_204 = tpu.memref_squeeze %dma_start3A_203 : memref<1x160x125xi32, #tpu.memory_space<hbm>> -> memref<160x125xi32, #tpu.memory_space<hbm>>
      tpu.enqueue_dma source(%dma_start3A_204 : memref<160x125xi32, #tpu.memory_space<hbm>>) target(%arg6 : memref<160x125xi32, #tpu.memory_space<vmem>>) target_semaphore(%run_scoped3A : memref<!tpu.dma_semaphore, #tpu.memory_space<semaphore_mem>>)
      %dma_wait3A_205 = arith.constant 0 : i32
      %dma_wait3A_206 = arith.constant 0 : i32
      %dma_wait3A_207 = tpu.memref_slice %arg3[%arg1, %dma_wait3A_205, %dma_wait3A_206] : memref<16x160x125xi32, #tpu.memory_space<hbm>> -> memref<1x160x125xi32, #tpu.memory_space<hbm>>
      %dma_wait3A_208 = tpu.memref_squeeze %dma_wait3A_207 : memref<1x160x125xi32, #tpu.memory_space<hbm>> -> memref<160x125xi32, #tpu.memory_space<hbm>>
      %dma_wait3A_209 = arith.constant 0 : i32
      %dma_wait3A_210 = arith.constant 0 : i32
      %dma_wait3A_211 = tpu.memref_slice %arg3[%arg1, %dma_wait3A_209, %dma_wait3A_210] : memref<16x160x125xi32, #tpu.memory_space<hbm>> -> memref<1x160x125xi32, #tpu.memory_space<hbm>>
      %dma_wait3A_212 = tpu.memref_squeeze %dma_wait3A_211 : memref<1x160x125xi32, #tpu.memory_space<hbm>> -> memref<160x125xi32, #tpu.memory_space<hbm>>
      tpu.wait_dma2 semaphore(%run_scoped3A : memref<!tpu.dma_semaphore, #tpu.memory_space<semaphore_mem>>) src(%dma_wait3A_212 : memref<160x125xi32, #tpu.memory_space<hbm>>) dst(%arg6 : memref<160x125xi32, #tpu.memory_space<vmem>>)
      tpu.yield
    }) : () -> ()
    "tpu.region"() ({
      %run_scoped3A = tpu.sem_alloc : memref<!tpu.dma_semaphore, #tpu.memory_space<semaphore_mem>>
      %dma_start3A_197 = arith.constant 0 : i32
      %dma_start3A_198 = arith.constant 0 : i32
      %dma_start3A_199 = tpu.memref_slice %arg4[%arg1, %dma_start3A_197, %dma_start3A_198] : memref<16x160x125xi32, #tpu.memory_space<hbm>> -> memref<1x160x125xi32, #tpu.memory_space<hbm>>
      %dma_start3A_200 = tpu.memref_squeeze %dma_start3A_199 : memref<1x160x125xi32, #tpu.memory_space<hbm>> -> memref<160x125xi32, #tpu.memory_space<hbm>>
      %dma_start3A_201 = arith.constant 0 : i32
      %dma_start3A_202 = arith.constant 0 : i32
      %dma_start3A_203 = tpu.memref_slice %arg4[%arg1, %dma_start3A_201, %dma_start3A_202] : memref<16x160x125xi32, #tpu.memory_space<hbm>> -> memref<1x160x125xi32, #tpu.memory_space<hbm>>
      %dma_start3A_204 = tpu.memref_squeeze %dma_start3A_203 : memref<1x160x125xi32, #tpu.memory_space<hbm>> -> memref<160x125xi32, #tpu.memory_space<hbm>>
      tpu.enqueue_dma source(%dma_start3A_204 : memref<160x125xi32, #tpu.memory_space<hbm>>) target(%arg7 : memref<160x125xi32, #tpu.memory_space<vmem>>) target_semaphore(%run_scoped3A : memref<!tpu.dma_semaphore, #tpu.memory_space<semaphore_mem>>)
      %dma_wait3A_205 = arith.constant 0 : i32
      %dma_wait3A_206 = arith.constant 0 : i32
      %dma_wait3A_207 = tpu.memref_slice %arg4[%arg1, %dma_wait3A_205, %dma_wait3A_206] : memref<16x160x125xi32, #tpu.memory_space<hbm>> -> memref<1x160x125xi32, #tpu.memory_space<hbm>>
      %dma_wait3A_208 = tpu.memref_squeeze %dma_wait3A_207 : memref<1x160x125xi32, #tpu.memory_space<hbm>> -> memref<160x125xi32, #tpu.memory_space<hbm>>
      %dma_wait3A_209 = arith.constant 0 : i32
      %dma_wait3A_210 = arith.constant 0 : i32
      %dma_wait3A_211 = tpu.memref_slice %arg4[%arg1, %dma_wait3A_209, %dma_wait3A_210] : memref<16x160x125xi32, #tpu.memory_space<hbm>> -> memref<1x160x125xi32, #tpu.memory_space<hbm>>
      %dma_wait3A_212 = tpu.memref_squeeze %dma_wait3A_211 : memref<1x160x125xi32, #tpu.memory_space<hbm>> -> memref<160x125xi32, #tpu.memory_space<hbm>>
      tpu.wait_dma2 semaphore(%run_scoped3A : memref<!tpu.dma_semaphore, #tpu.memory_space<semaphore_mem>>) src(%dma_wait3A_212 : memref<160x125xi32, #tpu.memory_space<hbm>>) dst(%arg7 : memref<160x125xi32, #tpu.memory_space<vmem>>)
      tpu.yield
    }) : () -> ()
    %scan3A = arith.constant 0 : i32
    %scan3A_1 = arith.constant 125 : i32
    %scan3A_2 = arith.addi %scan3A, %scan3A_1 : i32
    %scan3A_3 = arith.constant 1 : i32
    scf.for %scan3A_197 = %scan3A to %scan3A_2 step %scan3A_3  : i32 {
      %mul3A_198 = arith.constant 1 : i32
      %mul3A_199 = arith.muli %scan3A_197, %mul3A_198 : i32
      %add3A_200 = arith.constant 0 : i32
      %add3A_201 = arith.addi %add3A_200, %mul3A_199 : i32
      %broadcast_in_dim3A = arith.constant 0.000000e+00 : f32
      %broadcast_in_dim3A_202 = vector.broadcast %broadcast_in_dim3A : f32 to vector<16xf32>
      %swap3A = arith.index_cast %add3A_201 : i32 to index
      %swap3A_203 = arith.constant 0 : index
      %swap3A_204 = tpu.vector_load %arg8[%swap3A, %swap3A_203] {strides = array<i32>} : memref<125x64xf32, #tpu.memory_space<vmem>>, vector<1x16xf32>,
      %swap3A_205 = vector.shape_cast %swap3A_204 : vector<1x16xf32> to vector<16xf32>
      %swap3A_206 = vector.shape_cast %broadcast_in_dim3A_202 : vector<16xf32> to vector<1x16xf32>
      tpu.vector_store %arg8[%swap3A, %swap3A_203], %swap3A_206 {strides = array<i32>} : memref<125x64xf32, #tpu.memory_space<vmem>>, vector<1x16xf32>,
      %broadcast_in_dim3A_207 = arith.constant 0.000000e+00 : f32
      %broadcast_in_dim3A_208 = vector.broadcast %broadcast_in_dim3A_207 : f32 to vector<16xf32>
      %swap3A_209 = arith.index_cast %add3A_201 : i32 to index
      %swap3A_210 = arith.constant 16 : index
      %swap3A_211 = tpu.vector_load %arg8[%swap3A_209, %swap3A_210] {strides = array<i32>} : memref<125x64xf32, #tpu.memory_space<vmem>>, vector<1x16xf32>,
      %swap3A_212 = vector.shape_cast %swap3A_211 : vector<1x16xf32> to vector<16xf32>
      %swap3A_213 = vector.shape_cast %broadcast_in_dim3A_208 : vector<16xf32> to vector<1x16xf32>
      tpu.vector_store %arg8[%swap3A_209, %swap3A_210], %swap3A_213 {strides = array<i32>} : memref<125x64xf32, #tpu.memory_space<vmem>>, vector<1x16xf32>,
      %broadcast_in_dim3A_214 = arith.constant 0.000000e+00 : f32
      %broadcast_in_dim3A_215 = vector.broadcast %broadcast_in_dim3A_214 : f32 to vector<16xf32>
      %swap3A_216 = arith.index_cast %add3A_201 : i32 to index
      %swap3A_217 = arith.constant 32 : index
      %swap3A_218 = tpu.vector_load %arg8[%swap3A_216, %swap3A_217] {strides = array<i32>} : memref<125x64xf32, #tpu.memory_space<vmem>>, vector<1x16xf32>,
      %swap3A_219 = vector.shape_cast %swap3A_218 : vector<1x16xf32> to vector<16xf32>
      %swap3A_220 = vector.shape_cast %broadcast_in_dim3A_215 : vector<16xf32> to vector<1x16xf32>
      tpu.vector_store %arg8[%swap3A_216, %swap3A_217], %swap3A_220 {strides = array<i32>} : memref<125x64xf32, #tpu.memory_space<vmem>>, vector<1x16xf32>,
      %broadcast_in_dim3A_221 = arith.constant 0.000000e+00 : f32
      %broadcast_in_dim3A_222 = vector.broadcast %broadcast_in_dim3A_221 : f32 to vector<16xf32>
      %swap3A_223 = arith.index_cast %add3A_201 : i32 to index
      %swap3A_224 = arith.constant 48 : index
      %swap3A_225 = tpu.vector_load %arg8[%swap3A_223, %swap3A_224] {strides = array<i32>} : memref<125x64xf32, #tpu.memory_space<vmem>>, vector<1x16xf32>,
      %swap3A_226 = vector.shape_cast %swap3A_225 : vector<1x16xf32> to vector<16xf32>
      %swap3A_227 = vector.shape_cast %broadcast_in_dim3A_222 : vector<16xf32> to vector<1x16xf32>
      tpu.vector_store %arg8[%swap3A_223, %swap3A_224], %swap3A_227 {strides = array<i32>} : memref<125x64xf32, #tpu.memory_space<vmem>>, vector<1x16xf32>,
    }
    %scan3A_4 = arith.constant 125 : i32
    %scan3A_5 = arith.constant 0 : i32
    %scan3A_6 = arith.constant 5 : i32
    %scan3A_7 = arith.addi %scan3A_5, %scan3A_6 : i32
    %scan3A_8 = arith.constant 1 : i32
    scf.for %scan3A_197 = %scan3A_5 to %scan3A_7 step %scan3A_8  : i32 {
      %mul3A_198 = arith.constant 125 : i32
      %mul3A_199 = arith.muli %scan3A_197, %mul3A_198 : i32
      %add3A_200 = arith.constant 0 : i32
      %add3A_201 = arith.addi %add3A_200, %mul3A_199 : i32
      %mul3A_202 = arith.constant 640 : i32
      %mul3A_203 = arith.muli %arg1, %mul3A_202 : i32
      %add3A_204 = arith.addi %mul3A_203, %add3A_201 : i32
      "tpu.region"() ({
        %run_scoped3A = tpu.sem_alloc : memref<!tpu.dma_semaphore, #tpu.memory_space<semaphore_mem>>
        %dma_start3A_205 = arith.constant 0 : i32
        %dma_start3A_206 = tpu.memref_slice %arg13[%add3A_204, %dma_start3A_205] : memref<10240x64xf32, #tpu.memory_space<vmem_shared>> -> memref<125x64xf32, #tpu.memory_space<vmem_shared>>
        %dma_start3A_207 = arith.constant 0 : i32
        %dma_start3A_208 = tpu.memref_slice %arg13[%add3A_204, %dma_start3A_207] : memref<10240x64xf32, #tpu.memory_space<vmem_shared>> -> memref<125x64xf32, #tpu.memory_space<vmem_shared>>
        tpu.enqueue_dma source(%arg8 : memref<125x64xf32, #tpu.memory_space<vmem>>) target(%dma_start3A_208 : memref<125x64xf32, #tpu.memory_space<vmem_shared>>) target_semaphore(%run_scoped3A : memref<!tpu.dma_semaphore, #tpu.memory_space<semaphore_mem>>)
        %dma_wait3A_209 = arith.constant 0 : i32
        %dma_wait3A_210 = tpu.memref_slice %arg13[%add3A_204, %dma_wait3A_209] : memref<10240x64xf32, #tpu.memory_space<vmem_shared>> -> memref<125x64xf32, #tpu.memory_space<vmem_shared>>
        %dma_wait3A_211 = arith.constant 0 : i32
        %dma_wait3A_212 = tpu.memref_slice %arg13[%add3A_204, %dma_wait3A_211] : memref<10240x64xf32, #tpu.memory_space<vmem_shared>> -> memref<125x64xf32, #tpu.memory_space<vmem_shared>>
        tpu.wait_dma2 semaphore(%run_scoped3A : memref<!tpu.dma_semaphore, #tpu.memory_space<semaphore_mem>>) src(%arg8 : memref<125x64xf32, #tpu.memory_space<vmem>>) dst(%dma_wait3A_212 : memref<125x64xf32, #tpu.memory_space<vmem_shared>>)
        tpu.yield
      }) : () -> ()
    }
    %scan3A_9 = arith.constant 5 : i32
    %mul3A_10 = arith.constant 640 : i32
    %mul3A_11 = arith.muli %arg1, %mul3A_10 : i32
    %add3A = arith.constant 625 : i32
    %add3A_12 = arith.addi %mul3A_11, %add3A : i32
    "tpu.region"() ({
      %run_scoped3A = tpu.sem_alloc : memref<!tpu.dma_semaphore, #tpu.memory_space<semaphore_mem>>
      %dma_start3A_197 = arith.constant 0 : i32
      %dma_start3A_198 = arith.constant 0 : i32
      %dma_start3A_199 = tpu.memref_slice %arg8[%dma_start3A_197, %dma_start3A_198] : memref<125x64xf32, #tpu.memory_space<vmem>> -> memref<15x64xf32, #tpu.memory_space<vmem>>
      %dma_start3A_200 = arith.constant 0 : i32
      %dma_start3A_201 = tpu.memref_slice %arg13[%add3A_12, %dma_start3A_200] : memref<10240x64xf32, #tpu.memory_space<vmem_shared>> -> memref<15x64xf32, #tpu.memory_space<vmem_shared>>
      %dma_start3A_202 = arith.constant 0 : i32
      %dma_start3A_203 = tpu.memref_slice %arg13[%add3A_12, %dma_start3A_202] : memref<10240x64xf32, #tpu.memory_space<vmem_shared>> -> memref<15x64xf32, #tpu.memory_space<vmem_shared>>
      %dma_start3A_204 = arith.constant 0 : i32
      %dma_start3A_205 = arith.constant 0 : i32
      %dma_start3A_206 = tpu.memref_slice %arg8[%dma_start3A_204, %dma_start3A_205] : memref<125x64xf32, #tpu.memory_space<vmem>> -> memref<15x64xf32, #tpu.memory_space<vmem>>
      tpu.enqueue_dma source(%dma_start3A_206 : memref<15x64xf32, #tpu.memory_space<vmem>>) target(%dma_start3A_203 : memref<15x64xf32, #tpu.memory_space<vmem_shared>>) target_semaphore(%run_scoped3A : memref<!tpu.dma_semaphore, #tpu.memory_space<semaphore_mem>>)
      %dma_wait3A_207 = arith.constant 0 : i32
      %dma_wait3A_208 = arith.constant 0 : i32
      %dma_wait3A_209 = tpu.memref_slice %arg8[%dma_wait3A_207, %dma_wait3A_208] : memref<125x64xf32, #tpu.memory_space<vmem>> -> memref<15x64xf32, #tpu.memory_space<vmem>>
      %dma_wait3A_210 = arith.constant 0 : i32
      %dma_wait3A_211 = tpu.memref_slice %arg13[%add3A_12, %dma_wait3A_210] : memref<10240x64xf32, #tpu.memory_space<vmem_shared>> -> memref<15x64xf32, #tpu.memory_space<vmem_shared>>
      %dma_wait3A_212 = arith.constant 0 : i32
      %dma_wait3A_213 = tpu.memref_slice %arg13[%add3A_12, %dma_wait3A_212] : memref<10240x64xf32, #tpu.memory_space<vmem_shared>> -> memref<15x64xf32, #tpu.memory_space<vmem_shared>>
      %dma_wait3A_214 = arith.constant 0 : i32
      %dma_wait3A_215 = arith.constant 0 : i32
      %dma_wait3A_216 = tpu.memref_slice %arg8[%dma_wait3A_214, %dma_wait3A_215] : memref<125x64xf32, #tpu.memory_space<vmem>> -> memref<15x64xf32, #tpu.memory_space<vmem>>
      tpu.wait_dma2 semaphore(%run_scoped3A : memref<!tpu.dma_semaphore, #tpu.memory_space<semaphore_mem>>) src(%dma_wait3A_216 : memref<15x64xf32, #tpu.memory_space<vmem>>) dst(%dma_wait3A_213 : memref<15x64xf32, #tpu.memory_space<vmem_shared>>)
      tpu.yield
    }) : () -> ()
    %barrier3A = arith.constant 0 : index
    tpu.barrier barrier_id(%barrier3A)
    %dma_start3A = arith.constant 0 : i32
    %dma_start3A_13 = arith.constant 0 : i32
    %dma_start3A_14 = tpu.memref_slice %arg6[%dma_start3A, %dma_start3A_13] : memref<160x125xi32, #tpu.memory_space<vmem>> -> memref<1x125xi32, #tpu.memory_space<vmem>>
    %dma_start3A_15 = tpu.memref_squeeze %dma_start3A_14 : memref<1x125xi32, #tpu.memory_space<vmem>> -> memref<125xi32, #tpu.memory_space<vmem>>
    %dma_start3A_16 = arith.constant 0 : i32
    %dma_start3A_17 = arith.constant 0 : i32
    %dma_start3A_18 = tpu.memref_slice %arg2[%arg0, %dma_start3A_16, %dma_start3A_17] : memref<2x10000x64xf32, #tpu.memory_space<hbm>> -> memref<1x10000x64xf32, #tpu.memory_space<hbm>>
    %dma_start3A_19 = tpu.memref_squeeze %dma_start3A_18 : memref<1x10000x64xf32, #tpu.memory_space<hbm>> -> memref<10000x64xf32, #tpu.memory_space<hbm>>
    %dma_start3A_20 = arith.constant 0 : i32
    %dma_start3A_21 = arith.constant 0 : i32
    %dma_start3A_22 = tpu.memref_slice %dma_start3A_19[%dma_start3A_20, %dma_start3A_21] : memref<10000x64xf32, #tpu.memory_space<hbm>> -> memref<10000x64xf32, #tpu.memory_space<hbm>>
    tpu.enqueue_indirect_dma source(%dma_start3A_22 : memref<10000x64xf32, #tpu.memory_space<hbm>>) target(%arg8 : memref<125x64xf32, #tpu.memory_space<vmem>>) offsets(%dma_start3A_15 : memref<125xi32, #tpu.memory_space<vmem>>) semaphore(%arg14 : memref<!tpu.dma_semaphore, #tpu.memory_space<semaphore_mem>>)
    %dma_start3A_23 = arith.constant 1 : i32
    %dma_start3A_24 = arith.constant 0 : i32
    %dma_start3A_25 = tpu.memref_slice %arg6[%dma_start3A_23, %dma_start3A_24] : memref<160x125xi32, #tpu.memory_space<vmem>> -> memref<1x125xi32, #tpu.memory_space<vmem>>
    %dma_start3A_26 = tpu.memref_squeeze %dma_start3A_25 : memref<1x125xi32, #tpu.memory_space<vmem>> -> memref<125xi32, #tpu.memory_space<vmem>>
    %dma_start3A_27 = arith.constant 0 : i32
    %dma_start3A_28 = arith.constant 0 : i32
    %dma_start3A_29 = tpu.memref_slice %arg2[%arg0, %dma_start3A_27, %dma_start3A_28] : memref<2x10000x64xf32, #tpu.memory_space<hbm>> -> memref<1x10000x64xf32, #tpu.memory_space<hbm>>
    %dma_start3A_30 = tpu.memref_squeeze %dma_start3A_29 : memref<1x10000x64xf32, #tpu.memory_space<hbm>> -> memref<10000x64xf32, #tpu.memory_space<hbm>>
    %dma_start3A_31 = arith.constant 0 : i32
    %dma_start3A_32 = arith.constant 0 : i32
    %dma_start3A_33 = tpu.memref_slice %dma_start3A_30[%dma_start3A_31, %dma_start3A_32] : memref<10000x64xf32, #tpu.memory_space<hbm>> -> memref<10000x64xf32, #tpu.memory_space<hbm>>
    tpu.enqueue_indirect_dma source(%dma_start3A_33 : memref<10000x64xf32, #tpu.memory_space<hbm>>) target(%arg9 : memref<125x64xf32, #tpu.memory_space<vmem>>) offsets(%dma_start3A_26 : memref<125xi32, #tpu.memory_space<vmem>>) semaphore(%arg15 : memref<!tpu.dma_semaphore, #tpu.memory_space<semaphore_mem>>)
    %dma_start3A_34 = arith.constant 2 : i32
    %dma_start3A_35 = arith.constant 0 : i32
    %dma_start3A_36 = tpu.memref_slice %arg6[%dma_start3A_34, %dma_start3A_35] : memref<160x125xi32, #tpu.memory_space<vmem>> -> memref<1x125xi32, #tpu.memory_space<vmem>>
    %dma_start3A_37 = tpu.memref_squeeze %dma_start3A_36 : memref<1x125xi32, #tpu.memory_space<vmem>> -> memref<125xi32, #tpu.memory_space<vmem>>
    %dma_start3A_38 = arith.constant 0 : i32
    %dma_start3A_39 = arith.constant 0 : i32
    %dma_start3A_40 = tpu.memref_slice %arg2[%arg0, %dma_start3A_38, %dma_start3A_39] : memref<2x10000x64xf32, #tpu.memory_space<hbm>> -> memref<1x10000x64xf32, #tpu.memory_space<hbm>>
    %dma_start3A_41 = tpu.memref_squeeze %dma_start3A_40 : memref<1x10000x64xf32, #tpu.memory_space<hbm>> -> memref<10000x64xf32, #tpu.memory_space<hbm>>
    %dma_start3A_42 = arith.constant 0 : i32
    %dma_start3A_43 = arith.constant 0 : i32
    %dma_start3A_44 = tpu.memref_slice %dma_start3A_41[%dma_start3A_42, %dma_start3A_43] : memref<10000x64xf32, #tpu.memory_space<hbm>> -> memref<10000x64xf32, #tpu.memory_space<hbm>>
    tpu.enqueue_indirect_dma source(%dma_start3A_44 : memref<10000x64xf32, #tpu.memory_space<hbm>>) target(%arg10 : memref<125x64xf32, #tpu.memory_space<vmem>>) offsets(%dma_start3A_37 : memref<125xi32, #tpu.memory_space<vmem>>) semaphore(%arg16 : memref<!tpu.dma_semaphore, #tpu.memory_space<semaphore_mem>>)
    %dma_start3A_45 = arith.constant 3 : i32
    %dma_start3A_46 = arith.constant 0 : i32
    %dma_start3A_47 = tpu.memref_slice %arg6[%dma_start3A_45, %dma_start3A_46] : memref<160x125xi32, #tpu.memory_space<vmem>> -> memref<1x125xi32, #tpu.memory_space<vmem>>
    %dma_start3A_48 = tpu.memref_squeeze %dma_start3A_47 : memref<1x125xi32, #tpu.memory_space<vmem>> -> memref<125xi32, #tpu.memory_space<vmem>>
    %dma_start3A_49 = arith.constant 0 : i32
    %dma_start3A_50 = arith.constant 0 : i32
    %dma_start3A_51 = tpu.memref_slice %arg2[%arg0, %dma_start3A_49, %dma_start3A_50] : memref<2x10000x64xf32, #tpu.memory_space<hbm>> -> memref<1x10000x64xf32, #tpu.memory_space<hbm>>
    %dma_start3A_52 = tpu.memref_squeeze %dma_start3A_51 : memref<1x10000x64xf32, #tpu.memory_space<hbm>> -> memref<10000x64xf32, #tpu.memory_space<hbm>>
    %dma_start3A_53 = arith.constant 0 : i32
    %dma_start3A_54 = arith.constant 0 : i32
    %dma_start3A_55 = tpu.memref_slice %dma_start3A_52[%dma_start3A_53, %dma_start3A_54] : memref<10000x64xf32, #tpu.memory_space<hbm>> -> memref<10000x64xf32, #tpu.memory_space<hbm>>
    tpu.enqueue_indirect_dma source(%dma_start3A_55 : memref<10000x64xf32, #tpu.memory_space<hbm>>) target(%arg11 : memref<125x64xf32, #tpu.memory_space<vmem>>) offsets(%dma_start3A_48 : memref<125xi32, #tpu.memory_space<vmem>>) semaphore(%arg17 : memref<!tpu.dma_semaphore, #tpu.memory_space<semaphore_mem>>)
    %dma_start3A_56 = arith.constant 4 : i32
    %dma_start3A_57 = arith.constant 0 : i32
    %dma_start3A_58 = tpu.memref_slice %arg6[%dma_start3A_56, %dma_start3A_57] : memref<160x125xi32, #tpu.memory_space<vmem>> -> memref<1x125xi32, #tpu.memory_space<vmem>>
    %dma_start3A_59 = tpu.memref_squeeze %dma_start3A_58 : memref<1x125xi32, #tpu.memory_space<vmem>> -> memref<125xi32, #tpu.memory_space<vmem>>
    %dma_start3A_60 = arith.constant 0 : i32
    %dma_start3A_61 = arith.constant 0 : i32
    %dma_start3A_62 = tpu.memref_slice %arg2[%arg0, %dma_start3A_60, %dma_start3A_61] : memref<2x10000x64xf32, #tpu.memory_space<hbm>> -> memref<1x10000x64xf32, #tpu.memory_space<hbm>>
    %dma_start3A_63 = tpu.memref_squeeze %dma_start3A_62 : memref<1x10000x64xf32, #tpu.memory_space<hbm>> -> memref<10000x64xf32, #tpu.memory_space<hbm>>
    %dma_start3A_64 = arith.constant 0 : i32
    %dma_start3A_65 = arith.constant 0 : i32
    %dma_start3A_66 = tpu.memref_slice %dma_start3A_63[%dma_start3A_64, %dma_start3A_65] : memref<10000x64xf32, #tpu.memory_space<hbm>> -> memref<10000x64xf32, #tpu.memory_space<hbm>>
    tpu.enqueue_indirect_dma source(%dma_start3A_66 : memref<10000x64xf32, #tpu.memory_space<hbm>>) target(%arg12 : memref<125x64xf32, #tpu.memory_space<vmem>>) offsets(%dma_start3A_59 : memref<125xi32, #tpu.memory_space<vmem>>) semaphore(%arg18 : memref<!tpu.dma_semaphore, #tpu.memory_space<semaphore_mem>>)
    %scan3A_67 = arith.constant 0 : i32
    %scan3A_68 = arith.constant 31 : i32
    %scan3A_69 = arith.addi %scan3A_67, %scan3A_68 : i32
    %scan3A_70 = arith.constant 1 : i32
    scf.for %scan3A_197 = %scan3A_67 to %scan3A_69 step %scan3A_70  : i32 {
      %mul3A_198 = arith.constant 5 : i32
      %mul3A_199 = arith.muli %scan3A_197, %mul3A_198 : i32
      %add3A_200 = arith.constant 0 : i32
      %add3A_201 = arith.addi %add3A_200, %mul3A_199 : i32
      %add3A_202 = arith.constant 0 : i32
      %add3A_203 = arith.addi %add3A_201, %add3A_202 : i32
      %dma_wait3A_204 = arith.constant 0 : i32
      %dma_wait3A_205 = tpu.memref_slice %arg6[%add3A_203, %dma_wait3A_204] : memref<160x125xi32, #tpu.memory_space<vmem>> -> memref<1x125xi32, #tpu.memory_space<vmem>>
      %dma_wait3A_206 = tpu.memref_squeeze %dma_wait3A_205 : memref<1x125xi32, #tpu.memory_space<vmem>> -> memref<125xi32, #tpu.memory_space<vmem>>
      %dma_wait3A_207 = arith.constant 0 : i32
      %dma_wait3A_208 = arith.constant 0 : i32
      %dma_wait3A_209 = tpu.memref_slice %arg2[%arg0, %dma_wait3A_207, %dma_wait3A_208] : memref<2x10000x64xf32, #tpu.memory_space<hbm>> -> memref<1x10000x64xf32, #tpu.memory_space<hbm>>
      %dma_wait3A_210 = tpu.memref_squeeze %dma_wait3A_209 : memref<1x10000x64xf32, #tpu.memory_space<hbm>> -> memref<10000x64xf32, #tpu.memory_space<hbm>>
      %dma_wait3A_211 = arith.constant 0 : i32
      %dma_wait3A_212 = arith.constant 0 : i32
      %dma_wait3A_213 = tpu.memref_slice %dma_wait3A_210[%dma_wait3A_211, %dma_wait3A_212] : memref<10000x64xf32, #tpu.memory_space<hbm>> -> memref<10000x64xf32, #tpu.memory_space<hbm>>
      tpu.wait_indirect_dma semaphore(%arg14 : memref<!tpu.dma_semaphore, #tpu.memory_space<semaphore_mem>>) src(%dma_wait3A_213 : memref<10000x64xf32, #tpu.memory_space<hbm>>) dst(%arg8 : memref<125x64xf32, #tpu.memory_space<vmem>>)
      %add3A_214 = arith.constant 0 : i32
      %add3A_215 = arith.addi %add3A_201, %add3A_214 : i32
      %dma_start3A_216 = arith.constant 0 : i32
      %dma_start3A_217 = tpu.memref_slice %arg7[%add3A_215, %dma_start3A_216] : memref<160x125xi32, #tpu.memory_space<vmem>> -> memref<1x125xi32, #tpu.memory_space<vmem>>
      %dma_start3A_218 = tpu.memref_squeeze %dma_start3A_217 : memref<1x125xi32, #tpu.memory_space<vmem>> -> memref<125xi32, #tpu.memory_space<vmem>>
      %dma_start3A_219 = arith.constant 0 : i32
      %dma_start3A_220 = arith.constant 0 : i32
      %dma_start3A_221 = tpu.memref_slice %arg13[%dma_start3A_219, %dma_start3A_220] : memref<10240x64xf32, #tpu.memory_space<vmem_shared>> -> memref<10240x64xf32, #tpu.memory_space<vmem_shared>>
      tpu.enqueue_indirect_dma source(%arg8 : memref<125x64xf32, #tpu.memory_space<vmem>>) target(%dma_start3A_221 : memref<10240x64xf32, #tpu.memory_space<vmem_shared>>) offsets(%dma_start3A_218 : memref<125xi32, #tpu.memory_space<vmem>>) semaphore(%arg19 : memref<!tpu.dma_semaphore, #tpu.memory_space<semaphore_mem>>) {add = true}
      %add3A_222 = arith.constant 1 : i32
      %add3A_223 = arith.addi %add3A_201, %add3A_222 : i32
      %dma_wait3A_224 = arith.constant 0 : i32
      %dma_wait3A_225 = tpu.memref_slice %arg6[%add3A_223, %dma_wait3A_224] : memref<160x125xi32, #tpu.memory_space<vmem>> -> memref<1x125xi32, #tpu.memory_space<vmem>>
      %dma_wait3A_226 = tpu.memref_squeeze %dma_wait3A_225 : memref<1x125xi32, #tpu.memory_space<vmem>> -> memref<125xi32, #tpu.memory_space<vmem>>
      %dma_wait3A_227 = arith.constant 0 : i32
      %dma_wait3A_228 = arith.constant 0 : i32
      %dma_wait3A_229 = tpu.memref_slice %arg2[%arg0, %dma_wait3A_227, %dma_wait3A_228] : memref<2x10000x64xf32, #tpu.memory_space<hbm>> -> memref<1x10000x64xf32, #tpu.memory_space<hbm>>
      %dma_wait3A_230 = tpu.memref_squeeze %dma_wait3A_229 : memref<1x10000x64xf32, #tpu.memory_space<hbm>> -> memref<10000x64xf32, #tpu.memory_space<hbm>>
      %dma_wait3A_231 = arith.constant 0 : i32
      %dma_wait3A_232 = arith.constant 0 : i32
      %dma_wait3A_233 = tpu.memref_slice %dma_wait3A_230[%dma_wait3A_231, %dma_wait3A_232] : memref<10000x64xf32, #tpu.memory_space<hbm>> -> memref<10000x64xf32, #tpu.memory_space<hbm>>
      tpu.wait_indirect_dma semaphore(%arg15 : memref<!tpu.dma_semaphore, #tpu.memory_space<semaphore_mem>>) src(%dma_wait3A_233 : memref<10000x64xf32, #tpu.memory_space<hbm>>) dst(%arg9 : memref<125x64xf32, #tpu.memory_space<vmem>>)
      %add3A_234 = arith.constant 1 : i32
      %add3A_235 = arith.addi %add3A_201, %add3A_234 : i32
      %dma_start3A_236 = arith.constant 0 : i32
      %dma_start3A_237 = tpu.memref_slice %arg7[%add3A_235, %dma_start3A_236] : memref<160x125xi32, #tpu.memory_space<vmem>> -> memref<1x125xi32, #tpu.memory_space<vmem>>
      %dma_start3A_238 = tpu.memref_squeeze %dma_start3A_237 : memref<1x125xi32, #tpu.memory_space<vmem>> -> memref<125xi32, #tpu.memory_space<vmem>>
      %dma_start3A_239 = arith.constant 0 : i32
      %dma_start3A_240 = arith.constant 0 : i32
      %dma_start3A_241 = tpu.memref_slice %arg13[%dma_start3A_239, %dma_start3A_240] : memref<10240x64xf32, #tpu.memory_space<vmem_shared>> -> memref<10240x64xf32, #tpu.memory_space<vmem_shared>>
      tpu.enqueue_indirect_dma source(%arg9 : memref<125x64xf32, #tpu.memory_space<vmem>>) target(%dma_start3A_241 : memref<10240x64xf32, #tpu.memory_space<vmem_shared>>) offsets(%dma_start3A_238 : memref<125xi32, #tpu.memory_space<vmem>>) semaphore(%arg20 : memref<!tpu.dma_semaphore, #tpu.memory_space<semaphore_mem>>) {add = true}
      %add3A_242 = arith.constant 2 : i32
      %add3A_243 = arith.addi %add3A_201, %add3A_242 : i32
      %dma_wait3A_244 = arith.constant 0 : i32
      %dma_wait3A_245 = tpu.memref_slice %arg6[%add3A_243, %dma_wait3A_244] : memref<160x125xi32, #tpu.memory_space<vmem>> -> memref<1x125xi32, #tpu.memory_space<vmem>>
      %dma_wait3A_246 = tpu.memref_squeeze %dma_wait3A_245 : memref<1x125xi32, #tpu.memory_space<vmem>> -> memref<125xi32, #tpu.memory_space<vmem>>
      %dma_wait3A_247 = arith.constant 0 : i32
      %dma_wait3A_248 = arith.constant 0 : i32
      %dma_wait3A_249 = tpu.memref_slice %arg2[%arg0, %dma_wait3A_247, %dma_wait3A_248] : memref<2x10000x64xf32, #tpu.memory_space<hbm>> -> memref<1x10000x64xf32, #tpu.memory_space<hbm>>
      %dma_wait3A_250 = tpu.memref_squeeze %dma_wait3A_249 : memref<1x10000x64xf32, #tpu.memory_space<hbm>> -> memref<10000x64xf32, #tpu.memory_space<hbm>>
      %dma_wait3A_251 = arith.constant 0 : i32
      %dma_wait3A_252 = arith.constant 0 : i32
      %dma_wait3A_253 = tpu.memref_slice %dma_wait3A_250[%dma_wait3A_251, %dma_wait3A_252] : memref<10000x64xf32, #tpu.memory_space<hbm>> -> memref<10000x64xf32, #tpu.memory_space<hbm>>
      tpu.wait_indirect_dma semaphore(%arg16 : memref<!tpu.dma_semaphore, #tpu.memory_space<semaphore_mem>>) src(%dma_wait3A_253 : memref<10000x64xf32, #tpu.memory_space<hbm>>) dst(%arg10 : memref<125x64xf32, #tpu.memory_space<vmem>>)
      %add3A_254 = arith.constant 2 : i32
      %add3A_255 = arith.addi %add3A_201, %add3A_254 : i32
      %dma_start3A_256 = arith.constant 0 : i32
      %dma_start3A_257 = tpu.memref_slice %arg7[%add3A_255, %dma_start3A_256] : memref<160x125xi32, #tpu.memory_space<vmem>> -> memref<1x125xi32, #tpu.memory_space<vmem>>
      %dma_start3A_258 = tpu.memref_squeeze %dma_start3A_257 : memref<1x125xi32, #tpu.memory_space<vmem>> -> memref<125xi32, #tpu.memory_space<vmem>>
      %dma_start3A_259 = arith.constant 0 : i32
      %dma_start3A_260 = arith.constant 0 : i32
      %dma_start3A_261 = tpu.memref_slice %arg13[%dma_start3A_259, %dma_start3A_260] : memref<10240x64xf32, #tpu.memory_space<vmem_shared>> -> memref<10240x64xf32, #tpu.memory_space<vmem_shared>>
      tpu.enqueue_indirect_dma source(%arg10 : memref<125x64xf32, #tpu.memory_space<vmem>>) target(%dma_start3A_261 : memref<10240x64xf32, #tpu.memory_space<vmem_shared>>) offsets(%dma_start3A_258 : memref<125xi32, #tpu.memory_space<vmem>>) semaphore(%arg21 : memref<!tpu.dma_semaphore, #tpu.memory_space<semaphore_mem>>) {add = true}
      %add3A_262 = arith.constant 3 : i32
      %add3A_263 = arith.addi %add3A_201, %add3A_262 : i32
      %dma_wait3A_264 = arith.constant 0 : i32
      %dma_wait3A_265 = tpu.memref_slice %arg6[%add3A_263, %dma_wait3A_264] : memref<160x125xi32, #tpu.memory_space<vmem>> -> memref<1x125xi32, #tpu.memory_space<vmem>>
      %dma_wait3A_266 = tpu.memref_squeeze %dma_wait3A_265 : memref<1x125xi32, #tpu.memory_space<vmem>> -> memref<125xi32, #tpu.memory_space<vmem>>
      %dma_wait3A_267 = arith.constant 0 : i32
      %dma_wait3A_268 = arith.constant 0 : i32
      %dma_wait3A_269 = tpu.memref_slice %arg2[%arg0, %dma_wait3A_267, %dma_wait3A_268] : memref<2x10000x64xf32, #tpu.memory_space<hbm>> -> memref<1x10000x64xf32, #tpu.memory_space<hbm>>
      %dma_wait3A_270 = tpu.memref_squeeze %dma_wait3A_269 : memref<1x10000x64xf32, #tpu.memory_space<hbm>> -> memref<10000x64xf32, #tpu.memory_space<hbm>>
      %dma_wait3A_271 = arith.constant 0 : i32
      %dma_wait3A_272 = arith.constant 0 : i32
      %dma_wait3A_273 = tpu.memref_slice %dma_wait3A_270[%dma_wait3A_271, %dma_wait3A_272] : memref<10000x64xf32, #tpu.memory_space<hbm>> -> memref<10000x64xf32, #tpu.memory_space<hbm>>
      tpu.wait_indirect_dma semaphore(%arg17 : memref<!tpu.dma_semaphore, #tpu.memory_space<semaphore_mem>>) src(%dma_wait3A_273 : memref<10000x64xf32, #tpu.memory_space<hbm>>) dst(%arg11 : memref<125x64xf32, #tpu.memory_space<vmem>>)
      %add3A_274 = arith.constant 3 : i32
      %add3A_275 = arith.addi %add3A_201, %add3A_274 : i32
      %dma_start3A_276 = arith.constant 0 : i32
      %dma_start3A_277 = tpu.memref_slice %arg7[%add3A_275, %dma_start3A_276] : memref<160x125xi32, #tpu.memory_space<vmem>> -> memref<1x125xi32, #tpu.memory_space<vmem>>
      %dma_start3A_278 = tpu.memref_squeeze %dma_start3A_277 : memref<1x125xi32, #tpu.memory_space<vmem>> -> memref<125xi32, #tpu.memory_space<vmem>>
      %dma_start3A_279 = arith.constant 0 : i32
      %dma_start3A_280 = arith.constant 0 : i32
      %dma_start3A_281 = tpu.memref_slice %arg13[%dma_start3A_279, %dma_start3A_280] : memref<10240x64xf32, #tpu.memory_space<vmem_shared>> -> memref<10240x64xf32, #tpu.memory_space<vmem_shared>>
      tpu.enqueue_indirect_dma source(%arg11 : memref<125x64xf32, #tpu.memory_space<vmem>>) target(%dma_start3A_281 : memref<10240x64xf32, #tpu.memory_space<vmem_shared>>) offsets(%dma_start3A_278 : memref<125xi32, #tpu.memory_space<vmem>>) semaphore(%arg22 : memref<!tpu.dma_semaphore, #tpu.memory_space<semaphore_mem>>) {add = true}
      %add3A_282 = arith.constant 4 : i32
      %add3A_283 = arith.addi %add3A_201, %add3A_282 : i32
      %dma_wait3A_284 = arith.constant 0 : i32
      %dma_wait3A_285 = tpu.memref_slice %arg6[%add3A_283, %dma_wait3A_284] : memref<160x125xi32, #tpu.memory_space<vmem>> -> memref<1x125xi32, #tpu.memory_space<vmem>>
      %dma_wait3A_286 = tpu.memref_squeeze %dma_wait3A_285 : memref<1x125xi32, #tpu.memory_space<vmem>> -> memref<125xi32, #tpu.memory_space<vmem>>
      %dma_wait3A_287 = arith.constant 0 : i32
      %dma_wait3A_288 = arith.constant 0 : i32
      %dma_wait3A_289 = tpu.memref_slice %arg2[%arg0, %dma_wait3A_287, %dma_wait3A_288] : memref<2x10000x64xf32, #tpu.memory_space<hbm>> -> memref<1x10000x64xf32, #tpu.memory_space<hbm>>
      %dma_wait3A_290 = tpu.memref_squeeze %dma_wait3A_289 : memref<1x10000x64xf32, #tpu.memory_space<hbm>> -> memref<10000x64xf32, #tpu.memory_space<hbm>>
      %dma_wait3A_291 = arith.constant 0 : i32
      %dma_wait3A_292 = arith.constant 0 : i32
      %dma_wait3A_293 = tpu.memref_slice %dma_wait3A_290[%dma_wait3A_291, %dma_wait3A_292] : memref<10000x64xf32, #tpu.memory_space<hbm>> -> memref<10000x64xf32, #tpu.memory_space<hbm>>
      tpu.wait_indirect_dma semaphore(%arg18 : memref<!tpu.dma_semaphore, #tpu.memory_space<semaphore_mem>>) src(%dma_wait3A_293 : memref<10000x64xf32, #tpu.memory_space<hbm>>) dst(%arg12 : memref<125x64xf32, #tpu.memory_space<vmem>>)
      %add3A_294 = arith.constant 4 : i32
      %add3A_295 = arith.addi %add3A_201, %add3A_294 : i32
      %dma_start3A_296 = arith.constant 0 : i32
      %dma_start3A_297 = tpu.memref_slice %arg7[%add3A_295, %dma_start3A_296] : memref<160x125xi32, #tpu.memory_space<vmem>> -> memref<1x125xi32, #tpu.memory_space<vmem>>
      %dma_start3A_298 = tpu.memref_squeeze %dma_start3A_297 : memref<1x125xi32, #tpu.memory_space<vmem>> -> memref<125xi32, #tpu.memory_space<vmem>>
      %dma_start3A_299 = arith.constant 0 : i32
      %dma_start3A_300 = arith.constant 0 : i32
      %dma_start3A_301 = tpu.memref_slice %arg13[%dma_start3A_299, %dma_start3A_300] : memref<10240x64xf32, #tpu.memory_space<vmem_shared>> -> memref<10240x64xf32, #tpu.memory_space<vmem_shared>>
      tpu.enqueue_indirect_dma source(%arg12 : memref<125x64xf32, #tpu.memory_space<vmem>>) target(%dma_start3A_301 : memref<10240x64xf32, #tpu.memory_space<vmem_shared>>) offsets(%dma_start3A_298 : memref<125xi32, #tpu.memory_space<vmem>>) semaphore(%arg23 : memref<!tpu.dma_semaphore, #tpu.memory_space<semaphore_mem>>) {add = true}
      %add3A_302 = arith.constant 0 : i32
      %add3A_303 = arith.addi %add3A_201, %add3A_302 : i32
      %dma_wait3A_304 = arith.constant 0 : i32
      %dma_wait3A_305 = tpu.memref_slice %arg7[%add3A_303, %dma_wait3A_304] : memref<160x125xi32, #tpu.memory_space<vmem>> -> memref<1x125xi32, #tpu.memory_space<vmem>>
      %dma_wait3A_306 = tpu.memref_squeeze %dma_wait3A_305 : memref<1x125xi32, #tpu.memory_space<vmem>> -> memref<125xi32, #tpu.memory_space<vmem>>
      %dma_wait3A_307 = arith.constant 0 : i32
      %dma_wait3A_308 = arith.constant 0 : i32
      %dma_wait3A_309 = tpu.memref_slice %arg13[%dma_wait3A_307, %dma_wait3A_308] : memref<10240x64xf32, #tpu.memory_space<vmem_shared>> -> memref<10240x64xf32, #tpu.memory_space<vmem_shared>>
      tpu.wait_indirect_dma semaphore(%arg19 : memref<!tpu.dma_semaphore, #tpu.memory_space<semaphore_mem>>) src(%arg8 : memref<125x64xf32, #tpu.memory_space<vmem>>) dst(%dma_wait3A_309 : memref<10240x64xf32, #tpu.memory_space<vmem_shared>>)
      %add3A_310 = arith.constant 5 : i32
      %add3A_311 = arith.addi %add3A_201, %add3A_310 : i32
      %add3A_312 = arith.constant 0 : i32
      %add3A_313 = arith.addi %add3A_311, %add3A_312 : i32
      %dma_start3A_314 = arith.constant 0 : i32
      %dma_start3A_315 = tpu.memref_slice %arg6[%add3A_313, %dma_start3A_314] : memref<160x125xi32, #tpu.memory_space<vmem>> -> memref<1x125xi32, #tpu.memory_space<vmem>>
      %dma_start3A_316 = tpu.memref_squeeze %dma_start3A_315 : memref<1x125xi32, #tpu.memory_space<vmem>> -> memref<125xi32, #tpu.memory_space<vmem>>
      %dma_start3A_317 = arith.constant 0 : i32
      %dma_start3A_318 = arith.constant 0 : i32
      %dma_start3A_319 = tpu.memref_slice %arg2[%arg0, %dma_start3A_317, %dma_start3A_318] : memref<2x10000x64xf32, #tpu.memory_space<hbm>> -> memref<1x10000x64xf32, #tpu.memory_space<hbm>>
      %dma_start3A_320 = tpu.memref_squeeze %dma_start3A_319 : memref<1x10000x64xf32, #tpu.memory_space<hbm>> -> memref<10000x64xf32, #tpu.memory_space<hbm>>
      %dma_start3A_321 = arith.constant 0 : i32
      %dma_start3A_322 = arith.constant 0 : i32
      %dma_start3A_323 = tpu.memref_slice %dma_start3A_320[%dma_start3A_321, %dma_start3A_322] : memref<10000x64xf32, #tpu.memory_space<hbm>> -> memref<10000x64xf32, #tpu.memory_space<hbm>>
      tpu.enqueue_indirect_dma source(%dma_start3A_323 : memref<10000x64xf32, #tpu.memory_space<hbm>>) target(%arg8 : memref<125x64xf32, #tpu.memory_space<vmem>>) offsets(%dma_start3A_316 : memref<125xi32, #tpu.memory_space<vmem>>) semaphore(%arg14 : memref<!tpu.dma_semaphore, #tpu.memory_space<semaphore_mem>>)
      %add3A_324 = arith.constant 1 : i32
      %add3A_325 = arith.addi %add3A_201, %add3A_324 : i32
      %dma_wait3A_326 = arith.constant 0 : i32
      %dma_wait3A_327 = tpu.memref_slice %arg7[%add3A_325, %dma_wait3A_326] : memref<160x125xi32, #tpu.memory_space<vmem>> -> memref<1x125xi32, #tpu.memory_space<vmem>>
      %dma_wait3A_328 = tpu.memref_squeeze %dma_wait3A_327 : memref<1x125xi32, #tpu.memory_space<vmem>> -> memref<125xi32, #tpu.memory_space<vmem>>
      %dma_wait3A_329 = arith.constant 0 : i32
      %dma_wait3A_330 = arith.constant 0 : i32
      %dma_wait3A_331 = tpu.memref_slice %arg13[%dma_wait3A_329, %dma_wait3A_330] : memref<10240x64xf32, #tpu.memory_space<vmem_shared>> -> memref<10240x64xf32, #tpu.memory_space<vmem_shared>>
      tpu.wait_indirect_dma semaphore(%arg20 : memref<!tpu.dma_semaphore, #tpu.memory_space<semaphore_mem>>) src(%arg9 : memref<125x64xf32, #tpu.memory_space<vmem>>) dst(%dma_wait3A_331 : memref<10240x64xf32, #tpu.memory_space<vmem_shared>>)
      %add3A_332 = arith.constant 5 : i32
      %add3A_333 = arith.addi %add3A_201, %add3A_332 : i32
      %add3A_334 = arith.constant 1 : i32
      %add3A_335 = arith.addi %add3A_333, %add3A_334 : i32
      %dma_start3A_336 = arith.constant 0 : i32
      %dma_start3A_337 = tpu.memref_slice %arg6[%add3A_335, %dma_start3A_336] : memref<160x125xi32, #tpu.memory_space<vmem>> -> memref<1x125xi32, #tpu.memory_space<vmem>>
      %dma_start3A_338 = tpu.memref_squeeze %dma_start3A_337 : memref<1x125xi32, #tpu.memory_space<vmem>> -> memref<125xi32, #tpu.memory_space<vmem>>
      %dma_start3A_339 = arith.constant 0 : i32
      %dma_start3A_340 = arith.constant 0 : i32
      %dma_start3A_341 = tpu.memref_slice %arg2[%arg0, %dma_start3A_339, %dma_start3A_340] : memref<2x10000x64xf32, #tpu.memory_space<hbm>> -> memref<1x10000x64xf32, #tpu.memory_space<hbm>>
      %dma_start3A_342 = tpu.memref_squeeze %dma_start3A_341 : memref<1x10000x64xf32, #tpu.memory_space<hbm>> -> memref<10000x64xf32, #tpu.memory_space<hbm>>
      %dma_start3A_343 = arith.constant 0 : i32
      %dma_start3A_344 = arith.constant 0 : i32
      %dma_start3A_345 = tpu.memref_slice %dma_start3A_342[%dma_start3A_343, %dma_start3A_344] : memref<10000x64xf32, #tpu.memory_space<hbm>> -> memref<10000x64xf32, #tpu.memory_space<hbm>>
      tpu.enqueue_indirect_dma source(%dma_start3A_345 : memref<10000x64xf32, #tpu.memory_space<hbm>>) target(%arg9 : memref<125x64xf32, #tpu.memory_space<vmem>>) offsets(%dma_start3A_338 : memref<125xi32, #tpu.memory_space<vmem>>) semaphore(%arg15 : memref<!tpu.dma_semaphore, #tpu.memory_space<semaphore_mem>>)
      %add3A_346 = arith.constant 2 : i32
      %add3A_347 = arith.addi %add3A_201, %add3A_346 : i32
      %dma_wait3A_348 = arith.constant 0 : i32
      %dma_wait3A_349 = tpu.memref_slice %arg7[%add3A_347, %dma_wait3A_348] : memref<160x125xi32, #tpu.memory_space<vmem>> -> memref<1x125xi32, #tpu.memory_space<vmem>>
      %dma_wait3A_350 = tpu.memref_squeeze %dma_wait3A_349 : memref<1x125xi32, #tpu.memory_space<vmem>> -> memref<125xi32, #tpu.memory_space<vmem>>
      %dma_wait3A_351 = arith.constant 0 : i32
      %dma_wait3A_352 = arith.constant 0 : i32
      %dma_wait3A_353 = tpu.memref_slice %arg13[%dma_wait3A_351, %dma_wait3A_352] : memref<10240x64xf32, #tpu.memory_space<vmem_shared>> -> memref<10240x64xf32, #tpu.memory_space<vmem_shared>>
      tpu.wait_indirect_dma semaphore(%arg21 : memref<!tpu.dma_semaphore, #tpu.memory_space<semaphore_mem>>) src(%arg10 : memref<125x64xf32, #tpu.memory_space<vmem>>) dst(%dma_wait3A_353 : memref<10240x64xf32, #tpu.memory_space<vmem_shared>>)
      %add3A_354 = arith.constant 5 : i32
      %add3A_355 = arith.addi %add3A_201, %add3A_354 : i32
      %add3A_356 = arith.constant 2 : i32
      %add3A_357 = arith.addi %add3A_355, %add3A_356 : i32
      %dma_start3A_358 = arith.constant 0 : i32
      %dma_start3A_359 = tpu.memref_slice %arg6[%add3A_357, %dma_start3A_358] : memref<160x125xi32, #tpu.memory_space<vmem>> -> memref<1x125xi32, #tpu.memory_space<vmem>>
      %dma_start3A_360 = tpu.memref_squeeze %dma_start3A_359 : memref<1x125xi32, #tpu.memory_space<vmem>> -> memref<125xi32, #tpu.memory_space<vmem>>
      %dma_start3A_361 = arith.constant 0 : i32
      %dma_start3A_362 = arith.constant 0 : i32
      %dma_start3A_363 = tpu.memref_slice %arg2[%arg0, %dma_start3A_361, %dma_start3A_362] : memref<2x10000x64xf32, #tpu.memory_space<hbm>> -> memref<1x10000x64xf32, #tpu.memory_space<hbm>>
      %dma_start3A_364 = tpu.memref_squeeze %dma_start3A_363 : memref<1x10000x64xf32, #tpu.memory_space<hbm>> -> memref<10000x64xf32, #tpu.memory_space<hbm>>
      %dma_start3A_365 = arith.constant 0 : i32
      %dma_start3A_366 = arith.constant 0 : i32
      %dma_start3A_367 = tpu.memref_slice %dma_start3A_364[%dma_start3A_365, %dma_start3A_366] : memref<10000x64xf32, #tpu.memory_space<hbm>> -> memref<10000x64xf32, #tpu.memory_space<hbm>>
      tpu.enqueue_indirect_dma source(%dma_start3A_367 : memref<10000x64xf32, #tpu.memory_space<hbm>>) target(%arg10 : memref<125x64xf32, #tpu.memory_space<vmem>>) offsets(%dma_start3A_360 : memref<125xi32, #tpu.memory_space<vmem>>) semaphore(%arg16 : memref<!tpu.dma_semaphore, #tpu.memory_space<semaphore_mem>>)
      %add3A_368 = arith.constant 3 : i32
      %add3A_369 = arith.addi %add3A_201, %add3A_368 : i32
      %dma_wait3A_370 = arith.constant 0 : i32
      %dma_wait3A_371 = tpu.memref_slice %arg7[%add3A_369, %dma_wait3A_370] : memref<160x125xi32, #tpu.memory_space<vmem>> -> memref<1x125xi32, #tpu.memory_space<vmem>>
      %dma_wait3A_372 = tpu.memref_squeeze %dma_wait3A_371 : memref<1x125xi32, #tpu.memory_space<vmem>> -> memref<125xi32, #tpu.memory_space<vmem>>
      %dma_wait3A_373 = arith.constant 0 : i32
      %dma_wait3A_374 = arith.constant 0 : i32
      %dma_wait3A_375 = tpu.memref_slice %arg13[%dma_wait3A_373, %dma_wait3A_374] : memref<10240x64xf32, #tpu.memory_space<vmem_shared>> -> memref<10240x64xf32, #tpu.memory_space<vmem_shared>>
      tpu.wait_indirect_dma semaphore(%arg22 : memref<!tpu.dma_semaphore, #tpu.memory_space<semaphore_mem>>) src(%arg11 : memref<125x64xf32, #tpu.memory_space<vmem>>) dst(%dma_wait3A_375 : memref<10240x64xf32, #tpu.memory_space<vmem_shared>>)
      %add3A_376 = arith.constant 5 : i32
      %add3A_377 = arith.addi %add3A_201, %add3A_376 : i32
      %add3A_378 = arith.constant 3 : i32
      %add3A_379 = arith.addi %add3A_377, %add3A_378 : i32
      %dma_start3A_380 = arith.constant 0 : i32
      %dma_start3A_381 = tpu.memref_slice %arg6[%add3A_379, %dma_start3A_380] : memref<160x125xi32, #tpu.memory_space<vmem>> -> memref<1x125xi32, #tpu.memory_space<vmem>>
      %dma_start3A_382 = tpu.memref_squeeze %dma_start3A_381 : memref<1x125xi32, #tpu.memory_space<vmem>> -> memref<125xi32, #tpu.memory_space<vmem>>
      %dma_start3A_383 = arith.constant 0 : i32
      %dma_start3A_384 = arith.constant 0 : i32
      %dma_start3A_385 = tpu.memref_slice %arg2[%arg0, %dma_start3A_383, %dma_start3A_384] : memref<2x10000x64xf32, #tpu.memory_space<hbm>> -> memref<1x10000x64xf32, #tpu.memory_space<hbm>>
      %dma_start3A_386 = tpu.memref_squeeze %dma_start3A_385 : memref<1x10000x64xf32, #tpu.memory_space<hbm>> -> memref<10000x64xf32, #tpu.memory_space<hbm>>
      %dma_start3A_387 = arith.constant 0 : i32
      %dma_start3A_388 = arith.constant 0 : i32
      %dma_start3A_389 = tpu.memref_slice %dma_start3A_386[%dma_start3A_387, %dma_start3A_388] : memref<10000x64xf32, #tpu.memory_space<hbm>> -> memref<10000x64xf32, #tpu.memory_space<hbm>>
      tpu.enqueue_indirect_dma source(%dma_start3A_389 : memref<10000x64xf32, #tpu.memory_space<hbm>>) target(%arg11 : memref<125x64xf32, #tpu.memory_space<vmem>>) offsets(%dma_start3A_382 : memref<125xi32, #tpu.memory_space<vmem>>) semaphore(%arg17 : memref<!tpu.dma_semaphore, #tpu.memory_space<semaphore_mem>>)
      %add3A_390 = arith.constant 4 : i32
      %add3A_391 = arith.addi %add3A_201, %add3A_390 : i32
      %dma_wait3A_392 = arith.constant 0 : i32
      %dma_wait3A_393 = tpu.memref_slice %arg7[%add3A_391, %dma_wait3A_392] : memref<160x125xi32, #tpu.memory_space<vmem>> -> memref<1x125xi32, #tpu.memory_space<vmem>>
      %dma_wait3A_394 = tpu.memref_squeeze %dma_wait3A_393 : memref<1x125xi32, #tpu.memory_space<vmem>> -> memref<125xi32, #tpu.memory_space<vmem>>
      %dma_wait3A_395 = arith.constant 0 : i32
      %dma_wait3A_396 = arith.constant 0 : i32
      %dma_wait3A_397 = tpu.memref_slice %arg13[%dma_wait3A_395, %dma_wait3A_396] : memref<10240x64xf32, #tpu.memory_space<vmem_shared>> -> memref<10240x64xf32, #tpu.memory_space<vmem_shared>>
      tpu.wait_indirect_dma semaphore(%arg23 : memref<!tpu.dma_semaphore, #tpu.memory_space<semaphore_mem>>) src(%arg12 : memref<125x64xf32, #tpu.memory_space<vmem>>) dst(%dma_wait3A_397 : memref<10240x64xf32, #tpu.memory_space<vmem_shared>>)
      %add3A_398 = arith.constant 5 : i32
      %add3A_399 = arith.addi %add3A_201, %add3A_398 : i32
      %add3A_400 = arith.constant 4 : i32
      %add3A_401 = arith.addi %add3A_399, %add3A_400 : i32
      %dma_start3A_402 = arith.constant 0 : i32
      %dma_start3A_403 = tpu.memref_slice %arg6[%add3A_401, %dma_start3A_402] : memref<160x125xi32, #tpu.memory_space<vmem>> -> memref<1x125xi32, #tpu.memory_space<vmem>>
      %dma_start3A_404 = tpu.memref_squeeze %dma_start3A_403 : memref<1x125xi32, #tpu.memory_space<vmem>> -> memref<125xi32, #tpu.memory_space<vmem>>
      %dma_start3A_405 = arith.constant 0 : i32
      %dma_start3A_406 = arith.constant 0 : i32
      %dma_start3A_407 = tpu.memref_slice %arg2[%arg0, %dma_start3A_405, %dma_start3A_406] : memref<2x10000x64xf32, #tpu.memory_space<hbm>> -> memref<1x10000x64xf32, #tpu.memory_space<hbm>>
      %dma_start3A_408 = tpu.memref_squeeze %dma_start3A_407 : memref<1x10000x64xf32, #tpu.memory_space<hbm>> -> memref<10000x64xf32, #tpu.memory_space<hbm>>
      %dma_start3A_409 = arith.constant 0 : i32
      %dma_start3A_410 = arith.constant 0 : i32
      %dma_start3A_411 = tpu.memref_slice %dma_start3A_408[%dma_start3A_409, %dma_start3A_410] : memref<10000x64xf32, #tpu.memory_space<hbm>> -> memref<10000x64xf32, #tpu.memory_space<hbm>>
      tpu.enqueue_indirect_dma source(%dma_start3A_411 : memref<10000x64xf32, #tpu.memory_space<hbm>>) target(%arg12 : memref<125x64xf32, #tpu.memory_space<vmem>>) offsets(%dma_start3A_404 : memref<125xi32, #tpu.memory_space<vmem>>) semaphore(%arg18 : memref<!tpu.dma_semaphore, #tpu.memory_space<semaphore_mem>>)
    }
    %scan3A_71 = arith.constant 31 : i32
    %dma_wait3A = arith.constant 155 : i32
    %dma_wait3A_72 = arith.constant 0 : i32
    %dma_wait3A_73 = tpu.memref_slice %arg6[%dma_wait3A, %dma_wait3A_72] : memref<160x125xi32, #tpu.memory_space<vmem>> -> memref<1x125xi32, #tpu.memory_space<vmem>>
    %dma_wait3A_74 = tpu.memref_squeeze %dma_wait3A_73 : memref<1x125xi32, #tpu.memory_space<vmem>> -> memref<125xi32, #tpu.memory_space<vmem>>
    %dma_wait3A_75 = arith.constant 0 : i32
    %dma_wait3A_76 = arith.constant 0 : i32
    %dma_wait3A_77 = tpu.memref_slice %arg2[%arg0, %dma_wait3A_75, %dma_wait3A_76] : memref<2x10000x64xf32, #tpu.memory_space<hbm>> -> memref<1x10000x64xf32, #tpu.memory_space<hbm>>
    %dma_wait3A_78 = tpu.memref_squeeze %dma_wait3A_77 : memref<1x10000x64xf32, #tpu.memory_space<hbm>> -> memref<10000x64xf32, #tpu.memory_space<hbm>>
    %dma_wait3A_79 = arith.constant 0 : i32
    %dma_wait3A_80 = arith.constant 0 : i32
    %dma_wait3A_81 = tpu.memref_slice %dma_wait3A_78[%dma_wait3A_79, %dma_wait3A_80] : memref<10000x64xf32, #tpu.memory_space<hbm>> -> memref<10000x64xf32, #tpu.memory_space<hbm>>
    tpu.wait_indirect_dma semaphore(%arg14 : memref<!tpu.dma_semaphore, #tpu.memory_space<semaphore_mem>>) src(%dma_wait3A_81 : memref<10000x64xf32, #tpu.memory_space<hbm>>) dst(%arg8 : memref<125x64xf32, #tpu.memory_space<vmem>>)
    %dma_start3A_82 = arith.constant 155 : i32
    %dma_start3A_83 = arith.constant 0 : i32
    %dma_start3A_84 = tpu.memref_slice %arg7[%dma_start3A_82, %dma_start3A_83] : memref<160x125xi32, #tpu.memory_space<vmem>> -> memref<1x125xi32, #tpu.memory_space<vmem>>
    %dma_start3A_85 = tpu.memref_squeeze %dma_start3A_84 : memref<1x125xi32, #tpu.memory_space<vmem>> -> memref<125xi32, #tpu.memory_space<vmem>>
    %dma_start3A_86 = arith.constant 0 : i32
    %dma_start3A_87 = arith.constant 0 : i32
    %dma_start3A_88 = tpu.memref_slice %arg13[%dma_start3A_86, %dma_start3A_87] : memref<10240x64xf32, #tpu.memory_space<vmem_shared>> -> memref<10240x64xf32, #tpu.memory_space<vmem_shared>>
    tpu.enqueue_indirect_dma source(%arg8 : memref<125x64xf32, #tpu.memory_space<vmem>>) target(%dma_start3A_88 : memref<10240x64xf32, #tpu.memory_space<vmem_shared>>) offsets(%dma_start3A_85 : memref<125xi32, #tpu.memory_space<vmem>>) semaphore(%arg19 : memref<!tpu.dma_semaphore, #tpu.memory_space<semaphore_mem>>) {add = true}
    %dma_wait3A_89 = arith.constant 156 : i32
    %dma_wait3A_90 = arith.constant 0 : i32
    %dma_wait3A_91 = tpu.memref_slice %arg6[%dma_wait3A_89, %dma_wait3A_90] : memref<160x125xi32, #tpu.memory_space<vmem>> -> memref<1x125xi32, #tpu.memory_space<vmem>>
    %dma_wait3A_92 = tpu.memref_squeeze %dma_wait3A_91 : memref<1x125xi32, #tpu.memory_space<vmem>> -> memref<125xi32, #tpu.memory_space<vmem>>
    %dma_wait3A_93 = arith.constant 0 : i32
    %dma_wait3A_94 = arith.constant 0 : i32
    %dma_wait3A_95 = tpu.memref_slice %arg2[%arg0, %dma_wait3A_93, %dma_wait3A_94] : memref<2x10000x64xf32, #tpu.memory_space<hbm>> -> memref<1x10000x64xf32, #tpu.memory_space<hbm>>
    %dma_wait3A_96 = tpu.memref_squeeze %dma_wait3A_95 : memref<1x10000x64xf32, #tpu.memory_space<hbm>> -> memref<10000x64xf32, #tpu.memory_space<hbm>>
    %dma_wait3A_97 = arith.constant 0 : i32
    %dma_wait3A_98 = arith.constant 0 : i32
    %dma_wait3A_99 = tpu.memref_slice %dma_wait3A_96[%dma_wait3A_97, %dma_wait3A_98] : memref<10000x64xf32, #tpu.memory_space<hbm>> -> memref<10000x64xf32, #tpu.memory_space<hbm>>
    tpu.wait_indirect_dma semaphore(%arg15 : memref<!tpu.dma_semaphore, #tpu.memory_space<semaphore_mem>>) src(%dma_wait3A_99 : memref<10000x64xf32, #tpu.memory_space<hbm>>) dst(%arg9 : memref<125x64xf32, #tpu.memory_space<vmem>>)
    %dma_start3A_100 = arith.constant 156 : i32
    %dma_start3A_101 = arith.constant 0 : i32
    %dma_start3A_102 = tpu.memref_slice %arg7[%dma_start3A_100, %dma_start3A_101] : memref<160x125xi32, #tpu.memory_space<vmem>> -> memref<1x125xi32, #tpu.memory_space<vmem>>
    %dma_start3A_103 = tpu.memref_squeeze %dma_start3A_102 : memref<1x125xi32, #tpu.memory_space<vmem>> -> memref<125xi32, #tpu.memory_space<vmem>>
    %dma_start3A_104 = arith.constant 0 : i32
    %dma_start3A_105 = arith.constant 0 : i32
    %dma_start3A_106 = tpu.memref_slice %arg13[%dma_start3A_104, %dma_start3A_105] : memref<10240x64xf32, #tpu.memory_space<vmem_shared>> -> memref<10240x64xf32, #tpu.memory_space<vmem_shared>>
    tpu.enqueue_indirect_dma source(%arg9 : memref<125x64xf32, #tpu.memory_space<vmem>>) target(%dma_start3A_106 : memref<10240x64xf32, #tpu.memory_space<vmem_shared>>) offsets(%dma_start3A_103 : memref<125xi32, #tpu.memory_space<vmem>>) semaphore(%arg20 : memref<!tpu.dma_semaphore, #tpu.memory_space<semaphore_mem>>) {add = true}
    %dma_wait3A_107 = arith.constant 157 : i32
    %dma_wait3A_108 = arith.constant 0 : i32
    %dma_wait3A_109 = tpu.memref_slice %arg6[%dma_wait3A_107, %dma_wait3A_108] : memref<160x125xi32, #tpu.memory_space<vmem>> -> memref<1x125xi32, #tpu.memory_space<vmem>>
    %dma_wait3A_110 = tpu.memref_squeeze %dma_wait3A_109 : memref<1x125xi32, #tpu.memory_space<vmem>> -> memref<125xi32, #tpu.memory_space<vmem>>
    %dma_wait3A_111 = arith.constant 0 : i32
    %dma_wait3A_112 = arith.constant 0 : i32
    %dma_wait3A_113 = tpu.memref_slice %arg2[%arg0, %dma_wait3A_111, %dma_wait3A_112] : memref<2x10000x64xf32, #tpu.memory_space<hbm>> -> memref<1x10000x64xf32, #tpu.memory_space<hbm>>
    %dma_wait3A_114 = tpu.memref_squeeze %dma_wait3A_113 : memref<1x10000x64xf32, #tpu.memory_space<hbm>> -> memref<10000x64xf32, #tpu.memory_space<hbm>>
    %dma_wait3A_115 = arith.constant 0 : i32
    %dma_wait3A_116 = arith.constant 0 : i32
    %dma_wait3A_117 = tpu.memref_slice %dma_wait3A_114[%dma_wait3A_115, %dma_wait3A_116] : memref<10000x64xf32, #tpu.memory_space<hbm>> -> memref<10000x64xf32, #tpu.memory_space<hbm>>
    tpu.wait_indirect_dma semaphore(%arg16 : memref<!tpu.dma_semaphore, #tpu.memory_space<semaphore_mem>>) src(%dma_wait3A_117 : memref<10000x64xf32, #tpu.memory_space<hbm>>) dst(%arg10 : memref<125x64xf32, #tpu.memory_space<vmem>>)
    %dma_start3A_118 = arith.constant 157 : i32
    %dma_start3A_119 = arith.constant 0 : i32
    %dma_start3A_120 = tpu.memref_slice %arg7[%dma_start3A_118, %dma_start3A_119] : memref<160x125xi32, #tpu.memory_space<vmem>> -> memref<1x125xi32, #tpu.memory_space<vmem>>
    %dma_start3A_121 = tpu.memref_squeeze %dma_start3A_120 : memref<1x125xi32, #tpu.memory_space<vmem>> -> memref<125xi32, #tpu.memory_space<vmem>>
    %dma_start3A_122 = arith.constant 0 : i32
    %dma_start3A_123 = arith.constant 0 : i32
    %dma_start3A_124 = tpu.memref_slice %arg13[%dma_start3A_122, %dma_start3A_123] : memref<10240x64xf32, #tpu.memory_space<vmem_shared>> -> memref<10240x64xf32, #tpu.memory_space<vmem_shared>>
    tpu.enqueue_indirect_dma source(%arg10 : memref<125x64xf32, #tpu.memory_space<vmem>>) target(%dma_start3A_124 : memref<10240x64xf32, #tpu.memory_space<vmem_shared>>) offsets(%dma_start3A_121 : memref<125xi32, #tpu.memory_space<vmem>>) semaphore(%arg21 : memref<!tpu.dma_semaphore, #tpu.memory_space<semaphore_mem>>) {add = true}
    %dma_wait3A_125 = arith.constant 158 : i32
    %dma_wait3A_126 = arith.constant 0 : i32
    %dma_wait3A_127 = tpu.memref_slice %arg6[%dma_wait3A_125, %dma_wait3A_126] : memref<160x125xi32, #tpu.memory_space<vmem>> -> memref<1x125xi32, #tpu.memory_space<vmem>>
    %dma_wait3A_128 = tpu.memref_squeeze %dma_wait3A_127 : memref<1x125xi32, #tpu.memory_space<vmem>> -> memref<125xi32, #tpu.memory_space<vmem>>
    %dma_wait3A_129 = arith.constant 0 : i32
    %dma_wait3A_130 = arith.constant 0 : i32
    %dma_wait3A_131 = tpu.memref_slice %arg2[%arg0, %dma_wait3A_129, %dma_wait3A_130] : memref<2x10000x64xf32, #tpu.memory_space<hbm>> -> memref<1x10000x64xf32, #tpu.memory_space<hbm>>
    %dma_wait3A_132 = tpu.memref_squeeze %dma_wait3A_131 : memref<1x10000x64xf32, #tpu.memory_space<hbm>> -> memref<10000x64xf32, #tpu.memory_space<hbm>>
    %dma_wait3A_133 = arith.constant 0 : i32
    %dma_wait3A_134 = arith.constant 0 : i32
    %dma_wait3A_135 = tpu.memref_slice %dma_wait3A_132[%dma_wait3A_133, %dma_wait3A_134] : memref<10000x64xf32, #tpu.memory_space<hbm>> -> memref<10000x64xf32, #tpu.memory_space<hbm>>
    tpu.wait_indirect_dma semaphore(%arg17 : memref<!tpu.dma_semaphore, #tpu.memory_space<semaphore_mem>>) src(%dma_wait3A_135 : memref<10000x64xf32, #tpu.memory_space<hbm>>) dst(%arg11 : memref<125x64xf32, #tpu.memory_space<vmem>>)
    %dma_start3A_136 = arith.constant 158 : i32
    %dma_start3A_137 = arith.constant 0 : i32
    %dma_start3A_138 = tpu.memref_slice %arg7[%dma_start3A_136, %dma_start3A_137] : memref<160x125xi32, #tpu.memory_space<vmem>> -> memref<1x125xi32, #tpu.memory_space<vmem>>
    %dma_start3A_139 = tpu.memref_squeeze %dma_start3A_138 : memref<1x125xi32, #tpu.memory_space<vmem>> -> memref<125xi32, #tpu.memory_space<vmem>>
    %dma_start3A_140 = arith.constant 0 : i32
    %dma_start3A_141 = arith.constant 0 : i32
    %dma_start3A_142 = tpu.memref_slice %arg13[%dma_start3A_140, %dma_start3A_141] : memref<10240x64xf32, #tpu.memory_space<vmem_shared>> -> memref<10240x64xf32, #tpu.memory_space<vmem_shared>>
    tpu.enqueue_indirect_dma source(%arg11 : memref<125x64xf32, #tpu.memory_space<vmem>>) target(%dma_start3A_142 : memref<10240x64xf32, #tpu.memory_space<vmem_shared>>) offsets(%dma_start3A_139 : memref<125xi32, #tpu.memory_space<vmem>>) semaphore(%arg22 : memref<!tpu.dma_semaphore, #tpu.memory_space<semaphore_mem>>) {add = true}
    %dma_wait3A_143 = arith.constant 159 : i32
    %dma_wait3A_144 = arith.constant 0 : i32
    %dma_wait3A_145 = tpu.memref_slice %arg6[%dma_wait3A_143, %dma_wait3A_144] : memref<160x125xi32, #tpu.memory_space<vmem>> -> memref<1x125xi32, #tpu.memory_space<vmem>>
    %dma_wait3A_146 = tpu.memref_squeeze %dma_wait3A_145 : memref<1x125xi32, #tpu.memory_space<vmem>> -> memref<125xi32, #tpu.memory_space<vmem>>
    %dma_wait3A_147 = arith.constant 0 : i32
    %dma_wait3A_148 = arith.constant 0 : i32
    %dma_wait3A_149 = tpu.memref_slice %arg2[%arg0, %dma_wait3A_147, %dma_wait3A_148] : memref<2x10000x64xf32, #tpu.memory_space<hbm>> -> memref<1x10000x64xf32, #tpu.memory_space<hbm>>
    %dma_wait3A_150 = tpu.memref_squeeze %dma_wait3A_149 : memref<1x10000x64xf32, #tpu.memory_space<hbm>> -> memref<10000x64xf32, #tpu.memory_space<hbm>>
    %dma_wait3A_151 = arith.constant 0 : i32
    %dma_wait3A_152 = arith.constant 0 : i32
    %dma_wait3A_153 = tpu.memref_slice %dma_wait3A_150[%dma_wait3A_151, %dma_wait3A_152] : memref<10000x64xf32, #tpu.memory_space<hbm>> -> memref<10000x64xf32, #tpu.memory_space<hbm>>
    tpu.wait_indirect_dma semaphore(%arg18 : memref<!tpu.dma_semaphore, #tpu.memory_space<semaphore_mem>>) src(%dma_wait3A_153 : memref<10000x64xf32, #tpu.memory_space<hbm>>) dst(%arg12 : memref<125x64xf32, #tpu.memory_space<vmem>>)
    %dma_start3A_154 = arith.constant 159 : i32
    %dma_start3A_155 = arith.constant 0 : i32
    %dma_start3A_156 = tpu.memref_slice %arg7[%dma_start3A_154, %dma_start3A_155] : memref<160x125xi32, #tpu.memory_space<vmem>> -> memref<1x125xi32, #tpu.memory_space<vmem>>
    %dma_start3A_157 = tpu.memref_squeeze %dma_start3A_156 : memref<1x125xi32, #tpu.memory_space<vmem>> -> memref<125xi32, #tpu.memory_space<vmem>>
    %dma_start3A_158 = arith.constant 0 : i32
    %dma_start3A_159 = arith.constant 0 : i32
    %dma_start3A_160 = tpu.memref_slice %arg13[%dma_start3A_158, %dma_start3A_159] : memref<10240x64xf32, #tpu.memory_space<vmem_shared>> -> memref<10240x64xf32, #tpu.memory_space<vmem_shared>>
    tpu.enqueue_indirect_dma source(%arg12 : memref<125x64xf32, #tpu.memory_space<vmem>>) target(%dma_start3A_160 : memref<10240x64xf32, #tpu.memory_space<vmem_shared>>) offsets(%dma_start3A_157 : memref<125xi32, #tpu.memory_space<vmem>>) semaphore(%arg23 : memref<!tpu.dma_semaphore, #tpu.memory_space<semaphore_mem>>) {add = true}
    %dma_wait3A_161 = arith.constant 155 : i32
    %dma_wait3A_162 = arith.constant 0 : i32
    %dma_wait3A_163 = tpu.memref_slice %arg7[%dma_wait3A_161, %dma_wait3A_162] : memref<160x125xi32, #tpu.memory_space<vmem>> -> memref<1x125xi32, #tpu.memory_space<vmem>>
    %dma_wait3A_164 = tpu.memref_squeeze %dma_wait3A_163 : memref<1x125xi32, #tpu.memory_space<vmem>> -> memref<125xi32, #tpu.memory_space<vmem>>
    %dma_wait3A_165 = arith.constant 0 : i32
    %dma_wait3A_166 = arith.constant 0 : i32
    %dma_wait3A_167 = tpu.memref_slice %arg13[%dma_wait3A_165, %dma_wait3A_166] : memref<10240x64xf32, #tpu.memory_space<vmem_shared>> -> memref<10240x64xf32, #tpu.memory_space<vmem_shared>>
    tpu.wait_indirect_dma semaphore(%arg19 : memref<!tpu.dma_semaphore, #tpu.memory_space<semaphore_mem>>) src(%arg8 : memref<125x64xf32, #tpu.memory_space<vmem>>) dst(%dma_wait3A_167 : memref<10240x64xf32, #tpu.memory_space<vmem_shared>>)
    %dma_wait3A_168 = arith.constant 156 : i32
    %dma_wait3A_169 = arith.constant 0 : i32
    %dma_wait3A_170 = tpu.memref_slice %arg7[%dma_wait3A_168, %dma_wait3A_169] : memref<160x125xi32, #tpu.memory_space<vmem>> -> memref<1x125xi32, #tpu.memory_space<vmem>>
    %dma_wait3A_171 = tpu.memref_squeeze %dma_wait3A_170 : memref<1x125xi32, #tpu.memory_space<vmem>> -> memref<125xi32, #tpu.memory_space<vmem>>
    %dma_wait3A_172 = arith.constant 0 : i32
    %dma_wait3A_173 = arith.constant 0 : i32
    %dma_wait3A_174 = tpu.memref_slice %arg13[%dma_wait3A_172, %dma_wait3A_173] : memref<10240x64xf32, #tpu.memory_space<vmem_shared>> -> memref<10240x64xf32, #tpu.memory_space<vmem_shared>>
    tpu.wait_indirect_dma semaphore(%arg20 : memref<!tpu.dma_semaphore, #tpu.memory_space<semaphore_mem>>) src(%arg9 : memref<125x64xf32, #tpu.memory_space<vmem>>) dst(%dma_wait3A_174 : memref<10240x64xf32, #tpu.memory_space<vmem_shared>>)
    %dma_wait3A_175 = arith.constant 157 : i32
    %dma_wait3A_176 = arith.constant 0 : i32
    %dma_wait3A_177 = tpu.memref_slice %arg7[%dma_wait3A_175, %dma_wait3A_176] : memref<160x125xi32, #tpu.memory_space<vmem>> -> memref<1x125xi32, #tpu.memory_space<vmem>>
    %dma_wait3A_178 = tpu.memref_squeeze %dma_wait3A_177 : memref<1x125xi32, #tpu.memory_space<vmem>> -> memref<125xi32, #tpu.memory_space<vmem>>
    %dma_wait3A_179 = arith.constant 0 : i32
    %dma_wait3A_180 = arith.constant 0 : i32
    %dma_wait3A_181 = tpu.memref_slice %arg13[%dma_wait3A_179, %dma_wait3A_180] : memref<10240x64xf32, #tpu.memory_space<vmem_shared>> -> memref<10240x64xf32, #tpu.memory_space<vmem_shared>>
    tpu.wait_indirect_dma semaphore(%arg21 : memref<!tpu.dma_semaphore, #tpu.memory_space<semaphore_mem>>) src(%arg10 : memref<125x64xf32, #tpu.memory_space<vmem>>) dst(%dma_wait3A_181 : memref<10240x64xf32, #tpu.memory_space<vmem_shared>>)
    %dma_wait3A_182 = arith.constant 158 : i32
    %dma_wait3A_183 = arith.constant 0 : i32
    %dma_wait3A_184 = tpu.memref_slice %arg7[%dma_wait3A_182, %dma_wait3A_183] : memref<160x125xi32, #tpu.memory_space<vmem>> -> memref<1x125xi32, #tpu.memory_space<vmem>>
    %dma_wait3A_185 = tpu.memref_squeeze %dma_wait3A_184 : memref<1x125xi32, #tpu.memory_space<vmem>> -> memref<125xi32, #tpu.memory_space<vmem>>
    %dma_wait3A_186 = arith.constant 0 : i32
    %dma_wait3A_187 = arith.constant 0 : i32
    %dma_wait3A_188 = tpu.memref_slice %arg13[%dma_wait3A_186, %dma_wait3A_187] : memref<10240x64xf32, #tpu.memory_space<vmem_shared>> -> memref<10240x64xf32, #tpu.memory_space<vmem_shared>>
    tpu.wait_indirect_dma semaphore(%arg22 : memref<!tpu.dma_semaphore, #tpu.memory_space<semaphore_mem>>) src(%arg11 : memref<125x64xf32, #tpu.memory_space<vmem>>) dst(%dma_wait3A_188 : memref<10240x64xf32, #tpu.memory_space<vmem_shared>>)
    %dma_wait3A_189 = arith.constant 159 : i32
    %dma_wait3A_190 = arith.constant 0 : i32
    %dma_wait3A_191 = tpu.memref_slice %arg7[%dma_wait3A_189, %dma_wait3A_190] : memref<160x125xi32, #tpu.memory_space<vmem>> -> memref<1x125xi32, #tpu.memory_space<vmem>>
    %dma_wait3A_192 = tpu.memref_squeeze %dma_wait3A_191 : memref<1x125xi32, #tpu.memory_space<vmem>> -> memref<125xi32, #tpu.memory_space<vmem>>
    %dma_wait3A_193 = arith.constant 0 : i32
    %dma_wait3A_194 = arith.constant 0 : i32
    %dma_wait3A_195 = tpu.memref_slice %arg13[%dma_wait3A_193, %dma_wait3A_194] : memref<10240x64xf32, #tpu.memory_space<vmem_shared>> -> memref<10240x64xf32, #tpu.memory_space<vmem_shared>>
    tpu.wait_indirect_dma semaphore(%arg23 : memref<!tpu.dma_semaphore, #tpu.memory_space<semaphore_mem>>) src(%arg12 : memref<125x64xf32, #tpu.memory_space<vmem>>) dst(%dma_wait3A_195 : memref<10240x64xf32, #tpu.memory_space<vmem_shared>>)
    %barrier3A_196 = arith.constant 0 : index
    tpu.barrier barrier_id(%barrier3A_196)
    "tpu.region"() ({
      %run_scoped3A = tpu.sem_alloc : memref<!tpu.dma_semaphore, #tpu.memory_space<semaphore_mem>>
      %dma_start3A_197 = arith.constant 0 : i32
      %dma_start3A_198 = arith.constant 0 : i32
      %dma_start3A_199 = tpu.memref_slice %arg5[%arg0, %dma_start3A_197, %dma_start3A_198] : memref<2x10240x64xf32, #tpu.memory_space<hbm>> -> memref<1x10240x64xf32, #tpu.memory_space<hbm>>
      %dma_start3A_200 = tpu.memref_squeeze %dma_start3A_199 : memref<1x10240x64xf32, #tpu.memory_space<hbm>> -> memref<10240x64xf32, #tpu.memory_space<hbm>>
      %dma_start3A_201 = arith.constant 0 : i32
      %dma_start3A_202 = tpu.memref_slice %dma_start3A_200[%mul3A_0, %dma_start3A_201] : memref<10240x64xf32, #tpu.memory_space<hbm>> -> memref<640x64xf32, #tpu.memory_space<hbm>>
      %dma_start3A_203 = arith.constant 0 : i32
      %dma_start3A_204 = tpu.memref_slice %arg13[%mul3A_0, %dma_start3A_203] : memref<10240x64xf32, #tpu.memory_space<vmem_shared>> -> memref<640x64xf32, #tpu.memory_space<vmem_shared>>
      tpu.enqueue_dma source(%dma_start3A_204 : memref<640x64xf32, #tpu.memory_space<vmem_shared>>) target(%dma_start3A_202 : memref<640x64xf32, #tpu.memory_space<hbm>>) target_semaphore(%run_scoped3A : memref<!tpu.dma_semaphore, #tpu.memory_space<semaphore_mem>>)
      %dma_wait3A_205 = arith.constant 0 : i32
      %dma_wait3A_206 = arith.constant 0 : i32
      %dma_wait3A_207 = tpu.memref_slice %arg5[%arg0, %dma_wait3A_205, %dma_wait3A_206] : memref<2x10240x64xf32, #tpu.memory_space<hbm>> -> memref<1x10240x64xf32, #tpu.memory_space<hbm>>
      %dma_wait3A_208 = tpu.memref_squeeze %dma_wait3A_207 : memref<1x10240x64xf32, #tpu.memory_space<hbm>> -> memref<10240x64xf32, #tpu.memory_space<hbm>>
      %dma_wait3A_209 = arith.constant 0 : i32
      %dma_wait3A_210 = tpu.memref_slice %dma_wait3A_208[%mul3A_0, %dma_wait3A_209] : memref<10240x64xf32, #tpu.memory_space<hbm>> -> memref<640x64xf32, #tpu.memory_space<hbm>>
      %dma_wait3A_211 = arith.constant 0 : i32
      %dma_wait3A_212 = tpu.memref_slice %arg13[%mul3A_0, %dma_wait3A_211] : memref<10240x64xf32, #tpu.memory_space<vmem_shared>> -> memref<640x64xf32, #tpu.memory_space<vmem_shared>>
      tpu.wait_dma2 semaphore(%run_scoped3A : memref<!tpu.dma_semaphore, #tpu.memory_space<semaphore_mem>>) src(%dma_wait3A_212 : memref<640x64xf32, #tpu.memory_space<vmem_shared>>) dst(%dma_wait3A_210 : memref<640x64xf32, #tpu.memory_space<hbm>>)
      tpu.yield
    }) : () -> ()
    return
  }
}

module attributes {stable_mosaic.version = 14 : i64} {
  func.func @_mm1_body(%arg0: i32, %arg1: memref<2000x128xf32, #tpu.memory_space<vmem>>, %arg2: memref<128x128xf32, #tpu.memory_space<vmem>>, %arg3: memref<2000x128xf32, #tpu.memory_space<vmem>>) attributes {dimension_semantics = [#tpu.dimension_semantics<arbitrary>], iteration_bounds = array<i64: 5>, scalar_prefetch = 0 : i64, scratch_operands = 0 : i64, tpu.core_type = #tpu.core_type<tc>, window_params = [{transform_indices = @transform_0, window_bounds = array<i64: 2000, 128>}, {pipeline_mode = #tpu.pipeline_mode<synchronous>, transform_indices = @transform_1, window_bounds = array<i64: 128, 128>}, {transform_indices = @transform_2, window_bounds = array<i64: 2000, 128>}]} {
    %get3A = arith.constant 0 : index
    %get3A_0 = arith.constant 0 : index
    %get3A_1 = vector.load %arg1[%get3A, %get3A_0] : memref<2000x128xf32, #tpu.memory_space<vmem>>, vector<2000x128xf32>
    %get3A_2 = arith.constant 0 : index
    %get3A_3 = arith.constant 0 : index
    %get3A_4 = vector.load %arg2[%get3A_2, %get3A_3] : memref<128x128xf32, #tpu.memory_space<vmem>>, vector<128x128xf32>
    %dot_general3A = arith.constant dense<0.000000e+00> : vector<2000x128xf32>
    %dot_general3A_5 = tpu.matmul %get3A_1, %get3A_4, %dot_general3A {dimension_numbers = #tpu.dot_dimension_numbers<[1], [0], [0], [1], [0, 0, 1, 1], [], []>, precision = #tpu.contract_precision<fp32>, transpose_lhs_hint = false} : vector<2000x128xf32>, vector<128x128xf32>, vector<2000x128xf32> -> vector<2000x128xf32>
    %swap3A = arith.constant 0 : index
    %swap3A_6 = arith.constant 0 : index
    %swap3A_7 = vector.load %arg3[%swap3A, %swap3A_6] : memref<2000x128xf32, #tpu.memory_space<vmem>>, vector<2000x128xf32>
    tpu.vector_store %arg3[%swap3A, %swap3A_6], %dot_general3A_5 {strides = array<i32>} : memref<2000x128xf32, #tpu.memory_space<vmem>>, vector<2000x128xf32>,
    return
  }
  func.func @transform_0(%arg0: i32) -> (i32, i32) {
    %c0_i32 = arith.constant 0 : i32
    %c0_i32_0 = arith.constant 0 : i32
    return %arg0, %c0_i32 : i32, i32
  }
  func.func @transform_1(%arg0: i32) -> (i32, i32) {
    %c0_i32 = arith.constant 0 : i32
    %c0_i32_0 = arith.constant 0 : i32
    %c0_i32_1 = arith.constant 0 : i32
    return %c0_i32, %c0_i32_0 : i32, i32
  }
  func.func @transform_2(%arg0: i32) -> (i32, i32) {
    %c0_i32 = arith.constant 0 : i32
    %c0_i32_0 = arith.constant 0 : i32
    return %arg0, %c0_i32 : i32, i32
  }
}

module attributes {stable_mosaic.version = 14 : i64} {
  func.func @_scale1_body(%arg0: i32, %arg1: memref<2x2000x16xf32, #tpu.memory_space<vmem>>, %arg2: memref<2000x128xf32, #tpu.memory_space<vmem>>, %arg3: memref<2x2000x64xf32, #tpu.memory_space<vmem>>, %arg4: memref<2000x1xf32, #tpu.memory_space<vmem>>) attributes {dimension_semantics = [#tpu.dimension_semantics<arbitrary>], iteration_bounds = array<i64: 5>, scalar_prefetch = 0 : i64, scratch_operands = 0 : i64, tpu.core_type = #tpu.core_type<tc>, window_params = [{transform_indices = @transform_0, window_bounds = array<i64: 2, 2000, 16>}, {transform_indices = @transform_1, window_bounds = array<i64: 2000, 128>}, {transform_indices = @transform_2, window_bounds = array<i64: 2, 2000, 64>}, {transform_indices = @transform_3, window_bounds = array<i64: 2000, 1>}]} {
    %get3A = arith.constant 0 : index
    %get3A_0 = arith.constant 0 : index
    %get3A_1 = arith.constant 0 : index
    %get3A_2 = vector.load %arg1[%get3A, %get3A_0, %get3A_1] : memref<2x2000x16xf32, #tpu.memory_space<vmem>>, vector<1x2000x1xf32>
    %get3A_3 = vector.shape_cast %get3A_2 : vector<1x2000x1xf32> to vector<2000x1xf32>
    %get3A_4 = arith.constant 1 : index
    %get3A_5 = arith.constant 0 : index
    %get3A_6 = arith.constant 0 : index
    %get3A_7 = vector.load %arg1[%get3A_4, %get3A_5, %get3A_6] : memref<2x2000x16xf32, #tpu.memory_space<vmem>>, vector<1x2000x1xf32>
    %get3A_8 = vector.shape_cast %get3A_7 : vector<1x2000x1xf32> to vector<2000x1xf32>
    %add3A = arith.addf %get3A_3, %get3A_8 : vector<2000x1xf32>
    %add3A_9 = arith.constant 1.000000e+00 : f32
    %add3A_10 = vector.broadcast %add3A_9 : f32 to vector<2000x1xf32>
    %add3A_11 = arith.addf %add3A, %add3A_10 : vector<2000x1xf32>
    %rsqrt3A = math.rsqrt %add3A_11 : vector<2000x1xf32>
    %swap3A = arith.constant 0 : index
    %swap3A_12 = arith.constant 0 : index
    %swap3A_13 = vector.load %arg4[%swap3A, %swap3A_12] : memref<2000x1xf32, #tpu.memory_space<vmem>>, vector<2000x1xf32>
    tpu.vector_store %arg4[%swap3A, %swap3A_12], %rsqrt3A {strides = array<i32>} : memref<2000x1xf32, #tpu.memory_space<vmem>>, vector<2000x1xf32>,
    %get3A_14 = arith.constant 0 : index
    %get3A_15 = arith.constant 0 : index
    %get3A_16 = vector.load %arg2[%get3A_14, %get3A_15] : memref<2000x128xf32, #tpu.memory_space<vmem>>, vector<2000x128xf32>
    %mul3A = vector.broadcast %rsqrt3A : vector<2000x1xf32> to vector<2000x128xf32>
    %mul3A_17 = arith.mulf %get3A_16, %mul3A : vector<2000x128xf32>
    %slice3A = vector.extract_strided_slice %mul3A_17 {offsets = [0, 0], sizes = [2000, 64], strides = [1, 1]} : vector<2000x128xf32> to vector<2000x64xf32>
    %swap3A_18 = arith.constant 0 : index
    %swap3A_19 = arith.constant 0 : index
    %swap3A_20 = arith.constant 0 : index
    %swap3A_21 = vector.load %arg3[%swap3A_18, %swap3A_19, %swap3A_20] : memref<2x2000x64xf32, #tpu.memory_space<vmem>>, vector<1x2000x64xf32>
    %swap3A_22 = vector.shape_cast %swap3A_21 : vector<1x2000x64xf32> to vector<2000x64xf32>
    %swap3A_23 = vector.shape_cast %slice3A : vector<2000x64xf32> to vector<1x2000x64xf32>
    tpu.vector_store %arg3[%swap3A_18, %swap3A_19, %swap3A_20], %swap3A_23 {strides = array<i32>} : memref<2x2000x64xf32, #tpu.memory_space<vmem>>, vector<1x2000x64xf32>,
    %slice3A_24 = vector.extract_strided_slice %mul3A_17 {offsets = [0, 64], sizes = [2000, 64], strides = [1, 1]} : vector<2000x128xf32> to vector<2000x64xf32>
    %swap3A_25 = arith.constant 1 : index
    %swap3A_26 = arith.constant 0 : index
    %swap3A_27 = arith.constant 0 : index
    %swap3A_28 = vector.load %arg3[%swap3A_25, %swap3A_26, %swap3A_27] : memref<2x2000x64xf32, #tpu.memory_space<vmem>>, vector<1x2000x64xf32>
    %swap3A_29 = vector.shape_cast %swap3A_28 : vector<1x2000x64xf32> to vector<2000x64xf32>
    %swap3A_30 = vector.shape_cast %slice3A_24 : vector<2000x64xf32> to vector<1x2000x64xf32>
    tpu.vector_store %arg3[%swap3A_25, %swap3A_26, %swap3A_27], %swap3A_30 {strides = array<i32>} : memref<2x2000x64xf32, #tpu.memory_space<vmem>>, vector<1x2000x64xf32>,
    return
  }
  func.func @transform_0(%arg0: i32) -> (i32, i32, i32) {
    %c0_i32 = arith.constant 0 : i32
    %c0_i32_0 = arith.constant 0 : i32
    %c0_i32_1 = arith.constant 0 : i32
    return %c0_i32, %arg0, %c0_i32_0 : i32, i32, i32
  }
  func.func @transform_1(%arg0: i32) -> (i32, i32) {
    %c0_i32 = arith.constant 0 : i32
    %c0_i32_0 = arith.constant 0 : i32
    return %arg0, %c0_i32 : i32, i32
  }
  func.func @transform_2(%arg0: i32) -> (i32, i32, i32) {
    %c0_i32 = arith.constant 0 : i32
    %c0_i32_0 = arith.constant 0 : i32
    %c0_i32_1 = arith.constant 0 : i32
    return %c0_i32, %arg0, %c0_i32_0 : i32, i32, i32
  }
  func.func @transform_3(%arg0: i32) -> (i32, i32) {
    %c0_i32 = arith.constant 0 : i32
    %c0_i32_0 = arith.constant 0 : i32
    return %arg0, %c0_i32 : i32, i32
  }
}

module attributes {stable_mosaic.version = 14 : i64} {
  func.func @_comb1_body(%arg0: i32, %arg1: memref<2x2000x64xf32, #tpu.memory_space<vmem>>, %arg2: memref<2x2000x64xf32, #tpu.memory_space<vmem>>, %arg3: memref<2000x1xf32, #tpu.memory_space<vmem>>, %arg4: memref<1x128xf32, #tpu.memory_space<vmem>>, %arg5: memref<128x128xf32, #tpu.memory_space<vmem>>, %arg6: memref<2x2000x64xf32, #tpu.memory_space<vmem>>) attributes {dimension_semantics = [#tpu.dimension_semantics<arbitrary>], iteration_bounds = array<i64: 5>, scalar_prefetch = 0 : i64, scratch_operands = 0 : i64, tpu.core_type = #tpu.core_type<tc>, window_params = [{transform_indices = @transform_0, window_bounds = array<i64: 2, 2000, 64>}, {transform_indices = @transform_1, window_bounds = array<i64: 2, 2000, 64>}, {transform_indices = @transform_2, window_bounds = array<i64: 2000, 1>}, {pipeline_mode = #tpu.pipeline_mode<synchronous>, transform_indices = @transform_3, window_bounds = array<i64: 1, 128>}, {pipeline_mode = #tpu.pipeline_mode<synchronous>, transform_indices = @transform_4, window_bounds = array<i64: 128, 128>}, {transform_indices = @transform_5, window_bounds = array<i64: 2, 2000, 64>}]} {
    %get3A = arith.constant 0 : index
    %get3A_0 = arith.constant 0 : index
    %get3A_1 = vector.load %arg3[%get3A, %get3A_0] : memref<2000x1xf32, #tpu.memory_space<vmem>>, vector<2000x1xf32>
    %get3A_2 = arith.constant 0 : index
    %get3A_3 = arith.constant 0 : index
    %get3A_4 = arith.constant 0 : index
    %get3A_5 = vector.load %arg1[%get3A_2, %get3A_3, %get3A_4] : memref<2x2000x64xf32, #tpu.memory_space<vmem>>, vector<1x2000x64xf32>
    %get3A_6 = vector.shape_cast %get3A_5 : vector<1x2000x64xf32> to vector<2000x64xf32>
    %get3A_7 = arith.constant 0 : index
    %get3A_8 = arith.constant 0 : index
    %get3A_9 = arith.constant 0 : index
    %get3A_10 = vector.load %arg2[%get3A_7, %get3A_8, %get3A_9] : memref<2x2000x64xf32, #tpu.memory_space<vmem>>, vector<1x2000x64xf32>
    %get3A_11 = vector.shape_cast %get3A_10 : vector<1x2000x64xf32> to vector<2000x64xf32>
    %add3A = arith.addf %get3A_6, %get3A_11 : vector<2000x64xf32>
    %mul3A = vector.broadcast %get3A_1 : vector<2000x1xf32> to vector<2000x64xf32>
    %mul3A_12 = arith.mulf %add3A, %mul3A : vector<2000x64xf32>
    %get3A_13 = arith.constant 0 : index
    %get3A_14 = arith.constant 0 : index
    %get3A_15 = vector.load %arg4[%get3A_13, %get3A_14] : memref<1x128xf32, #tpu.memory_space<vmem>>, vector<1x64xf32>
    %add3A_16 = vector.broadcast %get3A_15 : vector<1x64xf32> to vector<2000x64xf32>
    %add3A_17 = arith.addf %mul3A_12, %add3A_16 : vector<2000x64xf32>
    %max3A = arith.constant 0.000000e+00 : f32
    %max3A_18 = vector.broadcast %max3A : f32 to vector<2000x64xf32>
    %max3A_19 = arith.maximumf %add3A_17, %max3A_18 : vector<2000x64xf32>
    %get3A_20 = arith.constant 1 : index
    %get3A_21 = arith.constant 0 : index
    %get3A_22 = arith.constant 0 : index
    %get3A_23 = vector.load %arg1[%get3A_20, %get3A_21, %get3A_22] : memref<2x2000x64xf32, #tpu.memory_space<vmem>>, vector<1x2000x64xf32>
    %get3A_24 = vector.shape_cast %get3A_23 : vector<1x2000x64xf32> to vector<2000x64xf32>
    %get3A_25 = arith.constant 1 : index
    %get3A_26 = arith.constant 0 : index
    %get3A_27 = arith.constant 0 : index
    %get3A_28 = vector.load %arg2[%get3A_25, %get3A_26, %get3A_27] : memref<2x2000x64xf32, #tpu.memory_space<vmem>>, vector<1x2000x64xf32>
    %get3A_29 = vector.shape_cast %get3A_28 : vector<1x2000x64xf32> to vector<2000x64xf32>
    %add3A_30 = arith.addf %get3A_24, %get3A_29 : vector<2000x64xf32>
    %mul3A_31 = vector.broadcast %get3A_1 : vector<2000x1xf32> to vector<2000x64xf32>
    %mul3A_32 = arith.mulf %add3A_30, %mul3A_31 : vector<2000x64xf32>
    %get3A_33 = arith.constant 0 : index
    %get3A_34 = arith.constant 64 : index
    %get3A_35 = vector.load %arg4[%get3A_33, %get3A_34] : memref<1x128xf32, #tpu.memory_space<vmem>>, vector<1x64xf32>
    %add3A_36 = vector.broadcast %get3A_35 : vector<1x64xf32> to vector<2000x64xf32>
    %add3A_37 = arith.addf %mul3A_32, %add3A_36 : vector<2000x64xf32>
    %max3A_38 = arith.constant 0.000000e+00 : f32
    %max3A_39 = vector.broadcast %max3A_38 : f32 to vector<2000x64xf32>
    %max3A_40 = arith.maximumf %add3A_37, %max3A_39 : vector<2000x64xf32>
    %get3A_41 = arith.constant 0 : index
    %get3A_42 = arith.constant 0 : index
    %get3A_43 = vector.load %arg5[%get3A_41, %get3A_42] : memref<128x128xf32, #tpu.memory_space<vmem>>, vector<64x128xf32>
    %dot_general3A = arith.constant dense<0.000000e+00> : vector<2000x128xf32>
    %dot_general3A_44 = tpu.matmul %max3A_19, %get3A_43, %dot_general3A {dimension_numbers = #tpu.dot_dimension_numbers<[1], [0], [0], [1], [0, 0, 1, 1], [], []>, precision = #tpu.contract_precision<fp32>, transpose_lhs_hint = false} : vector<2000x64xf32>, vector<64x128xf32>, vector<2000x128xf32> -> vector<2000x128xf32>
    %get3A_45 = arith.constant 64 : index
    %get3A_46 = arith.constant 0 : index
    %get3A_47 = vector.load %arg5[%get3A_45, %get3A_46] : memref<128x128xf32, #tpu.memory_space<vmem>>, vector<64x128xf32>
    %dot_general3A_48 = arith.constant dense<0.000000e+00> : vector<2000x128xf32>
    %dot_general3A_49 = tpu.matmul %max3A_40, %get3A_47, %dot_general3A_48 {dimension_numbers = #tpu.dot_dimension_numbers<[1], [0], [0], [1], [0, 0, 1, 1], [], []>, precision = #tpu.contract_precision<fp32>, transpose_lhs_hint = false} : vector<2000x64xf32>, vector<64x128xf32>, vector<2000x128xf32> -> vector<2000x128xf32>
    %add3A_50 = arith.addf %dot_general3A_44, %dot_general3A_49 : vector<2000x128xf32>
    %mul3A_51 = vector.broadcast %get3A_1 : vector<2000x1xf32> to vector<2000x128xf32>
    %mul3A_52 = arith.mulf %add3A_50, %mul3A_51 : vector<2000x128xf32>
    %slice3A = vector.extract_strided_slice %mul3A_52 {offsets = [0, 0], sizes = [2000, 64], strides = [1, 1]} : vector<2000x128xf32> to vector<2000x64xf32>
    %swap3A = arith.constant 0 : index
    %swap3A_53 = arith.constant 0 : index
    %swap3A_54 = arith.constant 0 : index
    %swap3A_55 = vector.load %arg6[%swap3A, %swap3A_53, %swap3A_54] : memref<2x2000x64xf32, #tpu.memory_space<vmem>>, vector<1x2000x64xf32>
    %swap3A_56 = vector.shape_cast %swap3A_55 : vector<1x2000x64xf32> to vector<2000x64xf32>
    %swap3A_57 = vector.shape_cast %slice3A : vector<2000x64xf32> to vector<1x2000x64xf32>
    tpu.vector_store %arg6[%swap3A, %swap3A_53, %swap3A_54], %swap3A_57 {strides = array<i32>} : memref<2x2000x64xf32, #tpu.memory_space<vmem>>, vector<1x2000x64xf32>,
    %slice3A_58 = vector.extract_strided_slice %mul3A_52 {offsets = [0, 64], sizes = [2000, 64], strides = [1, 1]} : vector<2000x128xf32> to vector<2000x64xf32>
    %swap3A_59 = arith.constant 1 : index
    %swap3A_60 = arith.constant 0 : index
    %swap3A_61 = arith.constant 0 : index
    %swap3A_62 = vector.load %arg6[%swap3A_59, %swap3A_60, %swap3A_61] : memref<2x2000x64xf32, #tpu.memory_space<vmem>>, vector<1x2000x64xf32>
    %swap3A_63 = vector.shape_cast %swap3A_62 : vector<1x2000x64xf32> to vector<2000x64xf32>
    %swap3A_64 = vector.shape_cast %slice3A_58 : vector<2000x64xf32> to vector<1x2000x64xf32>
    tpu.vector_store %arg6[%swap3A_59, %swap3A_60, %swap3A_61], %swap3A_64 {strides = array<i32>} : memref<2x2000x64xf32, #tpu.memory_space<vmem>>, vector<1x2000x64xf32>,
    return
  }
  func.func @transform_0(%arg0: i32) -> (i32, i32, i32) {
    %c0_i32 = arith.constant 0 : i32
    %c0_i32_0 = arith.constant 0 : i32
    %c0_i32_1 = arith.constant 0 : i32
    return %c0_i32, %arg0, %c0_i32_0 : i32, i32, i32
  }
  func.func @transform_1(%arg0: i32) -> (i32, i32, i32) {
    %c0_i32 = arith.constant 0 : i32
    %c0_i32_0 = arith.constant 0 : i32
    %c0_i32_1 = arith.constant 0 : i32
    return %c0_i32, %arg0, %c0_i32_0 : i32, i32, i32
  }
  func.func @transform_2(%arg0: i32) -> (i32, i32) {
    %c0_i32 = arith.constant 0 : i32
    %c0_i32_0 = arith.constant 0 : i32
    return %arg0, %c0_i32 : i32, i32
  }
  func.func @transform_3(%arg0: i32) -> (i32, i32) {
    %c0_i32 = arith.constant 0 : i32
    %c0_i32_0 = arith.constant 0 : i32
    %c0_i32_1 = arith.constant 0 : i32
    return %c0_i32, %c0_i32_0 : i32, i32
  }
  func.func @transform_4(%arg0: i32) -> (i32, i32) {
    %c0_i32 = arith.constant 0 : i32
    %c0_i32_0 = arith.constant 0 : i32
    %c0_i32_1 = arith.constant 0 : i32
    return %c0_i32, %c0_i32_0 : i32, i32
  }
  func.func @transform_5(%arg0: i32) -> (i32, i32, i32) {
    %c0_i32 = arith.constant 0 : i32
    %c0_i32_0 = arith.constant 0 : i32
    %c0_i32_1 = arith.constant 0 : i32
    return %c0_i32, %arg0, %c0_i32_0 : i32, i32, i32
  }
}

module attributes {stable_mosaic.version = 14 : i64} {
  func.func @_comb2_body(%arg0: i32, %arg1: memref<2x2000x64xf32, #tpu.memory_space<vmem>>, %arg2: memref<2x2000x64xf32, #tpu.memory_space<vmem>>, %arg3: memref<2000x1xf32, #tpu.memory_space<vmem>>, %arg4: memref<1x128xf32, #tpu.memory_space<vmem>>, %arg5: memref<2000x128xf32, #tpu.memory_space<vmem>>) attributes {dimension_semantics = [#tpu.dimension_semantics<arbitrary>], iteration_bounds = array<i64: 5>, scalar_prefetch = 0 : i64, scratch_operands = 0 : i64, tpu.core_type = #tpu.core_type<tc>, window_params = [{transform_indices = @transform_0, window_bounds = array<i64: 2, 2000, 64>}, {transform_indices = @transform_1, window_bounds = array<i64: 2, 2000, 64>}, {transform_indices = @transform_2, window_bounds = array<i64: 2000, 1>}, {pipeline_mode = #tpu.pipeline_mode<synchronous>, transform_indices = @transform_3, window_bounds = array<i64: 1, 128>}, {transform_indices = @transform_4, window_bounds = array<i64: 2000, 128>}]} {
    %get3A = arith.constant 0 : index
    %get3A_0 = arith.constant 0 : index
    %get3A_1 = vector.load %arg3[%get3A, %get3A_0] : memref<2000x1xf32, #tpu.memory_space<vmem>>, vector<2000x1xf32>
    %get3A_2 = arith.constant 0 : index
    %get3A_3 = arith.constant 0 : index
    %get3A_4 = arith.constant 0 : index
    %get3A_5 = vector.load %arg1[%get3A_2, %get3A_3, %get3A_4] : memref<2x2000x64xf32, #tpu.memory_space<vmem>>, vector<1x2000x64xf32>
    %get3A_6 = vector.shape_cast %get3A_5 : vector<1x2000x64xf32> to vector<2000x64xf32>
    %get3A_7 = arith.constant 0 : index
    %get3A_8 = arith.constant 0 : index
    %get3A_9 = arith.constant 0 : index
    %get3A_10 = vector.load %arg2[%get3A_7, %get3A_8, %get3A_9] : memref<2x2000x64xf32, #tpu.memory_space<vmem>>, vector<1x2000x64xf32>
    %get3A_11 = vector.shape_cast %get3A_10 : vector<1x2000x64xf32> to vector<2000x64xf32>
    %add3A = arith.addf %get3A_6, %get3A_11 : vector<2000x64xf32>
    %mul3A = vector.broadcast %get3A_1 : vector<2000x1xf32> to vector<2000x64xf32>
    %mul3A_12 = arith.mulf %add3A, %mul3A : vector<2000x64xf32>
    %get3A_13 = arith.constant 0 : index
    %get3A_14 = arith.constant 0 : index
    %get3A_15 = vector.load %arg4[%get3A_13, %get3A_14] : memref<1x128xf32, #tpu.memory_space<vmem>>, vector<1x64xf32>
    %add3A_16 = vector.broadcast %get3A_15 : vector<1x64xf32> to vector<2000x64xf32>
    %add3A_17 = arith.addf %mul3A_12, %add3A_16 : vector<2000x64xf32>
    %swap3A = arith.constant 0 : index
    %swap3A_18 = arith.constant 0 : index
    %swap3A_19 = vector.load %arg5[%swap3A, %swap3A_18] : memref<2000x128xf32, #tpu.memory_space<vmem>>, vector<2000x64xf32>
    tpu.vector_store %arg5[%swap3A, %swap3A_18], %add3A_17 {strides = array<i32>} : memref<2000x128xf32, #tpu.memory_space<vmem>>, vector<2000x64xf32>,
    %get3A_20 = arith.constant 1 : index
    %get3A_21 = arith.constant 0 : index
    %get3A_22 = arith.constant 0 : index
    %get3A_23 = vector.load %arg1[%get3A_20, %get3A_21, %get3A_22] : memref<2x2000x64xf32, #tpu.memory_space<vmem>>, vector<1x2000x64xf32>
    %get3A_24 = vector.shape_cast %get3A_23 : vector<1x2000x64xf32> to vector<2000x64xf32>
    %get3A_25 = arith.constant 1 : index
    %get3A_26 = arith.constant 0 : index
    %get3A_27 = arith.constant 0 : index
    %get3A_28 = vector.load %arg2[%get3A_25, %get3A_26, %get3A_27] : memref<2x2000x64xf32, #tpu.memory_space<vmem>>, vector<1x2000x64xf32>
    %get3A_29 = vector.shape_cast %get3A_28 : vector<1x2000x64xf32> to vector<2000x64xf32>
    %add3A_30 = arith.addf %get3A_24, %get3A_29 : vector<2000x64xf32>
    %mul3A_31 = vector.broadcast %get3A_1 : vector<2000x1xf32> to vector<2000x64xf32>
    %mul3A_32 = arith.mulf %add3A_30, %mul3A_31 : vector<2000x64xf32>
    %get3A_33 = arith.constant 0 : index
    %get3A_34 = arith.constant 64 : index
    %get3A_35 = vector.load %arg4[%get3A_33, %get3A_34] : memref<1x128xf32, #tpu.memory_space<vmem>>, vector<1x64xf32>
    %add3A_36 = vector.broadcast %get3A_35 : vector<1x64xf32> to vector<2000x64xf32>
    %add3A_37 = arith.addf %mul3A_32, %add3A_36 : vector<2000x64xf32>
    %swap3A_38 = arith.constant 0 : index
    %swap3A_39 = arith.constant 64 : index
    %swap3A_40 = vector.load %arg5[%swap3A_38, %swap3A_39] : memref<2000x128xf32, #tpu.memory_space<vmem>>, vector<2000x64xf32>
    tpu.vector_store %arg5[%swap3A_38, %swap3A_39], %add3A_37 {strides = array<i32>} : memref<2000x128xf32, #tpu.memory_space<vmem>>, vector<2000x64xf32>,
    return
  }
  func.func @transform_0(%arg0: i32) -> (i32, i32, i32) {
    %c0_i32 = arith.constant 0 : i32
    %c0_i32_0 = arith.constant 0 : i32
    %c0_i32_1 = arith.constant 0 : i32
    return %c0_i32, %arg0, %c0_i32_0 : i32, i32, i32
  }
  func.func @transform_1(%arg0: i32) -> (i32, i32, i32) {
    %c0_i32 = arith.constant 0 : i32
    %c0_i32_0 = arith.constant 0 : i32
    %c0_i32_1 = arith.constant 0 : i32
    return %c0_i32, %arg0, %c0_i32_0 : i32, i32, i32
  }
  func.func @transform_2(%arg0: i32) -> (i32, i32) {
    %c0_i32 = arith.constant 0 : i32
    %c0_i32_0 = arith.constant 0 : i32
    return %arg0, %c0_i32 : i32, i32
  }
  func.func @transform_3(%arg0: i32) -> (i32, i32) {
    %c0_i32 = arith.constant 0 : i32
    %c0_i32_0 = arith.constant 0 : i32
    %c0_i32_1 = arith.constant 0 : i32
    return %c0_i32, %c0_i32_0 : i32, i32
  }
  func.func @transform_4(%arg0: i32) -> (i32, i32) {
    %c0_i32 = arith.constant 0 : i32
    %c0_i32_0 = arith.constant 0 : i32
    return %arg0, %c0_i32 : i32, i32
  }
}

</mosaic_0001>

<sc_bundles>
// kernel: kernel.12.cloned.1.call-start
scs
__scs_entry_jumppad:
0x0: {  	(pc) =	sbr.rel $0x88, $3  }
0x1: {  	(tag) =	ssettag $0x0;
	lr =	simm.s32 $0x1  }
0x2: {  	[smem:$0x3F9B] =	sst lr;
	_ =	strace $0xD0000000  }
0x3: {  	_ = 	snop  }
0x4: {  	_ = 	snop  }
0x5: {  	_ = 	snop  }
0x6: {  	_ = 	snop  }
0x7: {  	_ = 	snop  }
__scs_overlays_trampoline_lowered:
0x8: {  	[smem:$0x3FAA] =	sst s0  }
0x9: {  	[smem:$0x3FAB] =	sst s1  }
0xa: {  	[smem:$0x3FAC] =	sst s2  }
0xb: {  	[smem:$0x3FAD] =	sst s3  }
0xc: {  	[smem:$0x3FAE] =	sst s4  }
0xd: {  	[smem:$0x3FAF] =	sst s5  }
0xe: {  	[smem:$0x3FB0] =	sst s6  }
0xf: {  	[smem:$0x3FB1] =	sst s7  }
0x10: {  	[smem:$0x3FB2] =	sst s8  }
0x11: {  	[smem:$0x3FB3] =	sst s9;
	s0 =	simm.s32 @!p0 $0x0  }
0x12: {  	s1 =	sld [smem:$0x3F99];
	s0 =	simm.s32 @p0 $0x1  }
0x13: {  	[smem:$0x3FB4] =	sst s0;
	s0 =	simm.s32 @!p1 $0x0  }
0x14: {  	s2 =	sld [smem:$0x3F98];
	s0 =	simm.s32 @p1 $0x1  }
0x15: {  	[smem:$0x3FB5] =	sst s0;
	s0 =	simm.s32 @!p2 $0x0  }
0x16: {  	s3 =	sld [smem:$0x3FDB];
	s0 =	simm.s32 @p2 $0x1  }
0x17: {  	s4 =	simm.s32 $0x1BF5;
	[smem:$0x3FB7] =	sst s0  }
0x18: {  	s0 =	sld [smem:$0x3F9A];
	_ =	swait.ge [sflag:s4], $0x0  }
0x19: {  	s7 =	sld [smem:$0x3F9B]  }
0x1a: {  	s8 =	sadd.s32 $0xFFFFE003, lr  }
0x1b: {  	s9 =	sadd.s32 $0xFFFFFEF7, lr;
	s5 =	simm.s32 $0xFFFFFFFF;
	p2 =	slt.u32 s8, $0xFFFFF086  }
0x1c: {  	p1 =	slt.u32 s9, $0xF7A;
	s5 =	simm.s32 @!p2 $0x0  }
0x1d: {  	s5 =	simm.s32 @p1 $0x1;
	p0 =	seq.s32 s7, s2  }
0x1e: {  	s7 =	smul.u32 @!p0 $0xF7A, s2;
	p2 =	seq.s32 @!p0 s5, $0x0  }
0x1f: {  	s9 =	smul.u32 $0xF7A, s1;
	s8 =	simm.s32 @!p0 $0x1BF5;
	p2 =	por !p2, p0  }
0x20: {  	[sflag:s8] =	ssyncset.s32 @!p0 $0xFFFFF086;
	s6 =	sadd.s32 @!p0 s3, s7;
	s7 =	simm.s32 @!p0 $0x108  }
0x21: {  	s3 =	sadd.s32 s3, s9;
	s6 =	sadd.s32 @!p0 $0x88, s6;
	s7 =	simm.s32 @p2 $0x1082  }
0x22: {  	[simem:s7], [sflag:s8] =	dma.local @!p0 [hbm:s6], $0xF7A  }
0x23: {  	s9 =	sor.u32 $0xD0000000, s2;
	s6 =	simm.s32 $0x108;
	_ =	swait.ge @!p0 [sflag:s8], $0x0  }
0x24: {  	s3 =	sadd.s32 $0x88, s3;
	s6 =	simm.s32 @!p1 $0x1082;
	[sflag:s4] =	ssyncset.s32 $0xFFFFF086  }
0x25: {  	[simem:s6], [sflag:s4] =	dma.local [hbm:s3], $0xF7A  }
0x26: {  	[smem:$0x3F9B] =	sst s1;
	(tag) =	ssettag s2;
	_ =	strace s9  }
0x27: {  	s1 =	sld [smem:$0x3FAB]  }
0x28: {  	s2 =	sld [smem:$0x3FAC]  }
0x29: {  	s4 =	sld [smem:$0x3FAE]  }
0x2a: {  	p0 =	seq.s32 s5, $0x0;
	s5 =	sld [smem:$0x3FAF]  }
0x2b: {  	s6 =	sld [smem:$0x3FB0]  }
0x2c: {  	s7 =	sld [smem:$0x3FB1]  }
0x2d: {  	s3 =	simm.s32 $0x108;
	s8 =	sld [smem:$0x3FB2]  }
0x2e: {  	s3 =	simm.s32 @!p0 $0x1082;
	s9 =	sld [smem:$0x3FB3]  }
0x2f: {  	lr =	sadd.s32 s0, s3;
	s0 =	sld [smem:$0x3FAA]  }
0x30: {  	s3 =	sld [smem:$0x3FAD]  }
0x31: {  	[smem:$0x3FB6] =	sst s10  }
0x32: {  	s10 =	sld [smem:$0x3FB4];
	_ =	sdelay $0x3  }
0x33: {  	p0 =	seq.s32 s10, $0x1;
	s10 =	sld [smem:$0x3FB6];
	_ =	sdelay $0x3  }
0x34: {  	[smem:$0x3FB6] =	sst s10  }
0x35: {  	s10 =	sld [smem:$0x3FB5];
	_ =	sdelay $0x3  }
0x36: {  	p1 =	seq.s32 s10, $0x1;
	s10 =	sld [smem:$0x3FB6];
	_ =	sdelay $0x3  }
0x37: {  	[smem:$0x3FB6] =	sst s10  }
0x38: {  	s10 =	sld [smem:$0x3FB7]  }
0x39: {  	_ = 	snop;
	(pc) =	sbr.ind lr, $3  }
0x3a: {  	_ = 	snop  }
0x3b: {  	_ = 	snop  }
0x3c: {  	p2 =	seq.s32 s10, $0x1;
	s10 =	sld [smem:$0x3FB6]  }
0x3d: {  	_ =	shalt  }
0x3e: {  	_ =	shalt  }
0x3f: {  	_ =	shalt  }
0x40: {  	_ =	shalt  }
0x41: {  	_ =	shalt  }
0x42: {  	_ =	shalt  }
0x43: {  	_ =	shalt  }
0x44: {  	_ =	shalt  }
0x45: {  	_ =	shalt  }
0x46: {  	_ =	shalt  }
0x47: {  	_ =	shalt  }
0x48: {  	_ =	shalt  }
0x49: {  	_ =	shalt  }
0x4a: {  	_ =	shalt  }
0x4b: {  	_ =	shalt  }
0x4c: {  	_ =	shalt  }
0x4d: {  	_ =	shalt  }
0x4e: {  	_ =	shalt  }
0x4f: {  	_ =	shalt  }
0x50: {  	_ =	shalt  }
0x51: {  	_ =	shalt  }
0x52: {  	_ =	shalt  }
0x53: {  	_ =	shalt  }
0x54: {  	_ =	shalt  }
0x55: {  	_ =	shalt  }
0x56: {  	_ =	shalt  }
0x57: {  	_ =	shalt  }
0x58: {  	_ =	shalt  }
0x59: {  	_ =	shalt  }
0x5a: {  	_ =	shalt  }
0x5b: {  	_ =	shalt  }
0x5c: {  	_ =	shalt  }
0x5d: {  	_ =	shalt  }
0x5e: {  	_ =	shalt  }
0x5f: {  	_ =	shalt  }
0x60: {  	_ =	shalt  }
0x61: {  	_ =	shalt  }
0x62: {  	_ =	shalt  }
0x63: {  	_ =	shalt  }
0x64: {  	_ =	shalt  }
0x65: {  	_ =	shalt  }
0x66: {  	_ =	shalt  }
0x67: {  	_ =	shalt  }
0x68: {  	_ =	shalt  }
0x69: {  	_ =	shalt  }
0x6a: {  	_ =	shalt  }
0x6b: {  	_ =	shalt  }
0x6c: {  	_ =	shalt  }
0x6d: {  	_ =	shalt  }
0x6e: {  	_ =	shalt  }
0x6f: {  	_ =	shalt  }
0x70: {  	_ =	shalt  }
0x71: {  	_ =	shalt  }
0x72: {  	_ =	shalt  }
0x73: {  	_ =	shalt  }
0x74: {  	_ =	shalt  }
0x75: {  	_ =	shalt  }
0x76: {  	_ =	shalt  }
0x77: {  	_ =	shalt  }
0x78: {  	_ =	shalt  }
0x79: {  	_ =	shalt  }
0x7a: {  	_ =	shalt  }
0x7b: {  	_ =	shalt  }
0x7c: {  	_ =	shalt  }
0x7d: {  	_ =	shalt  }
0x7e: {  	_ =	shalt  }
0x7f: {  	_ =	shalt  }
0x80: {  	_ =	shalt  }
0x81: {  	_ =	shalt  }
0x82: {  	_ =	shalt  }
0x83: {  	_ =	shalt  }
0x84: {  	_ =	shalt  }
0x85: {  	_ =	shalt  }
0x86: {  	_ =	shalt  }
0x87: {  	_ =	shalt  }
.Lfunc_end0:
.L_simem_size_0:
called_computation.1_lowered:
.L_overlay_start_0:
0x88: {  	s2 =	sld [smem:$0x3FD9]  }
0x89: {  	s3 =	sld [smem:$0x3FFE];
	_ =	sdelay $0x1  }
0x8a: {  	s1 =	srdreg.scid  }
0x8b: {  	s0 =	sand.u32 $0x1, s1  }
0x8c: {  	s17 =	sshll.u32 s0, $0xA;
	s2 =	sadd.s32 s3, s2  }
0x8d: {  	s2 =	sadd.s32 s2, s17  }
0x8e: {  	[smem:$0x3FC2] =	sst s2  }
0x8f: {  	_ = 	snop  }
0x90: {  	s2 =	sld [smem:$0x3FD0];
	(tm) =	ssettm $0x1  }
0x91: {  	s18 =	sld [smem:$0x3FFB];
	_ =	sdelay $0x3  }
0x92: {  	_ =	strace s18  }
0x93: {  	s3 =	sld [smem:$0x3FFC];
	_ =	sdelay $0x3  }
0x94: {  	_ =	strace s3  }
0x95: {  	s3 =	sld [smem:$0x3FFD];
	_ =	sdelay $0x3  }
0x96: {  	_ =	strace s3  }
0x97: {  	_ =	strace $0x8FFFFFFF  }
0x98: {  	s19 =	sld [smem:$0x3FDB];
	_ =	sdelay $0x1  }
0x99: {  	s4 =	simm.s32 $_scs_section_size  }
0x9a: {  	s5 =	simm.s32 $_size__tile_overlayer_lowered;
	s6 =	simm.s32 $_tile_overlayer_lowered  }
0x9b: {  	s22 =	simm.s32 $0x1BFF;
	s21 =	sshll.u32 s6, $0x1;
	s3 =	sadd.s32 s4, s19  }
0x9c: {  	s7 =	simm.s32 $0x0;
	s20 =	sshll.u32 s5, $0x1;
	s5 =	sadd.s32 s21, s3  }
0x9d: {  	[timem:s7], [sflag:s22] =	dma.local [hbm:s5], s20  }
0x9e: {  	_ =	swait.ge [sflag:s22], s20  }
0x9f: {  	s4 =	ssub.s32 $0x0, s20;
	[sflag:s22] =	ssyncset.done $0x0  }
0xa0: {  	[sflag:s22] =	ssyncadd.s32 s4;
	_ =	sdelay $0x1  }
0xa1: {  	s23 =	simm.s32 $0x1B8B  }
0xa2: {  	_ =	swait.ge [sflag:s23], $0x1  }
0xa3: {  	[sflag:s23] =	ssyncset.done $0x0  }
0xa4: {  	s25 =	simm.s32 $0x1B8E;
	s24 =	sld [smem:$0x3FFE];
	[sflag:s23] =	ssyncadd.s32 $0xFFFFFFFF  }
0xa5: {  	s26 =	simm.s32 $execute0_lowered;
	[smem:$0x3FD2] =	sst s25  }
0xa6: {  	s5 =	sshll.u32 s26, $0x1;
	_ =	strace $0x80000049;
	[dreg:$0x1] =	wrdreg $0xFFFFFFFF  }
0xa7: {  	s28 =	simm.s32 $_size_execute0_lowered;
	s3 =	sadd.s32 s3, s5;
	[dreg:$0x0] =	wrdreg $0x0  }
0xa8: {  	s5 =	sshll.u32 s28, $0x1;
	[dreg:$0x2] =	wrdreg s3  }
0xa9: {  	[dreg:$0x3] =	wrdreg s5  }
0xaa: {  	[dreg:$0x4] =	wrdreg $0xC0  }
0xab: {  	_ =	task [dreg:s7], $0x5FFFF  }
0xac: {  	[dreg:$0x1] =	wrdreg $0xFFFFFFFF  }
0xad: {  	[dreg:$0x0] =	wrdreg $0x60  }
0xae: {  	[dreg:$0x2] =	wrdreg s2  }
0xaf: {  	[dreg:$0x3] =	wrdreg s24  }
0xb0: {  	[dreg:$0x4] =	wrdreg $0x13C400  }
0xb1: {  	[dreg:$0x5] =	wrdreg $0x9  }
0xb2: {  	_ =	task.clear_ibuf [dreg:s7], $0x6FFFF;
	_ =	strace $0x90000049  }
0xb3: {  	s29 =	simm.s32 $0x9;
	_ =	strace $0x8000004B  }
0xb4: {  	_ =	swait.ge [sflag:s29], $0x1  }
0xb5: {  	[sflag:s29] =	ssyncadd.s32 $0xFFFFFFFF  }
0xb6: {  	_ =	strace $0x9000004B  }
0xb7: {  	_ =	sfence  }
0xb8: {  	s30 =	sld [smem:$0x0];
	_ =	sdelay $0x2  }
0xb9: {  	s31 =	sshll.u32 s1, $0xD;
	s1 =	sshrl.u32 s1, $0x2  }
0xba: {  	s3 =	sand.u32 $0x4000, s31;
	s1 =	sadd.s32 s1, s30  }
0xbb: {  	s0 =	sor.u32 s3, s0;
	s1 =	sshll.u32 s1, $0x11  }
0xbc: {  	s0 =	sor.u32 s1, s0  }
0xbd: {  	s0 =	sadd.s32 $0x8F2B, s0  }
0xbe: {  	[sflag:s0] =	ssyncadd.remote.s32 $0x1  }
0xbf: {  	_ =	sfence.sel $0xFFFF  }
0xc0: {  	[dreg:$0x0] =	wrdreg $0xFFFFFFFF;
	(pc) =	sbr.abs _section_cstart, $3  }
0xc1: {  	[dreg:$0x1] =	wrdreg $0xFFFFFFFF  }
0xc2: {  	_ =	task.clear_ibuf [dreg:s7], $0x2FFFF;
	_ =	strace $0x9FFFFFFF  }
0xc3: {  	(tm) =	ssettm $0x7FFFFFFF  }
tec
execute0_lowered:
.L_overlay_start_1:
0x0: {  	(tag) =	ssettag $0x1  }
0x1: {  	s0 =	rddreg [dreg:$0x0]  }
0x2: {  	s1 =	rddreg [dreg:$0x1]  }
0x3: {  	s2 =	rddreg [dreg:$0x2]  }
0x4: {  	s8 =	stileid.u32;
	s3 =	srdreg.scid  }
0x5: {  	s5 =	simm.s32 $0x0;
	s14 =	simm.s32 $0xB;
	s16 =	simm.s32 $0xA000  }
0x6: {  	s17 =	simm.s32 $0x7D;
	s28 =	simm.s32 $0x11D00;
	s4 =	smul.u32 $0xA00, s8  }
0x7: {  	s29 =	simm.s32 $0x1;
	s30 =	simm.s32 $0x2;
	s6 =	smul.u32 $0x28000, s8  }
0x8: {  	s31 =	simm.s32 $0x3;
	s3 =	sand.u32 $0x1, s3;
	s21 =	smul.u32 $0xA000, s8  }
0x9: {  	s15 =	simm.s32 $0x5;
	[smem:$0x7FF] =	sst s5;
	s18 =	smul.u32 $0x14000, s3  }
0xa: {  	_ =	strace $0x8000004A;
	s19 =	ssub.s32 $0x2, s3;
	s3 =	smul.u32 $0x13880, s3  }
0xb: {  	s7 =	sadd.s32 s4, s1;
	s20 =	sshrl.u32 s19, $0x1;
	s6 =	sshrl.u32 s6, $0x2  }
0xc: {  	s25 =	sshrl.u32 s21, $0x3;
	s26 =	sadd.s32 s21, s2;
	s21 =	simm.s32 $0xDE80  }
0xd: {  	s1 =	sadd.s32 s18, s1;
	s5 =	ssub.s32 s19, s20;
	s4 =	sadd.s32 s6, s2  }
0xe: {  	s22 =	sadd.s32 $0xB800, s7;
	s7 =	sadd.s32 $0x1800, s7;
	s8 =	sadd.s32 s0, s3  }
0xf: {  	s19 =	simm.s32 $0xBF40;
	s0 =	simm.s32 $0x4;
	s18 =	simm.s32 $0x7  }
0x10: {  	s20 =	simm.s32 $0x8;
	s3 =	simm.s32 $0x0;
	[dreg:$0x4] =	wrdreg s22  }
0x11: {  	[dreg:$0x5] =	wrdreg s7;
	s23 =	sadd.s32 $0x9C40, s4;
	s24 =	sadd.s32 $0x63A00, s1  }
0x12: {  	s9 =	smax.u32 s5, $0x1;
	s10 =	sadd.s32 $0x1F40, s4;
	s11 =	sadd.s32 $0x3E80, s4  }
0x13: {  	s12 =	sadd.s32 $0x5DC0, s4;
	s13 =	sadd.s32 $0x7D00, s4;
	s1 =	simm.s32 $0x6  }
0x14: {  	s22 =	simm.s32 $0x9;
	[dreg:$0x6] =	wrdreg s23;
	s23 =	sadd.s32 s25, s24  }
0x15: {  	v0 =	vimm.f32 $0.0e+00;
	s24 =	simm.s32 $0xFDC0;
	s25 =	sshrl.u32 s26, $0x3;
	s26 =	simm.s32 $0xA  }
.LBB2_1:
0x16: {  	s5 =	simm.s32 $0x0;
	s6 =	rddreg [dreg:$0x4]  }
0x17: {  	[tilespmem:s5], [sflag:$0xB] =	stream.linear.gather [hbm4b:s6+s5], $0x5000, $0x38;
	[tilespmem:$0x1DC40] =	vst v63  }
0x18: {  	_ =	swait.ge [sflag:s14], $0x5000  }
0x19: {  	[sflag:s14] =	ssyncset.done $0x0  }
0x1a: {  	s7 =	simm.s32 $0x5000;
	s6 =	rddreg [dreg:$0x5];
	[sflag:s14] =	ssyncadd.s32 $0xFFFFB000  }
0x1b: {  	[tilespmem:s7], [sflag:$0xB] =	stream.linear.gather [hbm4b:s6+s5], $0x5000, $0x38;
	[tilespmem:$0x1DC40] =	vst v63  }
0x1c: {  	_ =	swait.ge [sflag:s14], $0x5000  }
0x1d: {  	[sflag:s14] =	ssyncset.done $0x0  }
0x1e: {  	s6 =	simm.s32 $0x100;
	s5 =	simm.s32 $0x0;
	[sflag:s14] =	ssyncadd.s32 $0xFFFFB000  }
.LBB2_2:
0x1f: {  	p0 =	sne.s32 s6, $0x7C00;
	[tilespmem:s5+$0xA030] =	vst v0;
	s7 =	smov.u32 s6;
	s6 =	sadd.s32 $0x100, s6  }
.Ltmp0:
0x20: {  	[tilespmem:s5+$0xA020] =	vst v0;
	(pc) =	sbr.rel @p0 .LBB2_2-.Ltmp0, $3  }
0x21: {  	[tilespmem:s5+$0xA000] =	vst v0  }
0x22: {  	[tilespmem:s5+$0xA010] =	vst v0;
	_ =	sdelay $0x1  }
0x23: {  	s5 =	sshra.s32 s7, $0x2  }
0x24: {  	[tilespmem:s5+$0xA030] =	vst v0  }
0x25: {  	[tilespmem:s5+$0xA020] =	vst v0  }
0x26: {  	[tilespmem:s5+$0xA000] =	vst v0  }
0x27: {  	[tilespmem:s5+$0xA010] =	vst v0  }
0x28: {  	[spmem:s4] =	stream.linear.scatter [tilespmem:s16], [sflag:$0xB], $0x1F40, $0x38;
	[tilespmem:$0x1DC40] =	vst v63  }
0x29: {  	_ =	swait.ge [sflag:s14], $0x1F40  }
0x2a: {  	[sflag:s14] =	ssyncset.done $0x0  }
0x2b: {  	[sflag:s14] =	ssyncadd.s32 $0xFFFFE0C0  }
0x2c: {  	[spmem:s10] =	stream.linear.scatter [tilespmem:s16], [sflag:$0xB], $0x1F40, $0x38;
	[tilespmem:$0x1DC40] =	vst v63  }
0x2d: {  	_ =	swait.ge [sflag:s14], $0x1F40  }
0x2e: {  	[sflag:s14] =	ssyncset.done $0x0  }
0x2f: {  	[sflag:s14] =	ssyncadd.s32 $0xFFFFE0C0  }
0x30: {  	[spmem:s11] =	stream.linear.scatter [tilespmem:s16], [sflag:$0xB], $0x1F40, $0x38;
	[tilespmem:$0x1DC40] =	vst v63  }
0x31: {  	_ =	swait.ge [sflag:s14], $0x1F40  }
0x32: {  	[sflag:s14] =	ssyncset.done $0x0  }
0x33: {  	[sflag:s14] =	ssyncadd.s32 $0xFFFFE0C0  }
0x34: {  	[spmem:s12] =	stream.linear.scatter [tilespmem:s16], [sflag:$0xB], $0x1F40, $0x38;
	[tilespmem:$0x1DC40] =	vst v63  }
0x35: {  	_ =	swait.ge [sflag:s14], $0x1F40  }
0x36: {  	[sflag:s14] =	ssyncset.done $0x0  }
0x37: {  	[sflag:s14] =	ssyncadd.s32 $0xFFFFE0C0  }
0x38: {  	[spmem:s13] =	stream.linear.scatter [tilespmem:s16], [sflag:$0xB], $0x1F40, $0x38;
	[tilespmem:$0x1DC40] =	vst v63  }
0x39: {  	_ =	swait.ge [sflag:s14], $0x1F40  }
0x3a: {  	[sflag:s14] =	ssyncset.done $0x0  }
0x3b: {  	s7 =	rddreg [dreg:$0x6];
	[sflag:s14] =	ssyncadd.s32 $0xFFFFE0C0  }
0x3c: {  	[spmem:s7] =	stream.linear.scatter [tilespmem:s16], [sflag:$0xB], $0x3C0, $0x38;
	[tilespmem:$0x1DC40] =	vst v63  }
0x3d: {  	_ =	swait.ge [sflag:s14], $0x3C0  }
0x3e: {  	[sflag:s14] =	ssyncset.done $0x0  }
0x3f: {  	[sflag:s14] =	ssyncadd.s32 $0xFFFFFC40  }
0x40: {  	s6 =	simm.s32 $0x0;
	[bflag:$0x0] =	sbarrier.arrive $0xFFFF  }
0x41: {  	[tilespmem:s16], [sflag:$0x1] =	stream.indirect.gather [hbm4b:s8+s17], $0x40, s6, s17, $0xb8;
	[tilespmem:$0x1DC40] =	vst v63  }
0x42: {  	s7 =	simm.s32 $0x80  }
0x43: {  	[tilespmem:s19], [sflag:$0x2] =	stream.indirect.gather [hbm4b:s8+s17], $0x40, s7, s17, $0xb8;
	[tilespmem:$0x1DC40] =	vst v63  }
0x44: {  	s6 =	simm.s32 $0x100  }
0x45: {  	[tilespmem:s21], [sflag:$0x3] =	stream.indirect.gather [hbm4b:s8+s17], $0x40, s6, s17, $0xb8;
	[tilespmem:$0x1DC40] =	vst v63  }
0x46: {  	s7 =	simm.s32 $0x180  }
0x47: {  	[tilespmem:s24], [sflag:$0x4] =	stream.indirect.gather [hbm4b:s8+s17], $0x40, s7, s17, $0xb8;
	[tilespmem:$0x1DC40] =	vst v63  }
0x48: {  	s6 =	simm.s32 $0x200  }
0x49: {  	[tilespmem:s28], [sflag:$0x5] =	stream.indirect.gather [hbm4b:s8+s17], $0x40, s6, s17, $0xb8;
	[tilespmem:$0x1DC40] =	vst v63  }
0x4a: {  	_ =	swait.ge [sflag:s29], $0x1F40  }
0x4b: {  	[sflag:s29] =	ssyncset.done $0x0  }
0x4c: {  	s7 =	simm.s32 $0x5000;
	[sflag:s29] =	ssyncadd.s32 $0xFFFFE0C0  }
0x4d: {  	[spmem:s2] =	stream.indirect.scatter.add.f32 [tilespmem:s16], [sflag:$0x6], $0x40, s7, s17, $0xb8;
	[tilespmem:$0x1DC40] =	vst v63  }
0x4e: {  	_ =	swait.ge [sflag:s30], $0x1F40  }
0x4f: {  	[sflag:s30] =	ssyncset.done $0x0  }
0x50: {  	s6 =	simm.s32 $0x5080;
	[sflag:s30] =	ssyncadd.s32 $0xFFFFE0C0  }
0x51: {  	[spmem:s2] =	stream.indirect.scatter.add.f32 [tilespmem:s19], [sflag:$0x7], $0x40, s6, s17, $0xb8;
	[tilespmem:$0x1DC40] =	vst v63  }
0x52: {  	_ =	swait.ge [sflag:s31], $0x1F40  }
0x53: {  	[sflag:s31] =	ssyncset.done $0x0  }
0x54: {  	s7 =	simm.s32 $0x5100;
	[sflag:s31] =	ssyncadd.s32 $0xFFFFE0C0  }
0x55: {  	[spmem:s2] =	stream.indirect.scatter.add.f32 [tilespmem:s21], [sflag:$0x8], $0x40, s7, s17, $0xb8;
	[tilespmem:$0x1DC40] =	vst v63  }
0x56: {  	_ =	swait.ge [sflag:s0], $0x1F40  }
0x57: {  	[sflag:s0] =	ssyncset.done $0x0  }
0x58: {  	s6 =	simm.s32 $0x5180;
	[sflag:s0] =	ssyncadd.s32 $0xFFFFE0C0  }
0x59: {  	[spmem:s2] =	stream.indirect.scatter.add.f32 [tilespmem:s24], [sflag:$0x9], $0x40, s6, s17, $0xb8;
	[tilespmem:$0x1DC40] =	vst v63  }
0x5a: {  	_ =	swait.ge [sflag:s15], $0x1F40  }
0x5b: {  	[sflag:s15] =	ssyncset.done $0x0  }
0x5c: {  	s7 =	simm.s32 $0x5200;
	[sflag:s15] =	ssyncadd.s32 $0xFFFFE0C0  }
0x5d: {  	[spmem:s2] =	stream.indirect.scatter.add.f32 [tilespmem:s28], [sflag:$0xA], $0x40, s7, s17, $0xb8;
	[tilespmem:$0x1DC40] =	vst v63  }
0x5e: {  	_ =	swait.ge [sflag:s1], $0x1F40  }
0x5f: {  	[sflag:s1] =	ssyncset.done $0x0  }
0x60: {  	s6 =	simm.s32 $0x280;
	[sflag:s1] =	ssyncadd.s32 $0xFFFFE0C0  }
0x61: {  	[tilespmem:s16], [sflag:$0x1] =	stream.indirect.gather [hbm4b:s8+s17], $0x40, s6, s17, $0xb8;
	[tilespmem:$0x1DC40] =	vst v63  }
0x62: {  	_ =	swait.ge [sflag:s18], $0x1F40  }
0x63: {  	[sflag:s18] =	ssyncset.done $0x0  }
0x64: {  	s7 =	simm.s32 $0x300;
	[sflag:s18] =	ssyncadd.s32 $0xFFFFE0C0  }
0x65: {  	[tilespmem:s19], [sflag:$0x2] =	stream.indirect.gather [hbm4b:s8+s17], $0x40, s7, s17, $0xb8;
	[tilespmem:$0x1DC40] =	vst v63  }
0x66: {  	_ =	swait.ge [sflag:s20], $0x1F40  }
0x67: {  	[sflag:s20] =	ssyncset.done $0x0  }
0x68: {  	s6 =	simm.s32 $0x380;
	[sflag:s20] =	ssyncadd.s32 $0xFFFFE0C0  }
0x69: {  	[tilespmem:s21], [sflag:$0x3] =	stream.indirect.gather [hbm4b:s8+s17], $0x40, s6, s17, $0xb8;
	[tilespmem:$0x1DC40] =	vst v63  }
0x6a: {  	_ =	swait.ge [sflag:s22], $0x1F40  }
0x6b: {  	[sflag:s22] =	ssyncset.done $0x0  }
0x6c: {  	s7 =	simm.s32 $0x400;
	[sflag:s22] =	ssyncadd.s32 $0xFFFFE0C0  }
0x6d: {  	[tilespmem:s24], [sflag:$0x4] =	stream.indirect.gather [hbm4b:s8+s17], $0x40, s7, s17, $0xb8;
	[tilespmem:$0x1DC40] =	vst v63  }
0x6e: {  	_ =	swait.ge [sflag:s26], $0x1F40  }
0x6f: {  	[sflag:s26] =	ssyncset.done $0x0  }
0x70: {  	s5 =	simm.s32 $0xA00;
	s6 =	simm.s32 $0x480;
	[sflag:s26] =	ssyncadd.s32 $0xFFFFE0C0  }
.LBB2_4:
0x71: {  	[tilespmem:s28], [sflag:$0x5] =	stream.indirect.gather [hbm4b:s8+s17], $0x40, s6, s17, $0xb8;
	[tilespmem:$0x1DC40] =	vst v63  }
0x72: {  	s6 =	smov.u32 s5  }
0x73: {  	p0 =	sne.s32 s5, $0x12C00;
	s5 =	sadd.s32 $0xA00, s5;
	_ =	swait.ge [sflag:s29], $0x1F40  }
0x74: {  	s6 =	sshra.s32 s6, $0x2;
	[sflag:s29] =	ssyncset.done $0x0  }
0x75: {  	s7 =	sadd.s32 $0x5000, s6;
	[sflag:s29] =	ssyncadd.s32 $0xFFFFE0C0  }
0x76: {  	[spmem:s2] =	stream.indirect.scatter.add.f32 [tilespmem:s16], [sflag:$0x6], $0x40, s7, s17, $0xb8;
	[tilespmem:$0x1DC40] =	vst v63  }
0x77: {  	_ =	swait.ge [sflag:s30], $0x1F40  }
0x78: {  	[sflag:s30] =	ssyncset.done $0x0  }
0x79: {  	s7 =	sadd.s32 $0x5080, s6;
	[sflag:s30] =	ssyncadd.s32 $0xFFFFE0C0  }
0x7a: {  	[spmem:s2] =	stream.indirect.scatter.add.f32 [tilespmem:s19], [sflag:$0x7], $0x40, s7, s17, $0xb8;
	[tilespmem:$0x1DC40] =	vst v63  }
0x7b: {  	_ =	swait.ge [sflag:s31], $0x1F40  }
0x7c: {  	[sflag:s31] =	ssyncset.done $0x0  }
0x7d: {  	s7 =	sadd.s32 $0x5100, s6;
	[sflag:s31] =	ssyncadd.s32 $0xFFFFE0C0  }
0x7e: {  	[spmem:s2] =	stream.indirect.scatter.add.f32 [tilespmem:s21], [sflag:$0x8], $0x40, s7, s17, $0xb8;
	[tilespmem:$0x1DC40] =	vst v63  }
0x7f: {  	_ =	swait.ge [sflag:s0], $0x1F40  }
0x80: {  	[sflag:s0] =	ssyncset.done $0x0  }
0x81: {  	s7 =	sadd.s32 $0x5180, s6;
	[sflag:s0] =	ssyncadd.s32 $0xFFFFE0C0  }
0x82: {  	[spmem:s2] =	stream.indirect.scatter.add.f32 [tilespmem:s24], [sflag:$0x9], $0x40, s7, s17, $0xb8;
	[tilespmem:$0x1DC40] =	vst v63  }
0x83: {  	_ =	swait.ge [sflag:s15], $0x1F40  }
0x84: {  	[sflag:s15] =	ssyncset.done $0x0  }
0x85: {  	s7 =	sadd.s32 $0x5200, s6;
	[sflag:s15] =	ssyncadd.s32 $0xFFFFE0C0  }
0x86: {  	[spmem:s2] =	stream.indirect.scatter.add.f32 [tilespmem:s28], [sflag:$0xA], $0x40, s7, s17, $0xb8;
	[tilespmem:$0x1DC40] =	vst v63  }
0x87: {  	_ =	swait.ge [sflag:s1], $0x1F40  }
0x88: {  	[sflag:s1] =	ssyncset.done $0x0  }
0x89: {  	s7 =	sadd.s32 $0x280, s6;
	[sflag:s1] =	ssyncadd.s32 $0xFFFFE0C0  }
0x8a: {  	[tilespmem:s16], [sflag:$0x1] =	stream.indirect.gather [hbm4b:s8+s17], $0x40, s7, s17, $0xb8;
	[tilespmem:$0x1DC40] =	vst v63  }
0x8b: {  	_ =	swait.ge [sflag:s18], $0x1F40  }
0x8c: {  	[sflag:s18] =	ssyncset.done $0x0  }
0x8d: {  	s7 =	sadd.s32 $0x300, s6;
	[sflag:s18] =	ssyncadd.s32 $0xFFFFE0C0  }
0x8e: {  	[tilespmem:s19], [sflag:$0x2] =	stream.indirect.gather [hbm4b:s8+s17], $0x40, s7, s17, $0xb8;
	[tilespmem:$0x1DC40] =	vst v63  }
0x8f: {  	_ =	swait.ge [sflag:s20], $0x1F40  }
0x90: {  	[sflag:s20] =	ssyncset.done $0x0  }
0x91: {  	s7 =	sadd.s32 $0x380, s6;
	[sflag:s20] =	ssyncadd.s32 $0xFFFFE0C0  }
0x92: {  	[tilespmem:s21], [sflag:$0x3] =	stream.indirect.gather [hbm4b:s8+s17], $0x40, s7, s17, $0xb8;
	[tilespmem:$0x1DC40] =	vst v63  }
0x93: {  	_ =	swait.ge [sflag:s22], $0x1F40  }
0x94: {  	[sflag:s22] =	ssyncset.done $0x0  }
.Ltmp1:
0x95: {  	s7 =	sadd.s32 $0x400, s6;
	[sflag:s22] =	ssyncadd.s32 $0xFFFFE0C0;
	(pc) =	sbr.rel @p0 .LBB2_4-.Ltmp1, $4  }
0x96: {  	[tilespmem:s24], [sflag:$0x4] =	stream.indirect.gather [hbm4b:s8+s17], $0x40, s7, s17, $0xb8;
	[tilespmem:$0x1DC40] =	vst v63  }
0x97: {  	_ =	swait.ge [sflag:s26], $0x1F40  }
0x98: {  	[sflag:s26] =	ssyncset.done $0x0  }
0x99: {  	s6 =	sadd.s32 $0x480, s6;
	[sflag:s26] =	ssyncadd.s32 $0xFFFFE0C0  }
0x9a: {  	[tilespmem:s28], [sflag:$0x5] =	stream.indirect.gather [hbm4b:s8+s17], $0x40, s6, s17, $0xb8;
	[tilespmem:$0x1DC40] =	vst v63  }
0x9b: {  	_ =	swait.ge [sflag:s29], $0x1F40  }
0x9c: {  	[sflag:s29] =	ssyncset.done $0x0  }
0x9d: {  	s5 =	simm.s32 $0x9D80;
	[sflag:s29] =	ssyncadd.s32 $0xFFFFE0C0  }
0x9e: {  	[spmem:s2] =	stream.indirect.scatter.add.f32 [tilespmem:s16], [sflag:$0x6], $0x40, s5, s17, $0xb8;
	[tilespmem:$0x1DC40] =	vst v63  }
0x9f: {  	_ =	swait.ge [sflag:s30], $0x1F40  }
0xa0: {  	[sflag:s30] =	ssyncset.done $0x0  }
0xa1: {  	s7 =	simm.s32 $0x9E00;
	[sflag:s30] =	ssyncadd.s32 $0xFFFFE0C0  }
0xa2: {  	[spmem:s2] =	stream.indirect.scatter.add.f32 [tilespmem:s19], [sflag:$0x7], $0x40, s7, s17, $0xb8;
	[tilespmem:$0x1DC40] =	vst v63  }
0xa3: {  	_ =	swait.ge [sflag:s31], $0x1F40  }
0xa4: {  	[sflag:s31] =	ssyncset.done $0x0  }
0xa5: {  	s6 =	simm.s32 $0x9E80;
	[sflag:s31] =	ssyncadd.s32 $0xFFFFE0C0  }
0xa6: {  	[spmem:s2] =	stream.indirect.scatter.add.f32 [tilespmem:s21], [sflag:$0x8], $0x40, s6, s17, $0xb8;
	[tilespmem:$0x1DC40] =	vst v63  }
0xa7: {  	_ =	swait.ge [sflag:s0], $0x1F40  }
0xa8: {  	[sflag:s0] =	ssyncset.done $0x0  }
0xa9: {  	s7 =	simm.s32 $0x9F00;
	[sflag:s0] =	ssyncadd.s32 $0xFFFFE0C0  }
0xaa: {  	[spmem:s2] =	stream.indirect.scatter.add.f32 [tilespmem:s24], [sflag:$0x9], $0x40, s7, s17, $0xb8;
	[tilespmem:$0x1DC40] =	vst v63  }
0xab: {  	_ =	swait.ge [sflag:s15], $0x1F40  }
0xac: {  	[sflag:s15] =	ssyncset.done $0x0  }
0xad: {  	s6 =	simm.s32 $0x9F80;
	[sflag:s15] =	ssyncadd.s32 $0xFFFFE0C0  }
0xae: {  	[spmem:s2] =	stream.indirect.scatter.add.f32 [tilespmem:s28], [sflag:$0xA], $0x40, s6, s17, $0xb8;
	[tilespmem:$0x1DC40] =	vst v63  }
0xaf: {  	_ =	swait.ge [sflag:s1], $0x1F40  }
0xb0: {  	[sflag:s1] =	ssyncset.done $0x0  }
0xb1: {  	[sflag:s1] =	ssyncadd.s32 $0xFFFFE0C0  }
0xb2: {  	_ =	swait.ge [sflag:s18], $0x1F40  }
0xb3: {  	[sflag:s18] =	ssyncset.done $0x0  }
0xb4: {  	[sflag:s18] =	ssyncadd.s32 $0xFFFFE0C0  }
0xb5: {  	_ =	swait.ge [sflag:s20], $0x1F40  }
0xb6: {  	[sflag:s20] =	ssyncset.done $0x0  }
0xb7: {  	[sflag:s20] =	ssyncadd.s32 $0xFFFFE0C0  }
0xb8: {  	_ =	swait.ge [sflag:s22], $0x1F40  }
0xb9: {  	[sflag:s22] =	ssyncset.done $0x0  }
0xba: {  	[sflag:s22] =	ssyncadd.s32 $0xFFFFE0C0  }
0xbb: {  	_ =	swait.ge [sflag:s26], $0x1F40  }
0xbc: {  	s3 =	sadd.s32 $0x1, s3;
	s7 =	stileid.u32;
	[sflag:s26] =	ssyncset.done $0x0  }
0xbd: {  	p0 =	sne.s32 s3, s9;
	s5 =	sshll.u32 s7, $0x6;
	[sflag:s26] =	ssyncadd.s32 $0xFFFFE0C0  }
.Ltmp2:
0xbe: {  	s5 =	sor.u32 $0x1C0B, s5;
	[bflag:$0x0] =	sbarrier.arrive $0xFFFF;
	(pc) =	sbr.rel @p0 .LBB2_1-.Ltmp2, $4  }
0xbf: {  	[hbm:s23], [sflag:s5] =	dma.local [spmem:s25], $0x1400  }
0xc0: {  	_ =	swait.ge [sflag:s14], $0x1400  }
0xc1: {  	[sflag:s14] =	ssyncset.done $0x0  }
0xc2: {  	[sflag:s14] =	ssyncadd.s32 $0xFFFFEC00  }
0xc3: {  	_ =	sfence.sel $0x180000  }
0xc4: {  	[bflag:$0x0] =	sbarrier.arrive $0xFFFF  }
0xc5: {  	_ =	strace $0x9000004A  }
0xc6: {  	s0 =	stileid.u32;
	[bflag:$0x2] =	sbarrier.arrive $0xFFFF  }
0xc7: {  	p0 =	sne.s32 s0, $0x0;
	s0 =	rddreg [dreg:$0x3]  }
0xc8: {  	s0 =	sadd.s32 @!p0 $0x100000, s0  }
0xc9: {  	[sflag:s0] =	ssyncadd.tile.s32 @!p0 $0x1;
	_ =	shalt  }
.Lfunc_end2:
_tile_overlayer_lowered:
.L_overlay_start_2:
0xca: {  	(tag) =	ssettag $0x2  }
0xcb: {  	s0 =	rddreg [dreg:$0x0];
	s2 =	stileid.u32  }
0xcc: {  	s1 =	rddreg [dreg:$0x1];
	p0 =	sne.s32 s2, $0x0  }
0xcd: {  	s3 =	rddreg [dreg:$0x2];
	[bflag:$0x3] =	sbarrier.arrive $0xFFFF;
	s2 =	simm.s32 @!p0 $0x1C0B  }
0xce: {  	[timem:s3], [sflag:s2] =	dma.local @!p0 [hbm:s0], s1  }
0xcf: {  	s0 =	simm.s32 @!p0 $0xB  }
0xd0: {  	_ =	swait.ge @!p0 [sflag:s0], s1  }
0xd1: {  	s1 =	ssub.s32 @!p0 $0x0, s1;
	[sflag:s0] =	ssyncset.done @!p0 $0x0  }
0xd2: {  	[sflag:s0] =	ssyncadd.s32 @!p0 s1  }
0xd3: {  	[bflag:$0x3] =	sbarrier.arrive $0xFFFF  }
0xd4: {  	_ =	shalt  }

// kernel: kernel.15.cloned.1.call-start
scs
__scs_entry_jumppad:
0x0: {  	(pc) =	sbr.rel $0x88, $3  }
0x1: {  	(tag) =	ssettag $0x0;
	lr =	simm.s32 $0x1  }
0x2: {  	[smem:$0x3F9B] =	sst lr;
	_ =	strace $0xD0000000  }
0x3: {  	_ = 	snop  }
0x4: {  	_ = 	snop  }
0x5: {  	_ = 	snop  }
0x6: {  	_ = 	snop  }
0x7: {  	_ = 	snop  }
__scs_overlays_trampoline_lowered:
0x8: {  	[smem:$0x3FAA] =	sst s0  }
0x9: {  	[smem:$0x3FAB] =	sst s1  }
0xa: {  	[smem:$0x3FAC] =	sst s2  }
0xb: {  	[smem:$0x3FAD] =	sst s3  }
0xc: {  	[smem:$0x3FAE] =	sst s4  }
0xd: {  	[smem:$0x3FAF] =	sst s5  }
0xe: {  	[smem:$0x3FB0] =	sst s6  }
0xf: {  	[smem:$0x3FB1] =	sst s7  }
0x10: {  	[smem:$0x3FB2] =	sst s8  }
0x11: {  	[smem:$0x3FB3] =	sst s9;
	s0 =	simm.s32 @!p0 $0x0  }
0x12: {  	s1 =	sld [smem:$0x3F99];
	s0 =	simm.s32 @p0 $0x1  }
0x13: {  	[smem:$0x3FB4] =	sst s0;
	s0 =	simm.s32 @!p1 $0x0  }
0x14: {  	s2 =	sld [smem:$0x3F98];
	s0 =	simm.s32 @p1 $0x1  }
0x15: {  	[smem:$0x3FB5] =	sst s0;
	s0 =	simm.s32 @!p2 $0x0  }
0x16: {  	s3 =	sld [smem:$0x3FDB];
	s0 =	simm.s32 @p2 $0x1  }
0x17: {  	s4 =	simm.s32 $0x1BF5;
	[smem:$0x3FB7] =	sst s0  }
0x18: {  	s0 =	sld [smem:$0x3F9A];
	_ =	swait.ge [sflag:s4], $0x0  }
0x19: {  	s7 =	sld [smem:$0x3F9B]  }
0x1a: {  	s8 =	sadd.s32 $0xFFFFE003, lr  }
0x1b: {  	s9 =	sadd.s32 $0xFFFFFEF7, lr;
	s5 =	simm.s32 $0xFFFFFFFF;
	p2 =	slt.u32 s8, $0xFFFFF086  }
0x1c: {  	p1 =	slt.u32 s9, $0xF7A;
	s5 =	simm.s32 @!p2 $0x0  }
0x1d: {  	s5 =	simm.s32 @p1 $0x1;
	p0 =	seq.s32 s7, s2  }
0x1e: {  	s7 =	smul.u32 @!p0 $0xF7A, s2;
	p2 =	seq.s32 @!p0 s5, $0x0  }
0x1f: {  	s9 =	smul.u32 $0xF7A, s1;
	s8 =	simm.s32 @!p0 $0x1BF5;
	p2 =	por !p2, p0  }
0x20: {  	[sflag:s8] =	ssyncset.s32 @!p0 $0xFFFFF086;
	s6 =	sadd.s32 @!p0 s3, s7;
	s7 =	simm.s32 @!p0 $0x108  }
0x21: {  	s3 =	sadd.s32 s3, s9;
	s6 =	sadd.s32 @!p0 $0x88, s6;
	s7 =	simm.s32 @p2 $0x1082  }
0x22: {  	[simem:s7], [sflag:s8] =	dma.local @!p0 [hbm:s6], $0xF7A  }
0x23: {  	s9 =	sor.u32 $0xD0000000, s2;
	s6 =	simm.s32 $0x108;
	_ =	swait.ge @!p0 [sflag:s8], $0x0  }
0x24: {  	s3 =	sadd.s32 $0x88, s3;
	s6 =	simm.s32 @!p1 $0x1082;
	[sflag:s4] =	ssyncset.s32 $0xFFFFF086  }
0x25: {  	[simem:s6], [sflag:s4] =	dma.local [hbm:s3], $0xF7A  }
0x26: {  	[smem:$0x3F9B] =	sst s1;
	(tag) =	ssettag s2;
	_ =	strace s9  }
0x27: {  	s1 =	sld [smem:$0x3FAB]  }
0x28: {  	s2 =	sld [smem:$0x3FAC]  }
0x29: {  	s4 =	sld [smem:$0x3FAE]  }
0x2a: {  	p0 =	seq.s32 s5, $0x0;
	s5 =	sld [smem:$0x3FAF]  }
0x2b: {  	s6 =	sld [smem:$0x3FB0]  }
0x2c: {  	s7 =	sld [smem:$0x3FB1]  }
0x2d: {  	s3 =	simm.s32 $0x108;
	s8 =	sld [smem:$0x3FB2]  }
0x2e: {  	s3 =	simm.s32 @!p0 $0x1082;
	s9 =	sld [smem:$0x3FB3]  }
0x2f: {  	lr =	sadd.s32 s0, s3;
	s0 =	sld [smem:$0x3FAA]  }
0x30: {  	s3 =	sld [smem:$0x3FAD]  }
0x31: {  	[smem:$0x3FB6] =	sst s10  }
0x32: {  	s10 =	sld [smem:$0x3FB4];
	_ =	sdelay $0x3  }
0x33: {  	p0 =	seq.s32 s10, $0x1;
	s10 =	sld [smem:$0x3FB6];
	_ =	sdelay $0x3  }
0x34: {  	[smem:$0x3FB6] =	sst s10  }
0x35: {  	s10 =	sld [smem:$0x3FB5];
	_ =	sdelay $0x3  }
0x36: {  	p1 =	seq.s32 s10, $0x1;
	s10 =	sld [smem:$0x3FB6];
	_ =	sdelay $0x3  }
0x37: {  	[smem:$0x3FB6] =	sst s10  }
0x38: {  	s10 =	sld [smem:$0x3FB7]  }
0x39: {  	_ = 	snop;
	(pc) =	sbr.ind lr, $3  }
0x3a: {  	_ = 	snop  }
0x3b: {  	_ = 	snop  }
0x3c: {  	p2 =	seq.s32 s10, $0x1;
	s10 =	sld [smem:$0x3FB6]  }
0x3d: {  	_ =	shalt  }
0x3e: {  	_ =	shalt  }
0x3f: {  	_ =	shalt  }
0x40: {  	_ =	shalt  }
0x41: {  	_ =	shalt  }
0x42: {  	_ =	shalt  }
0x43: {  	_ =	shalt  }
0x44: {  	_ =	shalt  }
0x45: {  	_ =	shalt  }
0x46: {  	_ =	shalt  }
0x47: {  	_ =	shalt  }
0x48: {  	_ =	shalt  }
0x49: {  	_ =	shalt  }
0x4a: {  	_ =	shalt  }
0x4b: {  	_ =	shalt  }
0x4c: {  	_ =	shalt  }
0x4d: {  	_ =	shalt  }
0x4e: {  	_ =	shalt  }
0x4f: {  	_ =	shalt  }
0x50: {  	_ =	shalt  }
0x51: {  	_ =	shalt  }
0x52: {  	_ =	shalt  }
0x53: {  	_ =	shalt  }
0x54: {  	_ =	shalt  }
0x55: {  	_ =	shalt  }
0x56: {  	_ =	shalt  }
0x57: {  	_ =	shalt  }
0x58: {  	_ =	shalt  }
0x59: {  	_ =	shalt  }
0x5a: {  	_ =	shalt  }
0x5b: {  	_ =	shalt  }
0x5c: {  	_ =	shalt  }
0x5d: {  	_ =	shalt  }
0x5e: {  	_ =	shalt  }
0x5f: {  	_ =	shalt  }
0x60: {  	_ =	shalt  }
0x61: {  	_ =	shalt  }
0x62: {  	_ =	shalt  }
0x63: {  	_ =	shalt  }
0x64: {  	_ =	shalt  }
0x65: {  	_ =	shalt  }
0x66: {  	_ =	shalt  }
0x67: {  	_ =	shalt  }
0x68: {  	_ =	shalt  }
0x69: {  	_ =	shalt  }
0x6a: {  	_ =	shalt  }
0x6b: {  	_ =	shalt  }
0x6c: {  	_ =	shalt  }
0x6d: {  	_ =	shalt  }
0x6e: {  	_ =	shalt  }
0x6f: {  	_ =	shalt  }
0x70: {  	_ =	shalt  }
0x71: {  	_ =	shalt  }
0x72: {  	_ =	shalt  }
0x73: {  	_ =	shalt  }
0x74: {  	_ =	shalt  }
0x75: {  	_ =	shalt  }
0x76: {  	_ =	shalt  }
0x77: {  	_ =	shalt  }
0x78: {  	_ =	shalt  }
0x79: {  	_ =	shalt  }
0x7a: {  	_ =	shalt  }
0x7b: {  	_ =	shalt  }
0x7c: {  	_ =	shalt  }
0x7d: {  	_ =	shalt  }
0x7e: {  	_ =	shalt  }
0x7f: {  	_ =	shalt  }
0x80: {  	_ =	shalt  }
0x81: {  	_ =	shalt  }
0x82: {  	_ =	shalt  }
0x83: {  	_ =	shalt  }
0x84: {  	_ =	shalt  }
0x85: {  	_ =	shalt  }
0x86: {  	_ =	shalt  }
0x87: {  	_ =	shalt  }
.Lfunc_end0:
.L_simem_size_0:
called_computation.2_lowered:
.L_overlay_start_0:
0x88: {  	s2 =	sld [smem:$0x3FD9]  }
0x89: {  	s3 =	sld [smem:$0x3FFE];
	_ =	sdelay $0x1  }
0x8a: {  	s1 =	srdreg.scid  }
0x8b: {  	s0 =	sand.u32 $0x1, s1  }
0x8c: {  	s17 =	sshll.u32 s0, $0xA;
	s2 =	sadd.s32 s3, s2  }
0x8d: {  	s2 =	sadd.s32 s2, s17  }
0x8e: {  	[smem:$0x3FC2] =	sst s2  }
0x8f: {  	_ = 	snop  }
0x90: {  	s2 =	sld [smem:$0x3FD0];
	(tm) =	ssettm $0x1  }
0x91: {  	s18 =	sld [smem:$0x3FFB];
	_ =	sdelay $0x3  }
0x92: {  	_ =	strace s18  }
0x93: {  	s3 =	sld [smem:$0x3FFC];
	_ =	sdelay $0x3  }
0x94: {  	_ =	strace s3  }
0x95: {  	s3 =	sld [smem:$0x3FFD];
	_ =	sdelay $0x3  }
0x96: {  	_ =	strace s3  }
0x97: {  	_ =	strace $0x8FFFFFFF  }
0x98: {  	s19 =	sld [smem:$0x3FDB];
	_ =	sdelay $0x1  }
0x99: {  	s4 =	simm.s32 $_scs_section_size  }
0x9a: {  	s5 =	simm.s32 $_size__tile_overlayer_lowered;
	s6 =	simm.s32 $_tile_overlayer_lowered  }
0x9b: {  	s22 =	simm.s32 $0x1BFF;
	s21 =	sshll.u32 s6, $0x1;
	s3 =	sadd.s32 s4, s19  }
0x9c: {  	s7 =	simm.s32 $0x0;
	s20 =	sshll.u32 s5, $0x1;
	s5 =	sadd.s32 s21, s3  }
0x9d: {  	[timem:s7], [sflag:s22] =	dma.local [hbm:s5], s20  }
0x9e: {  	_ =	swait.ge [sflag:s22], s20  }
0x9f: {  	s4 =	ssub.s32 $0x0, s20;
	[sflag:s22] =	ssyncset.done $0x0  }
0xa0: {  	[sflag:s22] =	ssyncadd.s32 s4;
	_ =	sdelay $0x1  }
0xa1: {  	s23 =	simm.s32 $0x1B8B  }
0xa2: {  	_ =	swait.ge [sflag:s23], $0x1  }
0xa3: {  	[sflag:s23] =	ssyncset.done $0x0  }
0xa4: {  	s25 =	simm.s32 $0x1B8E;
	s24 =	sld [smem:$0x3FFE];
	[sflag:s23] =	ssyncadd.s32 $0xFFFFFFFF  }
0xa5: {  	s26 =	simm.s32 $execute0_lowered;
	[smem:$0x3FD2] =	sst s25  }
0xa6: {  	s5 =	sshll.u32 s26, $0x1;
	_ =	strace $0x8000004C;
	[dreg:$0x1] =	wrdreg $0xFFFFFFFF  }
0xa7: {  	s28 =	simm.s32 $_size_execute0_lowered;
	s3 =	sadd.s32 s3, s5;
	[dreg:$0x0] =	wrdreg $0x0  }
0xa8: {  	s5 =	sshll.u32 s28, $0x1;
	[dreg:$0x2] =	wrdreg s3  }
0xa9: {  	[dreg:$0x3] =	wrdreg s5  }
0xaa: {  	[dreg:$0x4] =	wrdreg $0xC0  }
0xab: {  	_ =	task [dreg:s7], $0x5FFFF  }
0xac: {  	[dreg:$0x1] =	wrdreg $0xFFFFFFFF  }
0xad: {  	[dreg:$0x0] =	wrdreg $0x60  }
0xae: {  	[dreg:$0x2] =	wrdreg s2  }
0xaf: {  	[dreg:$0x3] =	wrdreg s24  }
0xb0: {  	[dreg:$0x4] =	wrdreg $0x13C400  }
0xb1: {  	[dreg:$0x5] =	wrdreg $0x9  }
0xb2: {  	_ =	task.clear_ibuf [dreg:s7], $0x6FFFF;
	_ =	strace $0x9000004C  }
0xb3: {  	s29 =	simm.s32 $0x9;
	_ =	strace $0x8000004E  }
0xb4: {  	_ =	swait.ge [sflag:s29], $0x1  }
0xb5: {  	[sflag:s29] =	ssyncadd.s32 $0xFFFFFFFF  }
0xb6: {  	_ =	strace $0x9000004E  }
0xb7: {  	_ =	sfence  }
0xb8: {  	s30 =	sld [smem:$0x0];
	_ =	sdelay $0x2  }
0xb9: {  	s31 =	sshll.u32 s1, $0xD;
	s1 =	sshrl.u32 s1, $0x2  }
0xba: {  	s3 =	sand.u32 $0x4000, s31;
	s1 =	sadd.s32 s1, s30  }
0xbb: {  	s0 =	sor.u32 s3, s0;
	s1 =	sshll.u32 s1, $0x11  }
0xbc: {  	s0 =	sor.u32 s1, s0  }
0xbd: {  	s0 =	sadd.s32 $0x8F2B, s0  }
0xbe: {  	[sflag:s0] =	ssyncadd.remote.s32 $0x1  }
0xbf: {  	_ =	sfence.sel $0xFFFF  }
0xc0: {  	[dreg:$0x0] =	wrdreg $0xFFFFFFFF;
	(pc) =	sbr.abs _section_cstart, $3  }
0xc1: {  	[dreg:$0x1] =	wrdreg $0xFFFFFFFF  }
0xc2: {  	_ =	task.clear_ibuf [dreg:s7], $0x2FFFF;
	_ =	strace $0x9FFFFFFF  }
0xc3: {  	(tm) =	ssettm $0x7FFFFFFF  }
tec
execute0_lowered:
.L_overlay_start_1:
0x0: {  	(tag) =	ssettag $0x1  }
0x1: {  	s0 =	rddreg [dreg:$0x0]  }
0x2: {  	s1 =	rddreg [dreg:$0x1]  }
0x3: {  	s2 =	rddreg [dreg:$0x2]  }
0x4: {  	s8 =	stileid.u32;
	s3 =	srdreg.scid  }
0x5: {  	s5 =	simm.s32 $0x0;
	s14 =	simm.s32 $0xB;
	s16 =	simm.s32 $0xA000  }
0x6: {  	s17 =	simm.s32 $0x7D;
	s28 =	simm.s32 $0x11D00;
	s4 =	smul.u32 $0xA00, s8  }
0x7: {  	s29 =	simm.s32 $0x1;
	s30 =	simm.s32 $0x2;
	s6 =	smul.u32 $0x28000, s8  }
0x8: {  	s31 =	simm.s32 $0x3;
	s3 =	sand.u32 $0x1, s3;
	s21 =	smul.u32 $0xA000, s8  }
0x9: {  	s15 =	simm.s32 $0x5;
	[smem:$0x7FF] =	sst s5;
	s18 =	smul.u32 $0x14000, s3  }
0xa: {  	_ =	strace $0x8000004D;
	s19 =	ssub.s32 $0x2, s3;
	s3 =	smul.u32 $0x13880, s3  }
0xb: {  	s7 =	sadd.s32 s4, s1;
	s20 =	sshrl.u32 s19, $0x1;
	s6 =	sshrl.u32 s6, $0x2  }
0xc: {  	s25 =	sshrl.u32 s21, $0x3;
	s26 =	sadd.s32 s21, s2;
	s21 =	simm.s32 $0xDE80  }
0xd: {  	s1 =	sadd.s32 s18, s1;
	s5 =	ssub.s32 s19, s20;
	s4 =	sadd.s32 s6, s2  }
0xe: {  	s22 =	sadd.s32 $0xB800, s7;
	s7 =	sadd.s32 $0x1800, s7;
	s8 =	sadd.s32 s0, s3  }
0xf: {  	s19 =	simm.s32 $0xBF40;
	s0 =	simm.s32 $0x4;
	s18 =	simm.s32 $0x7  }
0x10: {  	s20 =	simm.s32 $0x8;
	s3 =	simm.s32 $0x0;
	[dreg:$0x4] =	wrdreg s22  }
0x11: {  	[dreg:$0x5] =	wrdreg s7;
	s23 =	sadd.s32 $0x9C40, s4;
	s24 =	sadd.s32 $0x15800, s1  }
0x12: {  	s9 =	smax.u32 s5, $0x1;
	s10 =	sadd.s32 $0x1F40, s4;
	s11 =	sadd.s32 $0x3E80, s4  }
0x13: {  	s12 =	sadd.s32 $0x5DC0, s4;
	s13 =	sadd.s32 $0x7D00, s4;
	s1 =	simm.s32 $0x6  }
0x14: {  	s22 =	simm.s32 $0x9;
	[dreg:$0x6] =	wrdreg s23;
	s23 =	sadd.s32 s25, s24  }
0x15: {  	v0 =	vimm.f32 $0.0e+00;
	s24 =	simm.s32 $0xFDC0;
	s25 =	sshrl.u32 s26, $0x3;
	s26 =	simm.s32 $0xA  }
.LBB2_1:
0x16: {  	s5 =	simm.s32 $0x0;
	s6 =	rddreg [dreg:$0x4]  }
0x17: {  	[tilespmem:s5], [sflag:$0xB] =	stream.linear.gather [hbm4b:s6+s5], $0x5000, $0x38;
	[tilespmem:$0x1DC40] =	vst v63  }
0x18: {  	_ =	swait.ge [sflag:s14], $0x5000  }
0x19: {  	[sflag:s14] =	ssyncset.done $0x0  }
0x1a: {  	s7 =	simm.s32 $0x5000;
	s6 =	rddreg [dreg:$0x5];
	[sflag:s14] =	ssyncadd.s32 $0xFFFFB000  }
0x1b: {  	[tilespmem:s7], [sflag:$0xB] =	stream.linear.gather [hbm4b:s6+s5], $0x5000, $0x38;
	[tilespmem:$0x1DC40] =	vst v63  }
0x1c: {  	_ =	swait.ge [sflag:s14], $0x5000  }
0x1d: {  	[sflag:s14] =	ssyncset.done $0x0  }
0x1e: {  	s6 =	simm.s32 $0x100;
	s5 =	simm.s32 $0x0;
	[sflag:s14] =	ssyncadd.s32 $0xFFFFB000  }
.LBB2_2:
0x1f: {  	p0 =	sne.s32 s6, $0x7C00;
	[tilespmem:s5+$0xA030] =	vst v0;
	s7 =	smov.u32 s6;
	s6 =	sadd.s32 $0x100, s6  }
.Ltmp0:
0x20: {  	[tilespmem:s5+$0xA020] =	vst v0;
	(pc) =	sbr.rel @p0 .LBB2_2-.Ltmp0, $3  }
0x21: {  	[tilespmem:s5+$0xA000] =	vst v0  }
0x22: {  	[tilespmem:s5+$0xA010] =	vst v0;
	_ =	sdelay $0x1  }
0x23: {  	s5 =	sshra.s32 s7, $0x2  }
0x24: {  	[tilespmem:s5+$0xA030] =	vst v0  }
0x25: {  	[tilespmem:s5+$0xA020] =	vst v0  }
0x26: {  	[tilespmem:s5+$0xA000] =	vst v0  }
0x27: {  	[tilespmem:s5+$0xA010] =	vst v0  }
0x28: {  	[spmem:s4] =	stream.linear.scatter [tilespmem:s16], [sflag:$0xB], $0x1F40, $0x38;
	[tilespmem:$0x1DC40] =	vst v63  }
0x29: {  	_ =	swait.ge [sflag:s14], $0x1F40  }
0x2a: {  	[sflag:s14] =	ssyncset.done $0x0  }
0x2b: {  	[sflag:s14] =	ssyncadd.s32 $0xFFFFE0C0  }
0x2c: {  	[spmem:s10] =	stream.linear.scatter [tilespmem:s16], [sflag:$0xB], $0x1F40, $0x38;
	[tilespmem:$0x1DC40] =	vst v63  }
0x2d: {  	_ =	swait.ge [sflag:s14], $0x1F40  }
0x2e: {  	[sflag:s14] =	ssyncset.done $0x0  }
0x2f: {  	[sflag:s14] =	ssyncadd.s32 $0xFFFFE0C0  }
0x30: {  	[spmem:s11] =	stream.linear.scatter [tilespmem:s16], [sflag:$0xB], $0x1F40, $0x38;
	[tilespmem:$0x1DC40] =	vst v63  }
0x31: {  	_ =	swait.ge [sflag:s14], $0x1F40  }
0x32: {  	[sflag:s14] =	ssyncset.done $0x0  }
0x33: {  	[sflag:s14] =	ssyncadd.s32 $0xFFFFE0C0  }
0x34: {  	[spmem:s12] =	stream.linear.scatter [tilespmem:s16], [sflag:$0xB], $0x1F40, $0x38;
	[tilespmem:$0x1DC40] =	vst v63  }
0x35: {  	_ =	swait.ge [sflag:s14], $0x1F40  }
0x36: {  	[sflag:s14] =	ssyncset.done $0x0  }
0x37: {  	[sflag:s14] =	ssyncadd.s32 $0xFFFFE0C0  }
0x38: {  	[spmem:s13] =	stream.linear.scatter [tilespmem:s16], [sflag:$0xB], $0x1F40, $0x38;
	[tilespmem:$0x1DC40] =	vst v63  }
0x39: {  	_ =	swait.ge [sflag:s14], $0x1F40  }
0x3a: {  	[sflag:s14] =	ssyncset.done $0x0  }
0x3b: {  	s7 =	rddreg [dreg:$0x6];
	[sflag:s14] =	ssyncadd.s32 $0xFFFFE0C0  }
0x3c: {  	[spmem:s7] =	stream.linear.scatter [tilespmem:s16], [sflag:$0xB], $0x3C0, $0x38;
	[tilespmem:$0x1DC40] =	vst v63  }
0x3d: {  	_ =	swait.ge [sflag:s14], $0x3C0  }
0x3e: {  	[sflag:s14] =	ssyncset.done $0x0  }
0x3f: {  	[sflag:s14] =	ssyncadd.s32 $0xFFFFFC40  }
0x40: {  	s6 =	simm.s32 $0x0;
	[bflag:$0x0] =	sbarrier.arrive $0xFFFF  }
0x41: {  	[tilespmem:s16], [sflag:$0x1] =	stream.indirect.gather [hbm4b:s8+s17], $0x40, s6, s17, $0xb8;
	[tilespmem:$0x1DC40] =	vst v63  }
0x42: {  	s7 =	simm.s32 $0x80  }
0x43: {  	[tilespmem:s19], [sflag:$0x2] =	stream.indirect.gather [hbm4b:s8+s17], $0x40, s7, s17, $0xb8;
	[tilespmem:$0x1DC40] =	vst v63  }
0x44: {  	s6 =	simm.s32 $0x100  }
0x45: {  	[tilespmem:s21], [sflag:$0x3] =	stream.indirect.gather [hbm4b:s8+s17], $0x40, s6, s17, $0xb8;
	[tilespmem:$0x1DC40] =	vst v63  }
0x46: {  	s7 =	simm.s32 $0x180  }
0x47: {  	[tilespmem:s24], [sflag:$0x4] =	stream.indirect.gather [hbm4b:s8+s17], $0x40, s7, s17, $0xb8;
	[tilespmem:$0x1DC40] =	vst v63  }
0x48: {  	s6 =	simm.s32 $0x200  }
0x49: {  	[tilespmem:s28], [sflag:$0x5] =	stream.indirect.gather [hbm4b:s8+s17], $0x40, s6, s17, $0xb8;
	[tilespmem:$0x1DC40] =	vst v63  }
0x4a: {  	_ =	swait.ge [sflag:s29], $0x1F40  }
0x4b: {  	[sflag:s29] =	ssyncset.done $0x0  }
0x4c: {  	s7 =	simm.s32 $0x5000;
	[sflag:s29] =	ssyncadd.s32 $0xFFFFE0C0  }
0x4d: {  	[spmem:s2] =	stream.indirect.scatter.add.f32 [tilespmem:s16], [sflag:$0x6], $0x40, s7, s17, $0xb8;
	[tilespmem:$0x1DC40] =	vst v63  }
0x4e: {  	_ =	swait.ge [sflag:s30], $0x1F40  }
0x4f: {  	[sflag:s30] =	ssyncset.done $0x0  }
0x50: {  	s6 =	simm.s32 $0x5080;
	[sflag:s30] =	ssyncadd.s32 $0xFFFFE0C0  }
0x51: {  	[spmem:s2] =	stream.indirect.scatter.add.f32 [tilespmem:s19], [sflag:$0x7], $0x40, s6, s17, $0xb8;
	[tilespmem:$0x1DC40] =	vst v63  }
0x52: {  	_ =	swait.ge [sflag:s31], $0x1F40  }
0x53: {  	[sflag:s31] =	ssyncset.done $0x0  }
0x54: {  	s7 =	simm.s32 $0x5100;
	[sflag:s31] =	ssyncadd.s32 $0xFFFFE0C0  }
0x55: {  	[spmem:s2] =	stream.indirect.scatter.add.f32 [tilespmem:s21], [sflag:$0x8], $0x40, s7, s17, $0xb8;
	[tilespmem:$0x1DC40] =	vst v63  }
0x56: {  	_ =	swait.ge [sflag:s0], $0x1F40  }
0x57: {  	[sflag:s0] =	ssyncset.done $0x0  }
0x58: {  	s6 =	simm.s32 $0x5180;
	[sflag:s0] =	ssyncadd.s32 $0xFFFFE0C0  }
0x59: {  	[spmem:s2] =	stream.indirect.scatter.add.f32 [tilespmem:s24], [sflag:$0x9], $0x40, s6, s17, $0xb8;
	[tilespmem:$0x1DC40] =	vst v63  }
0x5a: {  	_ =	swait.ge [sflag:s15], $0x1F40  }
0x5b: {  	[sflag:s15] =	ssyncset.done $0x0  }
0x5c: {  	s7 =	simm.s32 $0x5200;
	[sflag:s15] =	ssyncadd.s32 $0xFFFFE0C0  }
0x5d: {  	[spmem:s2] =	stream.indirect.scatter.add.f32 [tilespmem:s28], [sflag:$0xA], $0x40, s7, s17, $0xb8;
	[tilespmem:$0x1DC40] =	vst v63  }
0x5e: {  	_ =	swait.ge [sflag:s1], $0x1F40  }
0x5f: {  	[sflag:s1] =	ssyncset.done $0x0  }
0x60: {  	s6 =	simm.s32 $0x280;
	[sflag:s1] =	ssyncadd.s32 $0xFFFFE0C0  }
0x61: {  	[tilespmem:s16], [sflag:$0x1] =	stream.indirect.gather [hbm4b:s8+s17], $0x40, s6, s17, $0xb8;
	[tilespmem:$0x1DC40] =	vst v63  }
0x62: {  	_ =	swait.ge [sflag:s18], $0x1F40  }
0x63: {  	[sflag:s18] =	ssyncset.done $0x0  }
0x64: {  	s7 =	simm.s32 $0x300;
	[sflag:s18] =	ssyncadd.s32 $0xFFFFE0C0  }
0x65: {  	[tilespmem:s19], [sflag:$0x2] =	stream.indirect.gather [hbm4b:s8+s17], $0x40, s7, s17, $0xb8;
	[tilespmem:$0x1DC40] =	vst v63  }
0x66: {  	_ =	swait.ge [sflag:s20], $0x1F40  }
0x67: {  	[sflag:s20] =	ssyncset.done $0x0  }
0x68: {  	s6 =	simm.s32 $0x380;
	[sflag:s20] =	ssyncadd.s32 $0xFFFFE0C0  }
0x69: {  	[tilespmem:s21], [sflag:$0x3] =	stream.indirect.gather [hbm4b:s8+s17], $0x40, s6, s17, $0xb8;
	[tilespmem:$0x1DC40] =	vst v63  }
0x6a: {  	_ =	swait.ge [sflag:s22], $0x1F40  }
0x6b: {  	[sflag:s22] =	ssyncset.done $0x0  }
0x6c: {  	s7 =	simm.s32 $0x400;
	[sflag:s22] =	ssyncadd.s32 $0xFFFFE0C0  }
0x6d: {  	[tilespmem:s24], [sflag:$0x4] =	stream.indirect.gather [hbm4b:s8+s17], $0x40, s7, s17, $0xb8;
	[tilespmem:$0x1DC40] =	vst v63  }
0x6e: {  	_ =	swait.ge [sflag:s26], $0x1F40  }
0x6f: {  	[sflag:s26] =	ssyncset.done $0x0  }
0x70: {  	s5 =	simm.s32 $0xA00;
	s6 =	simm.s32 $0x480;
	[sflag:s26] =	ssyncadd.s32 $0xFFFFE0C0  }
.LBB2_4:
0x71: {  	[tilespmem:s28], [sflag:$0x5] =	stream.indirect.gather [hbm4b:s8+s17], $0x40, s6, s17, $0xb8;
	[tilespmem:$0x1DC40] =	vst v63  }
0x72: {  	s6 =	smov.u32 s5  }
0x73: {  	p0 =	sne.s32 s5, $0x12C00;
	s5 =	sadd.s32 $0xA00, s5;
	_ =	swait.ge [sflag:s29], $0x1F40  }
0x74: {  	s6 =	sshra.s32 s6, $0x2;
	[sflag:s29] =	ssyncset.done $0x0  }
0x75: {  	s7 =	sadd.s32 $0x5000, s6;
	[sflag:s29] =	ssyncadd.s32 $0xFFFFE0C0  }
0x76: {  	[spmem:s2] =	stream.indirect.scatter.add.f32 [tilespmem:s16], [sflag:$0x6], $0x40, s7, s17, $0xb8;
	[tilespmem:$0x1DC40] =	vst v63  }
0x77: {  	_ =	swait.ge [sflag:s30], $0x1F40  }
0x78: {  	[sflag:s30] =	ssyncset.done $0x0  }
0x79: {  	s7 =	sadd.s32 $0x5080, s6;
	[sflag:s30] =	ssyncadd.s32 $0xFFFFE0C0  }
0x7a: {  	[spmem:s2] =	stream.indirect.scatter.add.f32 [tilespmem:s19], [sflag:$0x7], $0x40, s7, s17, $0xb8;
	[tilespmem:$0x1DC40] =	vst v63  }
0x7b: {  	_ =	swait.ge [sflag:s31], $0x1F40  }
0x7c: {  	[sflag:s31] =	ssyncset.done $0x0  }
0x7d: {  	s7 =	sadd.s32 $0x5100, s6;
	[sflag:s31] =	ssyncadd.s32 $0xFFFFE0C0  }
0x7e: {  	[spmem:s2] =	stream.indirect.scatter.add.f32 [tilespmem:s21], [sflag:$0x8], $0x40, s7, s17, $0xb8;
	[tilespmem:$0x1DC40] =	vst v63  }
0x7f: {  	_ =	swait.ge [sflag:s0], $0x1F40  }
0x80: {  	[sflag:s0] =	ssyncset.done $0x0  }
0x81: {  	s7 =	sadd.s32 $0x5180, s6;
	[sflag:s0] =	ssyncadd.s32 $0xFFFFE0C0  }
0x82: {  	[spmem:s2] =	stream.indirect.scatter.add.f32 [tilespmem:s24], [sflag:$0x9], $0x40, s7, s17, $0xb8;
	[tilespmem:$0x1DC40] =	vst v63  }
0x83: {  	_ =	swait.ge [sflag:s15], $0x1F40  }
0x84: {  	[sflag:s15] =	ssyncset.done $0x0  }
0x85: {  	s7 =	sadd.s32 $0x5200, s6;
	[sflag:s15] =	ssyncadd.s32 $0xFFFFE0C0  }
0x86: {  	[spmem:s2] =	stream.indirect.scatter.add.f32 [tilespmem:s28], [sflag:$0xA], $0x40, s7, s17, $0xb8;
	[tilespmem:$0x1DC40] =	vst v63  }
0x87: {  	_ =	swait.ge [sflag:s1], $0x1F40  }
0x88: {  	[sflag:s1] =	ssyncset.done $0x0  }
0x89: {  	s7 =	sadd.s32 $0x280, s6;
	[sflag:s1] =	ssyncadd.s32 $0xFFFFE0C0  }
0x8a: {  	[tilespmem:s16], [sflag:$0x1] =	stream.indirect.gather [hbm4b:s8+s17], $0x40, s7, s17, $0xb8;
	[tilespmem:$0x1DC40] =	vst v63  }
0x8b: {  	_ =	swait.ge [sflag:s18], $0x1F40  }
0x8c: {  	[sflag:s18] =	ssyncset.done $0x0  }
0x8d: {  	s7 =	sadd.s32 $0x300, s6;
	[sflag:s18] =	ssyncadd.s32 $0xFFFFE0C0  }
0x8e: {  	[tilespmem:s19], [sflag:$0x2] =	stream.indirect.gather [hbm4b:s8+s17], $0x40, s7, s17, $0xb8;
	[tilespmem:$0x1DC40] =	vst v63  }
0x8f: {  	_ =	swait.ge [sflag:s20], $0x1F40  }
0x90: {  	[sflag:s20] =	ssyncset.done $0x0  }
0x91: {  	s7 =	sadd.s32 $0x380, s6;
	[sflag:s20] =	ssyncadd.s32 $0xFFFFE0C0  }
0x92: {  	[tilespmem:s21], [sflag:$0x3] =	stream.indirect.gather [hbm4b:s8+s17], $0x40, s7, s17, $0xb8;
	[tilespmem:$0x1DC40] =	vst v63  }
0x93: {  	_ =	swait.ge [sflag:s22], $0x1F40  }
0x94: {  	[sflag:s22] =	ssyncset.done $0x0  }
.Ltmp1:
0x95: {  	s7 =	sadd.s32 $0x400, s6;
	[sflag:s22] =	ssyncadd.s32 $0xFFFFE0C0;
	(pc) =	sbr.rel @p0 .LBB2_4-.Ltmp1, $4  }
0x96: {  	[tilespmem:s24], [sflag:$0x4] =	stream.indirect.gather [hbm4b:s8+s17], $0x40, s7, s17, $0xb8;
	[tilespmem:$0x1DC40] =	vst v63  }
0x97: {  	_ =	swait.ge [sflag:s26], $0x1F40  }
0x98: {  	[sflag:s26] =	ssyncset.done $0x0  }
0x99: {  	s6 =	sadd.s32 $0x480, s6;
	[sflag:s26] =	ssyncadd.s32 $0xFFFFE0C0  }
0x9a: {  	[tilespmem:s28], [sflag:$0x5] =	stream.indirect.gather [hbm4b:s8+s17], $0x40, s6, s17, $0xb8;
	[tilespmem:$0x1DC40] =	vst v63  }
0x9b: {  	_ =	swait.ge [sflag:s29], $0x1F40  }
0x9c: {  	[sflag:s29] =	ssyncset.done $0x0  }
0x9d: {  	s5 =	simm.s32 $0x9D80;
	[sflag:s29] =	ssyncadd.s32 $0xFFFFE0C0  }
0x9e: {  	[spmem:s2] =	stream.indirect.scatter.add.f32 [tilespmem:s16], [sflag:$0x6], $0x40, s5, s17, $0xb8;
	[tilespmem:$0x1DC40] =	vst v63  }
0x9f: {  	_ =	swait.ge [sflag:s30], $0x1F40  }
0xa0: {  	[sflag:s30] =	ssyncset.done $0x0  }
0xa1: {  	s7 =	simm.s32 $0x9E00;
	[sflag:s30] =	ssyncadd.s32 $0xFFFFE0C0  }
0xa2: {  	[spmem:s2] =	stream.indirect.scatter.add.f32 [tilespmem:s19], [sflag:$0x7], $0x40, s7, s17, $0xb8;
	[tilespmem:$0x1DC40] =	vst v63  }
0xa3: {  	_ =	swait.ge [sflag:s31], $0x1F40  }
0xa4: {  	[sflag:s31] =	ssyncset.done $0x0  }
0xa5: {  	s6 =	simm.s32 $0x9E80;
	[sflag:s31] =	ssyncadd.s32 $0xFFFFE0C0  }
0xa6: {  	[spmem:s2] =	stream.indirect.scatter.add.f32 [tilespmem:s21], [sflag:$0x8], $0x40, s6, s17, $0xb8;
	[tilespmem:$0x1DC40] =	vst v63  }
0xa7: {  	_ =	swait.ge [sflag:s0], $0x1F40  }
0xa8: {  	[sflag:s0] =	ssyncset.done $0x0  }
0xa9: {  	s7 =	simm.s32 $0x9F00;
	[sflag:s0] =	ssyncadd.s32 $0xFFFFE0C0  }
0xaa: {  	[spmem:s2] =	stream.indirect.scatter.add.f32 [tilespmem:s24], [sflag:$0x9], $0x40, s7, s17, $0xb8;
	[tilespmem:$0x1DC40] =	vst v63  }
0xab: {  	_ =	swait.ge [sflag:s15], $0x1F40  }
0xac: {  	[sflag:s15] =	ssyncset.done $0x0  }
0xad: {  	s6 =	simm.s32 $0x9F80;
	[sflag:s15] =	ssyncadd.s32 $0xFFFFE0C0  }
0xae: {  	[spmem:s2] =	stream.indirect.scatter.add.f32 [tilespmem:s28], [sflag:$0xA], $0x40, s6, s17, $0xb8;
	[tilespmem:$0x1DC40] =	vst v63  }
0xaf: {  	_ =	swait.ge [sflag:s1], $0x1F40  }
0xb0: {  	[sflag:s1] =	ssyncset.done $0x0  }
0xb1: {  	[sflag:s1] =	ssyncadd.s32 $0xFFFFE0C0  }
0xb2: {  	_ =	swait.ge [sflag:s18], $0x1F40  }
0xb3: {  	[sflag:s18] =	ssyncset.done $0x0  }
0xb4: {  	[sflag:s18] =	ssyncadd.s32 $0xFFFFE0C0  }
0xb5: {  	_ =	swait.ge [sflag:s20], $0x1F40  }
0xb6: {  	[sflag:s20] =	ssyncset.done $0x0  }
0xb7: {  	[sflag:s20] =	ssyncadd.s32 $0xFFFFE0C0  }
0xb8: {  	_ =	swait.ge [sflag:s22], $0x1F40  }
0xb9: {  	[sflag:s22] =	ssyncset.done $0x0  }
0xba: {  	[sflag:s22] =	ssyncadd.s32 $0xFFFFE0C0  }
0xbb: {  	_ =	swait.ge [sflag:s26], $0x1F40  }
0xbc: {  	s3 =	sadd.s32 $0x1, s3;
	s7 =	stileid.u32;
	[sflag:s26] =	ssyncset.done $0x0  }
0xbd: {  	p0 =	sne.s32 s3, s9;
	s5 =	sshll.u32 s7, $0x6;
	[sflag:s26] =	ssyncadd.s32 $0xFFFFE0C0  }
.Ltmp2:
0xbe: {  	s5 =	sor.u32 $0x1C0B, s5;
	[bflag:$0x0] =	sbarrier.arrive $0xFFFF;
	(pc) =	sbr.rel @p0 .LBB2_1-.Ltmp2, $4  }
0xbf: {  	[hbm:s23], [sflag:s5] =	dma.local [spmem:s25], $0x1400  }
0xc0: {  	_ =	swait.ge [sflag:s14], $0x1400  }
0xc1: {  	[sflag:s14] =	ssyncset.done $0x0  }
0xc2: {  	[sflag:s14] =	ssyncadd.s32 $0xFFFFEC00  }
0xc3: {  	_ =	sfence.sel $0x180000  }
0xc4: {  	[bflag:$0x0] =	sbarrier.arrive $0xFFFF  }
0xc5: {  	_ =	strace $0x9000004D  }
0xc6: {  	s0 =	stileid.u32;
	[bflag:$0x2] =	sbarrier.arrive $0xFFFF  }
0xc7: {  	p0 =	sne.s32 s0, $0x0;
	s0 =	rddreg [dreg:$0x3]  }
0xc8: {  	s0 =	sadd.s32 @!p0 $0x100000, s0  }
0xc9: {  	[sflag:s0] =	ssyncadd.tile.s32 @!p0 $0x1;
	_ =	shalt  }
.Lfunc_end2:
_tile_overlayer_lowered:
.L_overlay_start_2:
0xca: {  	(tag) =	ssettag $0x2  }
0xcb: {  	s0 =	rddreg [dreg:$0x0];
	s2 =	stileid.u32  }
0xcc: {  	s1 =	rddreg [dreg:$0x1];
	p0 =	sne.s32 s2, $0x0  }
0xcd: {  	s3 =	rddreg [dreg:$0x2];
	[bflag:$0x3] =	sbarrier.arrive $0xFFFF;
	s2 =	simm.s32 @!p0 $0x1C0B  }
0xce: {  	[timem:s3], [sflag:s2] =	dma.local @!p0 [hbm:s0], s1  }
0xcf: {  	s0 =	simm.s32 @!p0 $0xB  }
0xd0: {  	_ =	swait.ge @!p0 [sflag:s0], s1  }
0xd1: {  	s1 =	ssub.s32 @!p0 $0x0, s1;
	[sflag:s0] =	ssyncset.done @!p0 $0x0  }
0xd2: {  	[sflag:s0] =	ssyncadd.s32 @!p0 s1  }
0xd3: {  	[bflag:$0x3] =	sbarrier.arrive $0xFFFF  }
0xd4: {  	_ =	shalt  }

// kernel: kernel.9.cloned.1.call-start
scs
__scs_entry_jumppad:
0x0: {  	(pc) =	sbr.rel $0x88, $3  }
0x1: {  	(tag) =	ssettag $0x0;
	lr =	simm.s32 $0x1  }
0x2: {  	[smem:$0x3F9B] =	sst lr;
	_ =	strace $0xD0000000  }
0x3: {  	_ = 	snop  }
0x4: {  	_ = 	snop  }
0x5: {  	_ = 	snop  }
0x6: {  	_ = 	snop  }
0x7: {  	_ = 	snop  }
__scs_overlays_trampoline_lowered:
0x8: {  	[smem:$0x3FAA] =	sst s0  }
0x9: {  	[smem:$0x3FAB] =	sst s1  }
0xa: {  	[smem:$0x3FAC] =	sst s2  }
0xb: {  	[smem:$0x3FAD] =	sst s3  }
0xc: {  	[smem:$0x3FAE] =	sst s4  }
0xd: {  	[smem:$0x3FAF] =	sst s5  }
0xe: {  	[smem:$0x3FB0] =	sst s6  }
0xf: {  	[smem:$0x3FB1] =	sst s7  }
0x10: {  	[smem:$0x3FB2] =	sst s8  }
0x11: {  	[smem:$0x3FB3] =	sst s9;
	s0 =	simm.s32 @!p0 $0x0  }
0x12: {  	s1 =	sld [smem:$0x3F99];
	s0 =	simm.s32 @p0 $0x1  }
0x13: {  	[smem:$0x3FB4] =	sst s0;
	s0 =	simm.s32 @!p1 $0x0  }
0x14: {  	s2 =	sld [smem:$0x3F98];
	s0 =	simm.s32 @p1 $0x1  }
0x15: {  	[smem:$0x3FB5] =	sst s0;
	s0 =	simm.s32 @!p2 $0x0  }
0x16: {  	s3 =	sld [smem:$0x3FDB];
	s0 =	simm.s32 @p2 $0x1  }
0x17: {  	s4 =	simm.s32 $0x1BF5;
	[smem:$0x3FB7] =	sst s0  }
0x18: {  	s0 =	sld [smem:$0x3F9A];
	_ =	swait.ge [sflag:s4], $0x0  }
0x19: {  	s7 =	sld [smem:$0x3F9B]  }
0x1a: {  	s8 =	sadd.s32 $0xFFFFE003, lr  }
0x1b: {  	s9 =	sadd.s32 $0xFFFFFEF7, lr;
	s5 =	simm.s32 $0xFFFFFFFF;
	p2 =	slt.u32 s8, $0xFFFFF086  }
0x1c: {  	p1 =	slt.u32 s9, $0xF7A;
	s5 =	simm.s32 @!p2 $0x0  }
0x1d: {  	s5 =	simm.s32 @p1 $0x1;
	p0 =	seq.s32 s7, s2  }
0x1e: {  	s7 =	smul.u32 @!p0 $0xF7A, s2;
	p2 =	seq.s32 @!p0 s5, $0x0  }
0x1f: {  	s9 =	smul.u32 $0xF7A, s1;
	s8 =	simm.s32 @!p0 $0x1BF5;
	p2 =	por !p2, p0  }
0x20: {  	[sflag:s8] =	ssyncset.s32 @!p0 $0xFFFFF086;
	s6 =	sadd.s32 @!p0 s3, s7;
	s7 =	simm.s32 @!p0 $0x108  }
0x21: {  	s3 =	sadd.s32 s3, s9;
	s6 =	sadd.s32 @!p0 $0x88, s6;
	s7 =	simm.s32 @p2 $0x1082  }
0x22: {  	[simem:s7], [sflag:s8] =	dma.local @!p0 [hbm:s6], $0xF7A  }
0x23: {  	s9 =	sor.u32 $0xD0000000, s2;
	s6 =	simm.s32 $0x108;
	_ =	swait.ge @!p0 [sflag:s8], $0x0  }
0x24: {  	s3 =	sadd.s32 $0x88, s3;
	s6 =	simm.s32 @!p1 $0x1082;
	[sflag:s4] =	ssyncset.s32 $0xFFFFF086  }
0x25: {  	[simem:s6], [sflag:s4] =	dma.local [hbm:s3], $0xF7A  }
0x26: {  	[smem:$0x3F9B] =	sst s1;
	(tag) =	ssettag s2;
	_ =	strace s9  }
0x27: {  	s1 =	sld [smem:$0x3FAB]  }
0x28: {  	s2 =	sld [smem:$0x3FAC]  }
0x29: {  	s4 =	sld [smem:$0x3FAE]  }
0x2a: {  	p0 =	seq.s32 s5, $0x0;
	s5 =	sld [smem:$0x3FAF]  }
0x2b: {  	s6 =	sld [smem:$0x3FB0]  }
0x2c: {  	s7 =	sld [smem:$0x3FB1]  }
0x2d: {  	s3 =	simm.s32 $0x108;
	s8 =	sld [smem:$0x3FB2]  }
0x2e: {  	s3 =	simm.s32 @!p0 $0x1082;
	s9 =	sld [smem:$0x3FB3]  }
0x2f: {  	lr =	sadd.s32 s0, s3;
	s0 =	sld [smem:$0x3FAA]  }
0x30: {  	s3 =	sld [smem:$0x3FAD]  }
0x31: {  	[smem:$0x3FB6] =	sst s10  }
0x32: {  	s10 =	sld [smem:$0x3FB4];
	_ =	sdelay $0x3  }
0x33: {  	p0 =	seq.s32 s10, $0x1;
	s10 =	sld [smem:$0x3FB6];
	_ =	sdelay $0x3  }
0x34: {  	[smem:$0x3FB6] =	sst s10  }
0x35: {  	s10 =	sld [smem:$0x3FB5];
	_ =	sdelay $0x3  }
0x36: {  	p1 =	seq.s32 s10, $0x1;
	s10 =	sld [smem:$0x3FB6];
	_ =	sdelay $0x3  }
0x37: {  	[smem:$0x3FB6] =	sst s10  }
0x38: {  	s10 =	sld [smem:$0x3FB7]  }
0x39: {  	_ = 	snop;
	(pc) =	sbr.ind lr, $3  }
0x3a: {  	_ = 	snop  }
0x3b: {  	_ = 	snop  }
0x3c: {  	p2 =	seq.s32 s10, $0x1;
	s10 =	sld [smem:$0x3FB6]  }
0x3d: {  	_ =	shalt  }
0x3e: {  	_ =	shalt  }
0x3f: {  	_ =	shalt  }
0x40: {  	_ =	shalt  }
0x41: {  	_ =	shalt  }
0x42: {  	_ =	shalt  }
0x43: {  	_ =	shalt  }
0x44: {  	_ =	shalt  }
0x45: {  	_ =	shalt  }
0x46: {  	_ =	shalt  }
0x47: {  	_ =	shalt  }
0x48: {  	_ =	shalt  }
0x49: {  	_ =	shalt  }
0x4a: {  	_ =	shalt  }
0x4b: {  	_ =	shalt  }
0x4c: {  	_ =	shalt  }
0x4d: {  	_ =	shalt  }
0x4e: {  	_ =	shalt  }
0x4f: {  	_ =	shalt  }
0x50: {  	_ =	shalt  }
0x51: {  	_ =	shalt  }
0x52: {  	_ =	shalt  }
0x53: {  	_ =	shalt  }
0x54: {  	_ =	shalt  }
0x55: {  	_ =	shalt  }
0x56: {  	_ =	shalt  }
0x57: {  	_ =	shalt  }
0x58: {  	_ =	shalt  }
0x59: {  	_ =	shalt  }
0x5a: {  	_ =	shalt  }
0x5b: {  	_ =	shalt  }
0x5c: {  	_ =	shalt  }
0x5d: {  	_ =	shalt  }
0x5e: {  	_ =	shalt  }
0x5f: {  	_ =	shalt  }
0x60: {  	_ =	shalt  }
0x61: {  	_ =	shalt  }
0x62: {  	_ =	shalt  }
0x63: {  	_ =	shalt  }
0x64: {  	_ =	shalt  }
0x65: {  	_ =	shalt  }
0x66: {  	_ =	shalt  }
0x67: {  	_ =	shalt  }
0x68: {  	_ =	shalt  }
0x69: {  	_ =	shalt  }
0x6a: {  	_ =	shalt  }
0x6b: {  	_ =	shalt  }
0x6c: {  	_ =	shalt  }
0x6d: {  	_ =	shalt  }
0x6e: {  	_ =	shalt  }
0x6f: {  	_ =	shalt  }
0x70: {  	_ =	shalt  }
0x71: {  	_ =	shalt  }
0x72: {  	_ =	shalt  }
0x73: {  	_ =	shalt  }
0x74: {  	_ =	shalt  }
0x75: {  	_ =	shalt  }
0x76: {  	_ =	shalt  }
0x77: {  	_ =	shalt  }
0x78: {  	_ =	shalt  }
0x79: {  	_ =	shalt  }
0x7a: {  	_ =	shalt  }
0x7b: {  	_ =	shalt  }
0x7c: {  	_ =	shalt  }
0x7d: {  	_ =	shalt  }
0x7e: {  	_ =	shalt  }
0x7f: {  	_ =	shalt  }
0x80: {  	_ =	shalt  }
0x81: {  	_ =	shalt  }
0x82: {  	_ =	shalt  }
0x83: {  	_ =	shalt  }
0x84: {  	_ =	shalt  }
0x85: {  	_ =	shalt  }
0x86: {  	_ =	shalt  }
0x87: {  	_ =	shalt  }
.Lfunc_end0:
.L_simem_size_0:
called_computation_lowered:
.L_overlay_start_0:
0x88: {  	s2 =	sld [smem:$0x3FD9]  }
0x89: {  	s3 =	sld [smem:$0x3FFE];
	_ =	sdelay $0x1  }
0x8a: {  	s1 =	srdreg.scid  }
0x8b: {  	s0 =	sand.u32 $0x1, s1  }
0x8c: {  	s17 =	sshll.u32 s0, $0xA;
	s2 =	sadd.s32 s3, s2  }
0x8d: {  	s2 =	sadd.s32 s2, s17  }
0x8e: {  	[smem:$0x3FC2] =	sst s2  }
0x8f: {  	_ = 	snop  }
0x90: {  	s2 =	sld [smem:$0x3FD0];
	(tm) =	ssettm $0x1  }
0x91: {  	s18 =	sld [smem:$0x3FFB];
	_ =	sdelay $0x3  }
0x92: {  	_ =	strace s18  }
0x93: {  	s3 =	sld [smem:$0x3FFC];
	_ =	sdelay $0x3  }
0x94: {  	_ =	strace s3  }
0x95: {  	s3 =	sld [smem:$0x3FFD];
	_ =	sdelay $0x3  }
0x96: {  	_ =	strace s3  }
0x97: {  	_ =	strace $0x8FFFFFFF  }
0x98: {  	s19 =	sld [smem:$0x3FDB];
	_ =	sdelay $0x1  }
0x99: {  	s4 =	simm.s32 $_scs_section_size  }
0x9a: {  	s5 =	simm.s32 $_size__tile_overlayer_lowered;
	s6 =	simm.s32 $_tile_overlayer_lowered  }
0x9b: {  	s22 =	simm.s32 $0x1BFF;
	s21 =	sshll.u32 s6, $0x1;
	s3 =	sadd.s32 s4, s19  }
0x9c: {  	s7 =	simm.s32 $0x0;
	s20 =	sshll.u32 s5, $0x1;
	s5 =	sadd.s32 s21, s3  }
0x9d: {  	[timem:s7], [sflag:s22] =	dma.local [hbm:s5], s20  }
0x9e: {  	_ =	swait.ge [sflag:s22], s20  }
0x9f: {  	s4 =	ssub.s32 $0x0, s20;
	[sflag:s22] =	ssyncset.done $0x0  }
0xa0: {  	[sflag:s22] =	ssyncadd.s32 s4;
	_ =	sdelay $0x1  }
0xa1: {  	s23 =	simm.s32 $0x1B8B  }
0xa2: {  	_ =	swait.ge [sflag:s23], $0x1  }
0xa3: {  	[sflag:s23] =	ssyncset.done $0x0  }
0xa4: {  	s25 =	simm.s32 $0x1B8E;
	s24 =	sld [smem:$0x3FFE];
	[sflag:s23] =	ssyncadd.s32 $0xFFFFFFFF  }
0xa5: {  	s26 =	simm.s32 $execute0_lowered;
	[smem:$0x3FD2] =	sst s25  }
0xa6: {  	s5 =	sshll.u32 s26, $0x1;
	_ =	strace $0x80000046;
	[dreg:$0x1] =	wrdreg $0xFFFFFFFF  }
0xa7: {  	s28 =	simm.s32 $_size_execute0_lowered;
	s3 =	sadd.s32 s3, s5;
	[dreg:$0x0] =	wrdreg $0x0  }
0xa8: {  	s5 =	sshll.u32 s28, $0x1;
	[dreg:$0x2] =	wrdreg s3  }
0xa9: {  	[dreg:$0x3] =	wrdreg s5  }
0xaa: {  	[dreg:$0x4] =	wrdreg $0xC0  }
0xab: {  	_ =	task [dreg:s7], $0x5FFFF  }
0xac: {  	[dreg:$0x1] =	wrdreg $0xFFFFFFFF  }
0xad: {  	[dreg:$0x0] =	wrdreg $0x60  }
0xae: {  	[dreg:$0x2] =	wrdreg s24  }
0xaf: {  	[dreg:$0x3] =	wrdreg s2  }
0xb0: {  	[dreg:$0x4] =	wrdreg $0x2FD00  }
0xb1: {  	[dreg:$0x5] =	wrdreg $0x9  }
0xb2: {  	_ =	task.clear_ibuf [dreg:s7], $0x6FFFF;
	_ =	strace $0x90000046  }
0xb3: {  	s29 =	simm.s32 $0x9;
	_ =	strace $0x80000048  }
0xb4: {  	_ =	swait.ge [sflag:s29], $0x1  }
0xb5: {  	[sflag:s29] =	ssyncadd.s32 $0xFFFFFFFF  }
0xb6: {  	_ =	strace $0x90000048  }
0xb7: {  	_ =	sfence  }
0xb8: {  	s30 =	sld [smem:$0x0];
	_ =	sdelay $0x2  }
0xb9: {  	s31 =	sshll.u32 s1, $0xD;
	s1 =	sshrl.u32 s1, $0x2  }
0xba: {  	s3 =	sand.u32 $0x4000, s31;
	s1 =	sadd.s32 s1, s30  }
0xbb: {  	s0 =	sor.u32 s3, s0;
	s1 =	sshll.u32 s1, $0x11  }
0xbc: {  	s0 =	sor.u32 s1, s0  }
0xbd: {  	s0 =	sadd.s32 $0x8F2B, s0  }
0xbe: {  	[sflag:s0] =	ssyncadd.remote.s32 $0x1  }
0xbf: {  	_ =	sfence.sel $0xFFFF  }
0xc0: {  	[dreg:$0x0] =	wrdreg $0xFFFFFFFF;
	(pc) =	sbr.abs _section_cstart, $3  }
0xc1: {  	[dreg:$0x1] =	wrdreg $0xFFFFFFFF  }
0xc2: {  	_ =	task.clear_ibuf [dreg:s7], $0x2FFFF;
	_ =	strace $0x9FFFFFFF  }
0xc3: {  	(tm) =	ssettm $0x7FFFFFFF  }
tec
execute0_lowered:
.L_overlay_start_1:
0x0: {  	(tag) =	ssettag $0x1  }
0x1: {  	s4 =	rddreg [dreg:$0x0]  }
0x2: {  	s1 =	srdreg.scid;
	s7 =	rddreg [dreg:$0x1]  }
0x3: {  	s0 =	stileid.u32;
	s2 =	rddreg [dreg:$0x2];
	s3 =	simm.s32 $0x0  }
0x4: {  	s12 =	simm.s32 $0x2;
	s13 =	simm.s32 $0x2800;
	s14 =	simm.s32 $0x7D  }
0x5: {  	s15 =	simm.s32 $0x1;
	s19 =	simm.s32 $0x0;
	s6 =	smul.u32 $0x5000, s0  }
0x6: {  	s5 =	sand.u32 $0x1, s1;
	s1 =	rddreg [dreg:$0x3];
	s28 =	smul.u32 $0xA000, s0  }
0x7: {  	[smem:$0x7FF] =	sst s3;
	s10 =	smul.u32 $0x2800, s0;
	s31 =	sshll.u32 s0, $0x6  }
0x8: {  	s8 =	smul.u32 $0x2800, s5;
	_ =	strace $0x80000047;
	s29 =	ssub.s32 $0x2, s5  }
0x9: {  	s9 =	smul.u32 $0x5000, s5;
	s30 =	sshrl.u32 s29, $0x1;
	s17 =	sshrl.u32 s10, $0x3  }
0xa: {  	s18 =	sadd.s32 s10, s2;
	s6 =	sadd.s32 s8, s6;
	s8 =	sshrl.u32 s28, $0x2  }
0xb: {  	s11 =	ssub.s32 s29, s30;
	s16 =	sadd.s32 s7, s9;
	s18 =	sshrl.u32 s18, $0x3  }
0xc: {  	s6 =	sshrl.u32 s6, $0x3;
	s5 =	sadd.s32 s8, s2;
	s7 =	smax.u32 s11, $0x1  }
0xd: {  	s16 =	sadd.s32 s17, s16;
	s17 =	sor.u32 $0x1C02, s31;
	s4 =	sadd.s32 s6, s4  }
0xe: {  	s6 =	sadd.s32 $0x2710, s5;
	s8 =	sadd.s32 $0x7D0, s5;
	s9 =	sadd.s32 $0xFA0, s5  }
0xf: {  	v0 =	vimm.f32 $0.0e+00;
	v1 =	vimm.f32 $1.000000000e+00;
	s10 =	sadd.s32 $0x1770, s5;
	s11 =	sadd.s32 $0x1F40, s5;
	s4 =	sadd.s32 $0x1800, s4  }
.LBB2_1:
0x10: {  	[tilespmem:s3], [sflag:$0x2] =	stream.linear.gather [hbm4b:s4+s3], $0x2800, $0x38;
	[tilespmem:$0x57D0] =	vst v63  }
0x11: {  	_ =	swait.ge [sflag:s12], $0x2800  }
0x12: {  	[sflag:s12] =	ssyncset.done $0x0  }
0x13: {  	s20 =	simm.s32 $0x40;
	s21 =	simm.s32 $0x0;
	[sflag:s12] =	ssyncadd.s32 $0xFFFFD800  }
.LBB2_2:
0x14: {  	p0 =	sne.s32 s20, $0x1F00;
	[tilespmem:s21+$0x2800] =	vst v0;
	s21 =	smov.u32 s20;
	s20 =	sadd.s32 $0x40, s20  }
.Ltmp0:
0x15: {  	(pc) =	sbr.rel @p0 .LBB2_2-.Ltmp0, $2  }
0x16: {  	_ =	sdelay $0x2  }
0x17: {  	s21 =	sshra.s32 s21, $0x2  }
0x18: {  	[tilespmem:s21+$0x2800] =	vst v0  }
0x19: {  	[spmem:s5] =	stream.linear.scatter [tilespmem:s13], [sflag:$0x2], $0x7D0, $0x38;
	[tilespmem:$0x57D0] =	vst v63  }
0x1a: {  	_ =	swait.ge [sflag:s12], $0x7D0  }
0x1b: {  	[sflag:s12] =	ssyncset.done $0x0  }
0x1c: {  	[sflag:s12] =	ssyncadd.s32 $0xFFFFF830  }
0x1d: {  	[spmem:s8] =	stream.linear.scatter [tilespmem:s13], [sflag:$0x2], $0x7D0, $0x38;
	[tilespmem:$0x57D0] =	vst v63  }
0x1e: {  	_ =	swait.ge [sflag:s12], $0x7D0  }
0x1f: {  	[sflag:s12] =	ssyncset.done $0x0  }
0x20: {  	[sflag:s12] =	ssyncadd.s32 $0xFFFFF830  }
0x21: {  	[spmem:s9] =	stream.linear.scatter [tilespmem:s13], [sflag:$0x2], $0x7D0, $0x38;
	[tilespmem:$0x57D0] =	vst v63  }
0x22: {  	_ =	swait.ge [sflag:s12], $0x7D0  }
0x23: {  	[sflag:s12] =	ssyncset.done $0x0  }
0x24: {  	[sflag:s12] =	ssyncadd.s32 $0xFFFFF830  }
0x25: {  	[spmem:s10] =	stream.linear.scatter [tilespmem:s13], [sflag:$0x2], $0x7D0, $0x38;
	[tilespmem:$0x57D0] =	vst v63  }
0x26: {  	_ =	swait.ge [sflag:s12], $0x7D0  }
0x27: {  	[sflag:s12] =	ssyncset.done $0x0  }
0x28: {  	[sflag:s12] =	ssyncadd.s32 $0xFFFFF830  }
0x29: {  	[spmem:s11] =	stream.linear.scatter [tilespmem:s13], [sflag:$0x2], $0x7D0, $0x38;
	[tilespmem:$0x57D0] =	vst v63  }
0x2a: {  	_ =	swait.ge [sflag:s12], $0x7D0  }
0x2b: {  	[sflag:s12] =	ssyncset.done $0x0  }
0x2c: {  	[sflag:s12] =	ssyncadd.s32 $0xFFFFF830  }
0x2d: {  	[spmem:s6] =	stream.linear.scatter [tilespmem:s13], [sflag:$0x2], $0xF0, $0x38;
	[tilespmem:$0x57D0] =	vst v63  }
0x2e: {  	_ =	swait.ge [sflag:s12], $0xF0  }
0x2f: {  	[sflag:s12] =	ssyncset.done $0x0  }
0x30: {  	s20 =	simm.s32 $0x40;
	s21 =	simm.s32 $0x0;
	[sflag:s12] =	ssyncadd.s32 $0xFFFFFF10  }
.LBB2_4:
0x31: {  	p0 =	sne.s32 s20, $0x1F00;
	[tilespmem:s21+$0x2800] =	vst v1;
	s21 =	smov.u32 s20;
	s20 =	sadd.s32 $0x40, s20  }
.Ltmp1:
0x32: {  	(pc) =	sbr.rel @p0 .LBB2_4-.Ltmp1, $2  }
0x33: {  	_ =	sdelay $0x2  }
0x34: {  	s21 =	sshra.s32 s21, $0x2  }
0x35: {  	[tilespmem:s21+$0x2800] =	vst v1  }
0x36: {  	s20 =	simm.s32 $0x0;
	[bflag:$0x0] =	sbarrier.arrive $0xFFFF  }
0x37: {  	[spmem:s2] =	stream.indirect.scatter.add.f32 [tilespmem:s13], [sflag:$0x1], $0x10, s20, s14, $0xb8;
	[tilespmem:$0x57D0] =	vst v63  }
0x38: {  	s24 =	simm.s32 $0x80  }
0x39: {  	[spmem:s2] =	stream.indirect.scatter.add.f32 [tilespmem:s13], [sflag:$0x1], $0x10, s24, s14, $0xb8;
	[tilespmem:$0x57D0] =	vst v63  }
0x3a: {  	s25 =	simm.s32 $0x100  }
0x3b: {  	[spmem:s2] =	stream.indirect.scatter.add.f32 [tilespmem:s13], [sflag:$0x1], $0x10, s25, s14, $0xb8;
	[tilespmem:$0x57D0] =	vst v63  }
0x3c: {  	s26 =	simm.s32 $0x180  }
0x3d: {  	[spmem:s2] =	stream.indirect.scatter.add.f32 [tilespmem:s13], [sflag:$0x1], $0x10, s26, s14, $0xb8;
	[tilespmem:$0x57D0] =	vst v63  }
0x3e: {  	s28 =	simm.s32 $0x200  }
0x3f: {  	[spmem:s2] =	stream.indirect.scatter.add.f32 [tilespmem:s13], [sflag:$0x1], $0x10, s28, s14, $0xb8;
	[tilespmem:$0x57D0] =	vst v63  }
0x40: {  	s29 =	simm.s32 $0x280  }
0x41: {  	[spmem:s2] =	stream.indirect.scatter.add.f32 [tilespmem:s13], [sflag:$0x1], $0x10, s29, s14, $0xb8;
	[tilespmem:$0x57D0] =	vst v63  }
0x42: {  	s30 =	simm.s32 $0x300  }
0x43: {  	[spmem:s2] =	stream.indirect.scatter.add.f32 [tilespmem:s13], [sflag:$0x1], $0x10, s30, s14, $0xb8;
	[tilespmem:$0x57D0] =	vst v63  }
0x44: {  	s31 =	simm.s32 $0x380  }
0x45: {  	[spmem:s2] =	stream.indirect.scatter.add.f32 [tilespmem:s13], [sflag:$0x1], $0x10, s31, s14, $0xb8;
	[tilespmem:$0x57D0] =	vst v63  }
0x46: {  	_ =	swait.ge [sflag:s15], $0x7D0  }
0x47: {  	[sflag:s15] =	ssyncset.done $0x0  }
0x48: {  	[sflag:s15] =	ssyncadd.s32 $0xFFFFF830  }
0x49: {  	_ =	swait.ge [sflag:s15], $0x7D0  }
0x4a: {  	[sflag:s15] =	ssyncset.done $0x0  }
0x4b: {  	[sflag:s15] =	ssyncadd.s32 $0xFFFFF830  }
0x4c: {  	_ =	swait.ge [sflag:s15], $0x7D0  }
0x4d: {  	[sflag:s15] =	ssyncset.done $0x0  }
0x4e: {  	[sflag:s15] =	ssyncadd.s32 $0xFFFFF830  }
0x4f: {  	_ =	swait.ge [sflag:s15], $0x7D0  }
0x50: {  	[sflag:s15] =	ssyncset.done $0x0  }
0x51: {  	[sflag:s15] =	ssyncadd.s32 $0xFFFFF830  }
0x52: {  	_ =	swait.ge [sflag:s15], $0x7D0  }
0x53: {  	[sflag:s15] =	ssyncset.done $0x0  }
0x54: {  	[sflag:s15] =	ssyncadd.s32 $0xFFFFF830  }
0x55: {  	_ =	swait.ge [sflag:s15], $0x7D0  }
0x56: {  	[sflag:s15] =	ssyncset.done $0x0  }
0x57: {  	[sflag:s15] =	ssyncadd.s32 $0xFFFFF830  }
0x58: {  	_ =	swait.ge [sflag:s15], $0x7D0  }
0x59: {  	[sflag:s15] =	ssyncset.done $0x0  }
0x5a: {  	[sflag:s15] =	ssyncadd.s32 $0xFFFFF830  }
0x5b: {  	_ =	swait.ge [sflag:s15], $0x7D0  }
0x5c: {  	s22 =	simm.s32 $0x2000;
	s20 =	simm.s32 $0x1000;
	[sflag:s15] =	ssyncset.done $0x0  }
.LBB2_6:
0x5d: {  	s23 =	sshra.s32 s20, $0x2  }
0x5e: {  	[sflag:s15] =	ssyncadd.s32 $0xFFFFF830;
	s20 =	smov.u32 s22;
	s21 =	sadd.s32 $0x1000, s22  }
0x5f: {  	[spmem:s2] =	stream.indirect.scatter.add.f32 [tilespmem:s13], [sflag:$0x1], $0x10, s23, s14, $0xb8;
	[tilespmem:$0x57D0] =	vst v63  }
0x60: {  	p0 =	sne.s32 s22, $0x9000;
	s22 =	sadd.s32 $0x80, s23  }
0x61: {  	[spmem:s2] =	stream.indirect.scatter.add.f32 [tilespmem:s13], [sflag:$0x1], $0x10, s22, s14, $0xb8;
	[tilespmem:$0x57D0] =	vst v63  }
0x62: {  	s22 =	sadd.s32 $0x100, s23  }
0x63: {  	[spmem:s2] =	stream.indirect.scatter.add.f32 [tilespmem:s13], [sflag:$0x1], $0x10, s22, s14, $0xb8;
	[tilespmem:$0x57D0] =	vst v63  }
0x64: {  	s22 =	sadd.s32 $0x180, s23  }
0x65: {  	[spmem:s2] =	stream.indirect.scatter.add.f32 [tilespmem:s13], [sflag:$0x1], $0x10, s22, s14, $0xb8;
	[tilespmem:$0x57D0] =	vst v63  }
0x66: {  	s22 =	sadd.s32 $0x200, s23  }
0x67: {  	[spmem:s2] =	stream.indirect.scatter.add.f32 [tilespmem:s13], [sflag:$0x1], $0x10, s22, s14, $0xb8;
	[tilespmem:$0x57D0] =	vst v63  }
0x68: {  	s22 =	sadd.s32 $0x280, s23  }
0x69: {  	[spmem:s2] =	stream.indirect.scatter.add.f32 [tilespmem:s13], [sflag:$0x1], $0x10, s22, s14, $0xb8;
	[tilespmem:$0x57D0] =	vst v63  }
0x6a: {  	s22 =	sadd.s32 $0x300, s23  }
0x6b: {  	[spmem:s2] =	stream.indirect.scatter.add.f32 [tilespmem:s13], [sflag:$0x1], $0x10, s22, s14, $0xb8;
	[tilespmem:$0x57D0] =	vst v63  }
0x6c: {  	s22 =	sadd.s32 $0x380, s23  }
0x6d: {  	[spmem:s2] =	stream.indirect.scatter.add.f32 [tilespmem:s13], [sflag:$0x1], $0x10, s22, s14, $0xb8;
	[tilespmem:$0x57D0] =	vst v63  }
0x6e: {  	_ =	swait.ge [sflag:s15], $0x7D0  }
0x6f: {  	[sflag:s15] =	ssyncset.done $0x0  }
0x70: {  	[sflag:s15] =	ssyncadd.s32 $0xFFFFF830  }
0x71: {  	_ =	swait.ge [sflag:s15], $0x7D0  }
0x72: {  	[sflag:s15] =	ssyncset.done $0x0  }
0x73: {  	[sflag:s15] =	ssyncadd.s32 $0xFFFFF830  }
0x74: {  	_ =	swait.ge [sflag:s15], $0x7D0  }
0x75: {  	[sflag:s15] =	ssyncset.done $0x0  }
0x76: {  	[sflag:s15] =	ssyncadd.s32 $0xFFFFF830  }
0x77: {  	_ =	swait.ge [sflag:s15], $0x7D0  }
0x78: {  	[sflag:s15] =	ssyncset.done $0x0  }
0x79: {  	[sflag:s15] =	ssyncadd.s32 $0xFFFFF830  }
0x7a: {  	_ =	swait.ge [sflag:s15], $0x7D0  }
0x7b: {  	[sflag:s15] =	ssyncset.done $0x0  }
0x7c: {  	[sflag:s15] =	ssyncadd.s32 $0xFFFFF830  }
0x7d: {  	_ =	swait.ge [sflag:s15], $0x7D0  }
0x7e: {  	[sflag:s15] =	ssyncset.done $0x0  }
0x7f: {  	[sflag:s15] =	ssyncadd.s32 $0xFFFFF830  }
.Ltmp2:
0x80: {  	_ =	swait.ge [sflag:s15], $0x7D0;
	(pc) =	sbr.rel @p0 .LBB2_6-.Ltmp2, $4  }
0x81: {  	[sflag:s15] =	ssyncset.done $0x0  }
0x82: {  	[sflag:s15] =	ssyncadd.s32 $0xFFFFF830  }
0x83: {  	_ =	swait.ge [sflag:s15], $0x7D0  }
0x84: {  	s22 =	smov.u32 s21;
	[sflag:s15] =	ssyncset.done $0x0  }
0x85: {  	s20 =	sshra.s32 s20, $0x2;
	[sflag:s15] =	ssyncadd.s32 $0xFFFFF830  }
0x86: {  	[spmem:s2] =	stream.indirect.scatter.add.f32 [tilespmem:s13], [sflag:$0x1], $0x10, s20, s14, $0xb8;
	[tilespmem:$0x57D0] =	vst v63  }
0x87: {  	s21 =	sadd.s32 $0x80, s20  }
0x88: {  	[spmem:s2] =	stream.indirect.scatter.add.f32 [tilespmem:s13], [sflag:$0x1], $0x10, s21, s14, $0xb8;
	[tilespmem:$0x57D0] =	vst v63  }
0x89: {  	s26 =	sadd.s32 $0x100, s20  }
0x8a: {  	[spmem:s2] =	stream.indirect.scatter.add.f32 [tilespmem:s13], [sflag:$0x1], $0x10, s26, s14, $0xb8;
	[tilespmem:$0x57D0] =	vst v63  }
0x8b: {  	s28 =	sadd.s32 $0x180, s20  }
0x8c: {  	[spmem:s2] =	stream.indirect.scatter.add.f32 [tilespmem:s13], [sflag:$0x1], $0x10, s28, s14, $0xb8;
	[tilespmem:$0x57D0] =	vst v63  }
0x8d: {  	s29 =	sadd.s32 $0x200, s20  }
0x8e: {  	[spmem:s2] =	stream.indirect.scatter.add.f32 [tilespmem:s13], [sflag:$0x1], $0x10, s29, s14, $0xb8;
	[tilespmem:$0x57D0] =	vst v63  }
0x8f: {  	s30 =	sadd.s32 $0x280, s20  }
0x90: {  	[spmem:s2] =	stream.indirect.scatter.add.f32 [tilespmem:s13], [sflag:$0x1], $0x10, s30, s14, $0xb8;
	[tilespmem:$0x57D0] =	vst v63  }
0x91: {  	s31 =	sadd.s32 $0x300, s20  }
0x92: {  	[spmem:s2] =	stream.indirect.scatter.add.f32 [tilespmem:s13], [sflag:$0x1], $0x10, s31, s14, $0xb8;
	[tilespmem:$0x57D0] =	vst v63  }
0x93: {  	s20 =	sadd.s32 $0x380, s20  }
0x94: {  	[spmem:s2] =	stream.indirect.scatter.add.f32 [tilespmem:s13], [sflag:$0x1], $0x10, s20, s14, $0xb8;
	[tilespmem:$0x57D0] =	vst v63  }
0x95: {  	_ =	swait.ge [sflag:s15], $0x7D0  }
0x96: {  	[sflag:s15] =	ssyncset.done $0x0  }
0x97: {  	[sflag:s15] =	ssyncadd.s32 $0xFFFFF830  }
0x98: {  	_ =	swait.ge [sflag:s15], $0x7D0  }
0x99: {  	[sflag:s15] =	ssyncset.done $0x0  }
0x9a: {  	[sflag:s15] =	ssyncadd.s32 $0xFFFFF830  }
0x9b: {  	_ =	swait.ge [sflag:s15], $0x7D0  }
0x9c: {  	[sflag:s15] =	ssyncset.done $0x0  }
0x9d: {  	[sflag:s15] =	ssyncadd.s32 $0xFFFFF830  }
0x9e: {  	_ =	swait.ge [sflag:s15], $0x7D0  }
0x9f: {  	[sflag:s15] =	ssyncset.done $0x0  }
0xa0: {  	[sflag:s15] =	ssyncadd.s32 $0xFFFFF830  }
0xa1: {  	_ =	swait.ge [sflag:s15], $0x7D0  }
0xa2: {  	[sflag:s15] =	ssyncset.done $0x0  }
0xa3: {  	[sflag:s15] =	ssyncadd.s32 $0xFFFFF830  }
0xa4: {  	_ =	swait.ge [sflag:s15], $0x7D0  }
0xa5: {  	[sflag:s15] =	ssyncset.done $0x0  }
0xa6: {  	[sflag:s15] =	ssyncadd.s32 $0xFFFFF830  }
0xa7: {  	_ =	swait.ge [sflag:s15], $0x7D0  }
0xa8: {  	[sflag:s15] =	ssyncset.done $0x0  }
0xa9: {  	[sflag:s15] =	ssyncadd.s32 $0xFFFFF830  }
0xaa: {  	_ =	swait.ge [sflag:s15], $0x7D0  }
0xab: {  	s19 =	sadd.s32 $0x1, s19;
	[sflag:s15] =	ssyncset.done $0x0  }
0xac: {  	p0 =	sne.s32 s19, s7;
	[sflag:s15] =	ssyncadd.s32 $0xFFFFF830  }
.Ltmp3:
0xad: {  	[bflag:$0x0] =	sbarrier.arrive $0xFFFF;
	(pc) =	sbr.rel @p0 .LBB2_1-.Ltmp3, $4  }
0xae: {  	[hbm:s16], [sflag:s17] =	dma.local [spmem:s18], $0x500  }
0xaf: {  	_ =	swait.ge [sflag:s12], $0x500  }
0xb0: {  	[sflag:s12] =	ssyncset.done $0x0  }
0xb1: {  	[sflag:s12] =	ssyncadd.s32 $0xFFFFFB00  }
0xb2: {  	_ =	sfence.sel $0x180000  }
0xb3: {  	[bflag:$0x0] =	sbarrier.arrive $0xFFFF  }
0xb4: {  	p0 =	sne.s32 s0, $0x0;
	_ =	strace $0x90000047  }
0xb5: {  	s0 =	sadd.s32 @!p0 $0x100000, s1;
	[bflag:$0x2] =	sbarrier.arrive $0xFFFF  }
0xb6: {  	[sflag:s0] =	ssyncadd.tile.s32 @!p0 $0x1;
	_ =	shalt  }
.Lfunc_end2:
_tile_overlayer_lowered:
.L_overlay_start_2:
0xb7: {  	(tag) =	ssettag $0x2  }
0xb8: {  	s0 =	rddreg [dreg:$0x0];
	s2 =	stileid.u32  }
0xb9: {  	s1 =	rddreg [dreg:$0x1];
	p0 =	sne.s32 s2, $0x0  }
0xba: {  	s3 =	rddreg [dreg:$0x2];
	[bflag:$0x3] =	sbarrier.arrive $0xFFFF;
	s2 =	simm.s32 @!p0 $0x1C02  }
0xbb: {  	[timem:s3], [sflag:s2] =	dma.local @!p0 [hbm:s0], s1  }
0xbc: {  	s0 =	simm.s32 @!p0 $0x2  }
0xbd: {  	_ =	swait.ge @!p0 [sflag:s0], s1  }
0xbe: {  	s1 =	ssub.s32 @!p0 $0x0, s1;
	[sflag:s0] =	ssyncset.done @!p0 $0x0  }
0xbf: {  	[sflag:s0] =	ssyncadd.s32 @!p0 s1  }
0xc0: {  	[bflag:$0x3] =	sbarrier.arrive $0xFFFF  }
0xc1: {  	_ =	shalt  }

</sc_bundles>
